<compile_context>
chip_gen: v7x
topology: tpu7x:2x2x1
jax: 0.10.2.dev20260603
libtpu: 0.0.44.dev20260713+nightly
codegen_flags: <defaults>
</compile_context>

<pallas_src>
import functools

import jax
import jax.numpy as jnp
from jax import lax
from jax.experimental import pallas as pl
from jax.experimental.pallas import tpu as pltpu
from jax.experimental.pallas import tpu_sc as plsc

B = 2
N = 8192
M = 8192
K = 32
P = 15
P_PAD = 16
IN_C = 64
OUT_C = 64
SIGMA = 1.0
EPS = 1e-5

Q = B * N
ROWS = Q * K
NW = 32
CHUNKS = 8
QC = Q // CHUNKS
ROWSC = QC * K
RPW = ROWSC // NW
CH = 128
NCH = RPW // CH

BLK = 256
NBLK = QC // BLK



def _sc_gather_body(f_hbm, s_hbm, nb_hbm, fnb_hbm, snb_hbm,
                    idx_v, frows, srows, semf, sems):
    wid = lax.axis_index("s") * 2 + lax.axis_index("c")
    base0 = wid * RPW

    def body(j, carry):
        base = base0 + j * CH
        pltpu.sync_copy(nb_hbm.at[pl.ds(base, CH)], idx_v)
        cf = pltpu.async_copy(f_hbm.at[idx_v], frows, semf)
        cs = pltpu.async_copy(s_hbm.at[idx_v], srows, sems)
        cf.wait()
        cs.wait()
        pltpu.sync_copy(frows, fnb_hbm.at[pl.ds(base, CH)])
        pltpu.sync_copy(srows, snb_hbm.at[pl.ds(base, CH)])
        return carry

    lax.fori_loop(0, NCH, body, 0)


def _make_sc_gather():
    return pl.kernel(
        _sc_gather_body,
        out_type=[jax.ShapeDtypeStruct((ROWSC, IN_C), jnp.float32),
                  jax.ShapeDtypeStruct((ROWSC, 16), jnp.float32)],
        mesh=plsc.VectorSubcoreMesh(core_axis_name="c",
                                    subcore_axis_name="s"),
        scratch_types=[pltpu.VMEM((CH,), jnp.int32),
                       pltpu.VMEM((CH, IN_C), jnp.float32),
                       pltpu.VMEM((CH, 16), jnp.float32),
                       pltpu.SemaphoreType.DMA,
                       pltpu.SemaphoreType.DMA],
        compiler_params=pltpu.CompilerParams(use_tc_tiling_on_sc=False),
    )



def _stage1_kernel(q_ref, snb_ref, fnb_ref, kpt_ref, kpn_ref, exp_ref,
                   w2_ref, bias_ref, conv_ref, sums_ref):
    i = pl.program_id(0)

    qrep = jnp.broadcast_to(q_ref[...][:, None, :],
                            (BLK, K, 16)).reshape(BLK * K, 16)
    d3 = snb_ref[...] - qrep

    cross = jnp.dot(d3, kpt_ref[...],
                    preferred_element_type=jnp.float32)
    nrm = jnp.sum(d3 * d3, axis=1, keepdims=True)
    sq = jnp.maximum(nrm + kpn_ref[0][None, :] - 2.0 * cross, 0.0)
    infl = jnp.maximum(1.0 - jnp.sqrt(sq) / SIGMA, 0.0)

    inflx = jnp.dot(infl, exp_ref[...],
                    preferred_element_type=jnp.float32)
    fnb = fnb_ref[...]
    fnbx = jnp.concatenate([fnb] * P_PAD, axis=1)
    wf = inflx * fnbx
    weighted = jnp.sum(wf.reshape(BLK, K, P_PAD * IN_C), axis=1)

    conv = jnp.dot(weighted, w2_ref[...],
                   preferred_element_type=jnp.float32)

    nsum = jnp.sum(fnb, axis=1)
    valid = (jnp.abs(nsum) > 0.0).astype(jnp.float32).reshape(BLK, K)
    ncount = jnp.maximum(jnp.sum(valid, axis=1), 1.0)
    conv = conv / ncount[:, None] + bias_ref[0][None, :]

    conv_ref[...] = conv

    rows = jnp.stack([jnp.sum(conv, axis=0),
                      jnp.sum(conv * conv, axis=0)], axis=0)
    rows = jnp.concatenate(
        [rows, jnp.zeros((2, 128 - OUT_C), jnp.float32)], axis=1)
    s = jnp.concatenate([rows, jnp.zeros((6, 128), jnp.float32)], axis=0)

    @pl.when(i == 0)
    def _():
        sums_ref[...] = s

    @pl.when(i != 0)
    def _():
        sums_ref[...] += s


def _stage2_kernel(*refs):
    conv_ref = refs[0]
    sums_refs = refs[1:1 + CHUNKS]
    gamma_ref, beta_ref, out_ref = refs[1 + CHUNKS:]
    s0 = sums_refs[0][0, :OUT_C]
    s1 = sums_refs[0][1, :OUT_C]
    for sr in sums_refs[1:]:
        s0 = s0 + sr[0, :OUT_C]
        s1 = s1 + sr[1, :OUT_C]
    mean = s0 / float(Q)
    var = s1 / float(Q) - mean * mean
    inv = lax.rsqrt(var + EPS)
    xn = (conv_ref[...] - mean[None, :]) * inv[None, :]
    xn = xn * gamma_ref[0][None, :] + beta_ref[0][None, :]
    out_ref[...] = jnp.maximum(xn, 0.0)


def kernel(query, support, features, neighbors, kernel_points, weights,
           bias, gamma, beta):
    nb1d = (neighbors.astype(jnp.int32)
            + jnp.arange(B, dtype=jnp.int32)[:, None, None] * M
            ).reshape(ROWS)
    f_flat = features.reshape(B * M, IN_C)
    s_pad = jnp.concatenate(
        [support.reshape(B * M, 3),
         jnp.zeros((B * M, 13), jnp.float32)], axis=1)


    q16 = jnp.concatenate(
        [query.reshape(Q, 3), jnp.zeros((Q, 13), jnp.float32)], axis=1)

    kpt = jnp.zeros((16, 16), dtype=jnp.float32)
    kpt = kpt.at[:3, :P].set(kernel_points.T)
    kpn = jnp.zeros((8, 16), dtype=jnp.float32)
    kpn = kpn.at[0, :P].set(jnp.sum(kernel_points * kernel_points, axis=1))
    expand = jnp.zeros((16, P_PAD * IN_C), dtype=jnp.float32)
    for p in range(P):
        expand = expand.at[p, p * IN_C:(p + 1) * IN_C].set(1.0)

    w2 = jnp.concatenate(
        [weights.reshape(P * IN_C, OUT_C),
         jnp.zeros((IN_C, OUT_C), dtype=jnp.float32)], axis=0)

    bias2 = jnp.zeros((8, OUT_C), dtype=jnp.float32).at[0].set(bias)
    gamma2 = jnp.zeros((8, OUT_C), dtype=jnp.float32).at[0].set(gamma)
    beta2 = jnp.zeros((8, OUT_C), dtype=jnp.float32).at[0].set(beta)

    gather = _make_sc_gather()
    stage1 = pl.pallas_call(
        _stage1_kernel,
        grid=(NBLK,),
        compiler_params=pltpu.CompilerParams(
            vmem_limit_bytes=127 * 1024 * 1024),
        in_specs=[
            pl.BlockSpec((BLK, 16), lambda i: (i, 0)),
            pl.BlockSpec((BLK * K, 16), lambda i: (i, 0)),
            pl.BlockSpec((BLK * K, IN_C), lambda i: (i, 0)),
            pl.BlockSpec((16, 16), lambda i: (0, 0)),
            pl.BlockSpec((8, 16), lambda i: (0, 0)),
            pl.BlockSpec((16, P_PAD * IN_C), lambda i: (0, 0)),
            pl.BlockSpec((P_PAD * IN_C, OUT_C), lambda i: (0, 0)),
            pl.BlockSpec((8, OUT_C), lambda i: (0, 0)),
        ],
        out_specs=[
            pl.BlockSpec((BLK, OUT_C), lambda i: (i, 0)),
            pl.BlockSpec((8, 128), lambda i: (0, 0)),
        ],
        out_shape=[
            jax.ShapeDtypeStruct((QC, OUT_C), jnp.float32),
            jax.ShapeDtypeStruct((8, 128), jnp.float32),
        ],
    )

    convs, sums = [], []
    for h in range(CHUNKS):
        nb_h = lax.slice(nb1d, (h * ROWSC,), ((h + 1) * ROWSC,))
        fnb_h, snb_h = gather(f_flat, s_pad, nb_h)
        q_h = lax.slice(q16, (h * QC, 0), ((h + 1) * QC, 16))
        conv_h, sums_h = stage1(q_h, snb_h, fnb_h, kpt, kpn, expand, w2,
                                bias2)
        convs.append(conv_h)
        sums.append(sums_h)

    stage2 = pl.pallas_call(
        _stage2_kernel,
        grid=(NBLK,),
        in_specs=(
            [pl.BlockSpec((BLK, OUT_C), lambda i: (i, 0))]
            + [pl.BlockSpec((8, 128), lambda i: (0, 0))] * CHUNKS
            + [pl.BlockSpec((8, OUT_C), lambda i: (0, 0))] * 2
        ),
        out_specs=pl.BlockSpec((BLK, OUT_C), lambda i: (i, 0)),
        out_shape=jax.ShapeDtypeStruct((QC, OUT_C), jnp.float32),
    )
    outs = [stage2(c, *sums, gamma2, beta2) for c in convs]
    out = jnp.concatenate(outs, axis=0)

    return out.reshape(B, N, OUT_C)

# --- scband reference (transcript-rebuilt; emitter-appended) ---
"""Pipeline reference for scband-kpconv-block-87239375717066 (READ-ONLY COPY).

The authoritative reference and input builder live on the scoring server;
editing this copy changes nothing except your own understanding.
"""

import jax, jax.numpy as jnp
import numpy as np

B = 2
N = 8192
M = 8192
K = 32
P = 15          # num_kernels (kernel points)
IN_C = 64
OUT_C = 64
RADIUS = 1.0    # 'kernel_size' arg -> KPConv radius
SIGMA = 1.0     # 'influence_radius' arg -> KPConv sigma
EPS = 1e-5


def setup_inputs(seed: int = 0) -> dict:
    key = jax.random.key(seed)
    ks = jax.random.split(key, 8)
    query = jax.random.uniform(ks[0], (B, N, 3), dtype=jnp.float32)
    support = jax.random.uniform(ks[1], (B, M, 3), dtype=jnp.float32)
    features = jax.random.normal(ks[2], (B, M, IN_C), dtype=jnp.float32)
    neighbors = jax.random.randint(ks[3], (B, N, K), 0, M, dtype=jnp.int32)
    # fixed kernel point dispositions inside the radius, first point at origin
    kp = jax.random.normal(ks[4], (P, 3), dtype=jnp.float32)
    kp = kp / (jnp.linalg.norm(kp, axis=1, keepdims=True) + 1e-9)
    scales = jax.random.uniform(ks[5], (P, 1), minval=0.3, maxval=1.0, dtype=jnp.float32)
    kernel_points = (kp * scales * RADIUS).at[0].set(0.0)
    weights = jax.random.normal(ks[6], (P, IN_C, OUT_C), dtype=jnp.float32) * (1.0 / np.sqrt(P * IN_C))
    bias = jnp.zeros((OUT_C,), dtype=jnp.float32)
    gamma = jnp.ones((OUT_C,), dtype=jnp.float32)
    beta = jnp.zeros((OUT_C,), dtype=jnp.float32)
    return {"query": query, "support": support, "features": features,
            "neighbors": neighbors, "kernel_points": kernel_points,
            "weights": weights, "bias": bias, "gamma": gamma, "beta": beta}


def _kpconv_single(q, s, f, nb, kp, W, b):
    # shadow point far away + zero feature row for out-of-range/shadow neighbors
    s_pad = jnp.concatenate([s, jnp.full((1, 3), 1e6, dtype=s.dtype)], axis=0)
    f_pad = jnp.concatenate([f, jnp.zeros((1, f.shape[1]), dtype=f.dtype)], axis=0)
    nbr_pts = s_pad[nb] - q[:, None, :]                      # [N, K, 3]
    diff = nbr_pts[:, :, None, :] - kp[None, None, :, :]     # [N, K, P, 3]
    sq_d = jnp.sum(diff * diff, axis=-1)                     # [N, K, P]
    infl = jnp.clip(1.0 - jnp.sqrt(sq_d) / SIGMA, 0.0, None) # linear kernel influence
    nbr_f = f_pad[nb]                                        # [N, K, Cin]
    weighted = jnp.einsum('nkp,nkc->pnc', infl, nbr_f)       # [P, N, Cin]
    out = jnp.einsum('pnc,pco->no', weighted, W)             # [N, Cout]
    # normalize by number of valid (non-shadow) neighbors
    nsum = jnp.sum(nbr_f, axis=-1)                           # [N, K]
    ncount = jnp.maximum(jnp.sum((jnp.abs(nsum) > 0.0).astype(out.dtype), axis=-1), 1.0)
    return out / ncount[:, None] + b


def reference(query, support, features, neighbors, kernel_points, weights, bias, gamma, beta):
    conv = jax.vmap(lambda q, s, f, nb: _kpconv_single(q, s, f, nb, kernel_points, weights, bias))(
        query, support, features, neighbors)                 # [B, N, Cout]
    # convert_to_feature_order -> BatchNorm1d (training-mode batch stats) -> ReLU -> back
    x = jnp.transpose(conv, (0, 2, 1))                       # [B, C, N]
    mean = jnp.mean(x, axis=(0, 2), keepdims=True)
    var = jnp.var(x, axis=(0, 2), keepdims=True)
    xn = (x - mean) / jnp.sqrt(var + EPS)
    xn = xn * gamma[None, :, None] + beta[None, :, None]
    xn = jax.nn.relu(xn)
    return jnp.transpose(xn, (0, 2, 1))                      # [B, N, Cout]

if __name__ == "__main__":
    import jax
    _d = setup_inputs()
    print(jax.jit(kernel)(*tuple(_d.values())))

</pallas_src>

<mosaic_0001>
#map = affine_map<(d0, d1) -> (0, 0)>
#map1 = affine_map<(d0, d1) -> (0)>
module attributes {stable_mosaic.version = 14 : i64} {
  func.func @_sc_gather_body(%arg0: i32, %arg1: i32, %arg2: memref<16384x64xf32, #tpu.memory_space<hbm>>, %arg3: memref<16384x16xf32, #tpu.memory_space<hbm>>, %arg4: memref<65536xi32, #tpu.memory_space<hbm>>, %arg5: memref<65536x64xf32, #tpu.memory_space<hbm>>, %arg6: memref<65536x16xf32, #tpu.memory_space<hbm>>, %arg7: memref<128xi32, #tpu.memory_space<vmem>>, %arg8: memref<128x64xf32, #tpu.memory_space<vmem>>, %arg9: memref<128x16xf32, #tpu.memory_space<vmem>>, %arg10: memref<!tpu.dma_semaphore, #tpu.memory_space<semaphore_mem>>, %arg11: memref<!tpu.dma_semaphore, #tpu.memory_space<semaphore_mem>>) attributes {dimension_semantics = [#tpu.dimension_semantics<core_parallel>, #tpu.dimension_semantics<subcore_parallel>], iteration_bounds = array<i64: 2, 16>, scalar_prefetch = 0 : i64, scratch_operands = 5 : i64, tpu.core_type = #tpu.core_type<sc_vector_subcore>, window_params = [{transform_indices = #map}, {transform_indices = #map}, {transform_indices = #map1}, {transform_indices = #map}, {transform_indices = #map}]} {
    %mul3A = arith.constant 2 : i32
    %mul3A_0 = arith.muli %arg1, %mul3A : i32
    %add3A = arith.addi %mul3A_0, %arg0 : i32
    %mul3A_1 = arith.constant 2048 : i32
    %mul3A_2 = arith.muli %add3A, %mul3A_1 : i32
    %scan3A = arith.constant 0 : i32
    %scan3A_3 = arith.constant 0 : i32
    %scan3A_4 = arith.constant 16 : i32
    %scan3A_5 = arith.addi %scan3A_3, %scan3A_4 : i32
    %scan3A_6 = arith.constant 1 : i32
    scf.for %scan3A_8 = %scan3A_3 to %scan3A_5 step %scan3A_6  : i32 {
      %mul3A_9 = arith.constant 128 : i32
      %mul3A_10 = arith.muli %scan3A_8, %mul3A_9 : i32
      %add3A_11 = arith.addi %mul3A_2, %mul3A_10 : i32
      "tpu.region"() ({
        %run_scoped3A = tpu.sem_alloc : memref<!tpu.dma_semaphore, #tpu.memory_space<semaphore_mem>>
        %dma_start3A_22 = tpu.memref_slice %arg4[%add3A_11] : memref<65536xi32, #tpu.memory_space<hbm>> -> memref<128xi32, #tpu.memory_space<hbm>>
        %dma_start3A_23 = tpu.memref_slice %arg4[%add3A_11] : memref<65536xi32, #tpu.memory_space<hbm>> -> memref<128xi32, #tpu.memory_space<hbm>>
        tpu.enqueue_dma source(%dma_start3A_23 : memref<128xi32, #tpu.memory_space<hbm>>) target(%arg7 : memref<128xi32, #tpu.memory_space<vmem>>) target_semaphore(%run_scoped3A : memref<!tpu.dma_semaphore, #tpu.memory_space<semaphore_mem>>)
        %dma_wait3A_24 = tpu.memref_slice %arg4[%add3A_11] : memref<65536xi32, #tpu.memory_space<hbm>> -> memref<128xi32, #tpu.memory_space<hbm>>
        %dma_wait3A_25 = tpu.memref_slice %arg4[%add3A_11] : memref<65536xi32, #tpu.memory_space<hbm>> -> memref<128xi32, #tpu.memory_space<hbm>>
        tpu.wait_dma2 semaphore(%run_scoped3A : memref<!tpu.dma_semaphore, #tpu.memory_space<semaphore_mem>>) src(%dma_wait3A_25 : memref<128xi32, #tpu.memory_space<hbm>>) dst(%arg7 : memref<128xi32, #tpu.memory_space<vmem>>)
        tpu.yield
      }) : () -> ()
      %dma_start3A = arith.constant 0 : i32
      %dma_start3A_12 = arith.constant 0 : i32
      %dma_start3A_13 = tpu.memref_slice %arg2[%dma_start3A, %dma_start3A_12] : memref<16384x64xf32, #tpu.memory_space<hbm>> -> memref<16384x64xf32, #tpu.memory_space<hbm>>
      tpu.enqueue_indirect_dma source(%dma_start3A_13 : memref<16384x64xf32, #tpu.memory_space<hbm>>) target(%arg8 : memref<128x64xf32, #tpu.memory_space<vmem>>) offsets(%arg7 : memref<128xi32, #tpu.memory_space<vmem>>) semaphore(%arg10 : memref<!tpu.dma_semaphore, #tpu.memory_space<semaphore_mem>>)
      %dma_start3A_14 = arith.constant 0 : i32
      %dma_start3A_15 = arith.constant 0 : i32
      %dma_start3A_16 = tpu.memref_slice %arg3[%dma_start3A_14, %dma_start3A_15] : memref<16384x16xf32, #tpu.memory_space<hbm>> -> memref<16384x16xf32, #tpu.memory_space<hbm>>
      tpu.enqueue_indirect_dma source(%dma_start3A_16 : memref<16384x16xf32, #tpu.memory_space<hbm>>) target(%arg9 : memref<128x16xf32, #tpu.memory_space<vmem>>) offsets(%arg7 : memref<128xi32, #tpu.memory_space<vmem>>) semaphore(%arg11 : memref<!tpu.dma_semaphore, #tpu.memory_space<semaphore_mem>>)
      %dma_wait3A = arith.constant 0 : i32
      %dma_wait3A_17 = arith.constant 0 : i32
      %dma_wait3A_18 = tpu.memref_slice %arg2[%dma_wait3A, %dma_wait3A_17] : memref<16384x64xf32, #tpu.memory_space<hbm>> -> memref<16384x64xf32, #tpu.memory_space<hbm>>
      tpu.wait_indirect_dma semaphore(%arg10 : memref<!tpu.dma_semaphore, #tpu.memory_space<semaphore_mem>>) src(%dma_wait3A_18 : memref<16384x64xf32, #tpu.memory_space<hbm>>) dst(%arg8 : memref<128x64xf32, #tpu.memory_space<vmem>>)
      %dma_wait3A_19 = arith.constant 0 : i32
      %dma_wait3A_20 = arith.constant 0 : i32
      %dma_wait3A_21 = tpu.memref_slice %arg3[%dma_wait3A_19, %dma_wait3A_20] : memref<16384x16xf32, #tpu.memory_space<hbm>> -> memref<16384x16xf32, #tpu.memory_space<hbm>>
      tpu.wait_indirect_dma semaphore(%arg11 : memref<!tpu.dma_semaphore, #tpu.memory_space<semaphore_mem>>) src(%dma_wait3A_21 : memref<16384x16xf32, #tpu.memory_space<hbm>>) dst(%arg9 : memref<128x16xf32, #tpu.memory_space<vmem>>)
      "tpu.region"() ({
        %run_scoped3A = tpu.sem_alloc : memref<!tpu.dma_semaphore, #tpu.memory_space<semaphore_mem>>
        %dma_start3A_22 = arith.constant 0 : i32
        %dma_start3A_23 = tpu.memref_slice %arg5[%add3A_11, %dma_start3A_22] : memref<65536x64xf32, #tpu.memory_space<hbm>> -> memref<128x64xf32, #tpu.memory_space<hbm>>
        %dma_start3A_24 = arith.constant 0 : i32
        %dma_start3A_25 = tpu.memref_slice %arg5[%add3A_11, %dma_start3A_24] : memref<65536x64xf32, #tpu.memory_space<hbm>> -> memref<128x64xf32, #tpu.memory_space<hbm>>
        tpu.enqueue_dma source(%arg8 : memref<128x64xf32, #tpu.memory_space<vmem>>) target(%dma_start3A_25 : memref<128x64xf32, #tpu.memory_space<hbm>>) target_semaphore(%run_scoped3A : memref<!tpu.dma_semaphore, #tpu.memory_space<semaphore_mem>>)
        %dma_wait3A_26 = arith.constant 0 : i32
        %dma_wait3A_27 = tpu.memref_slice %arg5[%add3A_11, %dma_wait3A_26] : memref<65536x64xf32, #tpu.memory_space<hbm>> -> memref<128x64xf32, #tpu.memory_space<hbm>>
        %dma_wait3A_28 = arith.constant 0 : i32
        %dma_wait3A_29 = tpu.memref_slice %arg5[%add3A_11, %dma_wait3A_28] : memref<65536x64xf32, #tpu.memory_space<hbm>> -> memref<128x64xf32, #tpu.memory_space<hbm>>
        tpu.wait_dma2 semaphore(%run_scoped3A : memref<!tpu.dma_semaphore, #tpu.memory_space<semaphore_mem>>) src(%arg8 : memref<128x64xf32, #tpu.memory_space<vmem>>) dst(%dma_wait3A_29 : memref<128x64xf32, #tpu.memory_space<hbm>>)
        tpu.yield
      }) : () -> ()
      "tpu.region"() ({
        %run_scoped3A = tpu.sem_alloc : memref<!tpu.dma_semaphore, #tpu.memory_space<semaphore_mem>>
        %dma_start3A_22 = arith.constant 0 : i32
        %dma_start3A_23 = tpu.memref_slice %arg6[%add3A_11, %dma_start3A_22] : memref<65536x16xf32, #tpu.memory_space<hbm>> -> memref<128x16xf32, #tpu.memory_space<hbm>>
        %dma_start3A_24 = arith.constant 0 : i32
        %dma_start3A_25 = tpu.memref_slice %arg6[%add3A_11, %dma_start3A_24] : memref<65536x16xf32, #tpu.memory_space<hbm>> -> memref<128x16xf32, #tpu.memory_space<hbm>>
        tpu.enqueue_dma source(%arg9 : memref<128x16xf32, #tpu.memory_space<vmem>>) target(%dma_start3A_25 : memref<128x16xf32, #tpu.memory_space<hbm>>) target_semaphore(%run_scoped3A : memref<!tpu.dma_semaphore, #tpu.memory_space<semaphore_mem>>)
        %dma_wait3A_26 = arith.constant 0 : i32
        %dma_wait3A_27 = tpu.memref_slice %arg6[%add3A_11, %dma_wait3A_26] : memref<65536x16xf32, #tpu.memory_space<hbm>> -> memref<128x16xf32, #tpu.memory_space<hbm>>
        %dma_wait3A_28 = arith.constant 0 : i32
        %dma_wait3A_29 = tpu.memref_slice %arg6[%add3A_11, %dma_wait3A_28] : memref<65536x16xf32, #tpu.memory_space<hbm>> -> memref<128x16xf32, #tpu.memory_space<hbm>>
        tpu.wait_dma2 semaphore(%run_scoped3A : memref<!tpu.dma_semaphore, #tpu.memory_space<semaphore_mem>>) src(%arg9 : memref<128x16xf32, #tpu.memory_space<vmem>>) dst(%dma_wait3A_29 : memref<128x16xf32, #tpu.memory_space<hbm>>)
        tpu.yield
      }) : () -> ()
    }
    %scan3A_7 = arith.constant 16 : i32
    return
  }
}

#map = affine_map<(d0, d1) -> (0, 0)>
#map1 = affine_map<(d0, d1) -> (0)>
module attributes {stable_mosaic.version = 14 : i64} {
  func.func @_sc_gather_body(%arg0: i32, %arg1: i32, %arg2: memref<16384x64xf32, #tpu.memory_space<hbm>>, %arg3: memref<16384x16xf32, #tpu.memory_space<hbm>>, %arg4: memref<65536xi32, #tpu.memory_space<hbm>>, %arg5: memref<65536x64xf32, #tpu.memory_space<hbm>>, %arg6: memref<65536x16xf32, #tpu.memory_space<hbm>>, %arg7: memref<128xi32, #tpu.memory_space<vmem>>, %arg8: memref<128x64xf32, #tpu.memory_space<vmem>>, %arg9: memref<128x16xf32, #tpu.memory_space<vmem>>, %arg10: memref<!tpu.dma_semaphore, #tpu.memory_space<semaphore_mem>>, %arg11: memref<!tpu.dma_semaphore, #tpu.memory_space<semaphore_mem>>) attributes {dimension_semantics = [#tpu.dimension_semantics<core_parallel>, #tpu.dimension_semantics<subcore_parallel>], iteration_bounds = array<i64: 2, 16>, scalar_prefetch = 0 : i64, scratch_operands = 5 : i64, tpu.core_type = #tpu.core_type<sc_vector_subcore>, window_params = [{transform_indices = #map}, {transform_indices = #map}, {transform_indices = #map1}, {transform_indices = #map}, {transform_indices = #map}]} {
    %mul3A = arith.constant 2 : i32
    %mul3A_0 = arith.muli %arg1, %mul3A : i32
    %add3A = arith.addi %mul3A_0, %arg0 : i32
    %mul3A_1 = arith.constant 2048 : i32
    %mul3A_2 = arith.muli %add3A, %mul3A_1 : i32
    %scan3A = arith.constant 0 : i32
    %scan3A_3 = arith.constant 0 : i32
    %scan3A_4 = arith.constant 16 : i32
    %scan3A_5 = arith.addi %scan3A_3, %scan3A_4 : i32
    %scan3A_6 = arith.constant 1 : i32
    scf.for %scan3A_8 = %scan3A_3 to %scan3A_5 step %scan3A_6  : i32 {
      %mul3A_9 = arith.constant 128 : i32
      %mul3A_10 = arith.muli %scan3A_8, %mul3A_9 : i32
      %add3A_11 = arith.addi %mul3A_2, %mul3A_10 : i32
      "tpu.region"() ({
        %run_scoped3A = tpu.sem_alloc : memref<!tpu.dma_semaphore, #tpu.memory_space<semaphore_mem>>
        %dma_start3A_22 = tpu.memref_slice %arg4[%add3A_11] : memref<65536xi32, #tpu.memory_space<hbm>> -> memref<128xi32, #tpu.memory_space<hbm>>
        %dma_start3A_23 = tpu.memref_slice %arg4[%add3A_11] : memref<65536xi32, #tpu.memory_space<hbm>> -> memref<128xi32, #tpu.memory_space<hbm>>
        tpu.enqueue_dma source(%dma_start3A_23 : memref<128xi32, #tpu.memory_space<hbm>>) target(%arg7 : memref<128xi32, #tpu.memory_space<vmem>>) target_semaphore(%run_scoped3A : memref<!tpu.dma_semaphore, #tpu.memory_space<semaphore_mem>>)
        %dma_wait3A_24 = tpu.memref_slice %arg4[%add3A_11] : memref<65536xi32, #tpu.memory_space<hbm>> -> memref<128xi32, #tpu.memory_space<hbm>>
        %dma_wait3A_25 = tpu.memref_slice %arg4[%add3A_11] : memref<65536xi32, #tpu.memory_space<hbm>> -> memref<128xi32, #tpu.memory_space<hbm>>
        tpu.wait_dma2 semaphore(%run_scoped3A : memref<!tpu.dma_semaphore, #tpu.memory_space<semaphore_mem>>) src(%dma_wait3A_25 : memref<128xi32, #tpu.memory_space<hbm>>) dst(%arg7 : memref<128xi32, #tpu.memory_space<vmem>>)
        tpu.yield
      }) : () -> ()
      %dma_start3A = arith.constant 0 : i32
      %dma_start3A_12 = arith.constant 0 : i32
      %dma_start3A_13 = tpu.memref_slice %arg2[%dma_start3A, %dma_start3A_12] : memref<16384x64xf32, #tpu.memory_space<hbm>> -> memref<16384x64xf32, #tpu.memory_space<hbm>>
      tpu.enqueue_indirect_dma source(%dma_start3A_13 : memref<16384x64xf32, #tpu.memory_space<hbm>>) target(%arg8 : memref<128x64xf32, #tpu.memory_space<vmem>>) offsets(%arg7 : memref<128xi32, #tpu.memory_space<vmem>>) semaphore(%arg10 : memref<!tpu.dma_semaphore, #tpu.memory_space<semaphore_mem>>)
      %dma_start3A_14 = arith.constant 0 : i32
      %dma_start3A_15 = arith.constant 0 : i32
      %dma_start3A_16 = tpu.memref_slice %arg3[%dma_start3A_14, %dma_start3A_15] : memref<16384x16xf32, #tpu.memory_space<hbm>> -> memref<16384x16xf32, #tpu.memory_space<hbm>>
      tpu.enqueue_indirect_dma source(%dma_start3A_16 : memref<16384x16xf32, #tpu.memory_space<hbm>>) target(%arg9 : memref<128x16xf32, #tpu.memory_space<vmem>>) offsets(%arg7 : memref<128xi32, #tpu.memory_space<vmem>>) semaphore(%arg11 : memref<!tpu.dma_semaphore, #tpu.memory_space<semaphore_mem>>)
      %dma_wait3A = arith.constant 0 : i32
      %dma_wait3A_17 = arith.constant 0 : i32
      %dma_wait3A_18 = tpu.memref_slice %arg2[%dma_wait3A, %dma_wait3A_17] : memref<16384x64xf32, #tpu.memory_space<hbm>> -> memref<16384x64xf32, #tpu.memory_space<hbm>>
      tpu.wait_indirect_dma semaphore(%arg10 : memref<!tpu.dma_semaphore, #tpu.memory_space<semaphore_mem>>) src(%dma_wait3A_18 : memref<16384x64xf32, #tpu.memory_space<hbm>>) dst(%arg8 : memref<128x64xf32, #tpu.memory_space<vmem>>)
      %dma_wait3A_19 = arith.constant 0 : i32
      %dma_wait3A_20 = arith.constant 0 : i32
      %dma_wait3A_21 = tpu.memref_slice %arg3[%dma_wait3A_19, %dma_wait3A_20] : memref<16384x16xf32, #tpu.memory_space<hbm>> -> memref<16384x16xf32, #tpu.memory_space<hbm>>
      tpu.wait_indirect_dma semaphore(%arg11 : memref<!tpu.dma_semaphore, #tpu.memory_space<semaphore_mem>>) src(%dma_wait3A_21 : memref<16384x16xf32, #tpu.memory_space<hbm>>) dst(%arg9 : memref<128x16xf32, #tpu.memory_space<vmem>>)
      "tpu.region"() ({
        %run_scoped3A = tpu.sem_alloc : memref<!tpu.dma_semaphore, #tpu.memory_space<semaphore_mem>>
        %dma_start3A_22 = arith.constant 0 : i32
        %dma_start3A_23 = tpu.memref_slice %arg5[%add3A_11, %dma_start3A_22] : memref<65536x64xf32, #tpu.memory_space<hbm>> -> memref<128x64xf32, #tpu.memory_space<hbm>>
        %dma_start3A_24 = arith.constant 0 : i32
        %dma_start3A_25 = tpu.memref_slice %arg5[%add3A_11, %dma_start3A_24] : memref<65536x64xf32, #tpu.memory_space<hbm>> -> memref<128x64xf32, #tpu.memory_space<hbm>>
        tpu.enqueue_dma source(%arg8 : memref<128x64xf32, #tpu.memory_space<vmem>>) target(%dma_start3A_25 : memref<128x64xf32, #tpu.memory_space<hbm>>) target_semaphore(%run_scoped3A : memref<!tpu.dma_semaphore, #tpu.memory_space<semaphore_mem>>)
        %dma_wait3A_26 = arith.constant 0 : i32
        %dma_wait3A_27 = tpu.memref_slice %arg5[%add3A_11, %dma_wait3A_26] : memref<65536x64xf32, #tpu.memory_space<hbm>> -> memref<128x64xf32, #tpu.memory_space<hbm>>
        %dma_wait3A_28 = arith.constant 0 : i32
        %dma_wait3A_29 = tpu.memref_slice %arg5[%add3A_11, %dma_wait3A_28] : memref<65536x64xf32, #tpu.memory_space<hbm>> -> memref<128x64xf32, #tpu.memory_space<hbm>>
        tpu.wait_dma2 semaphore(%run_scoped3A : memref<!tpu.dma_semaphore, #tpu.memory_space<semaphore_mem>>) src(%arg8 : memref<128x64xf32, #tpu.memory_space<vmem>>) dst(%dma_wait3A_29 : memref<128x64xf32, #tpu.memory_space<hbm>>)
        tpu.yield
      }) : () -> ()
      "tpu.region"() ({
        %run_scoped3A = tpu.sem_alloc : memref<!tpu.dma_semaphore, #tpu.memory_space<semaphore_mem>>
        %dma_start3A_22 = arith.constant 0 : i32
        %dma_start3A_23 = tpu.memref_slice %arg6[%add3A_11, %dma_start3A_22] : memref<65536x16xf32, #tpu.memory_space<hbm>> -> memref<128x16xf32, #tpu.memory_space<hbm>>
        %dma_start3A_24 = arith.constant 0 : i32
        %dma_start3A_25 = tpu.memref_slice %arg6[%add3A_11, %dma_start3A_24] : memref<65536x16xf32, #tpu.memory_space<hbm>> -> memref<128x16xf32, #tpu.memory_space<hbm>>
        tpu.enqueue_dma source(%arg9 : memref<128x16xf32, #tpu.memory_space<vmem>>) target(%dma_start3A_25 : memref<128x16xf32, #tpu.memory_space<hbm>>) target_semaphore(%run_scoped3A : memref<!tpu.dma_semaphore, #tpu.memory_space<semaphore_mem>>)
        %dma_wait3A_26 = arith.constant 0 : i32
        %dma_wait3A_27 = tpu.memref_slice %arg6[%add3A_11, %dma_wait3A_26] : memref<65536x16xf32, #tpu.memory_space<hbm>> -> memref<128x16xf32, #tpu.memory_space<hbm>>
        %dma_wait3A_28 = arith.constant 0 : i32
        %dma_wait3A_29 = tpu.memref_slice %arg6[%add3A_11, %dma_wait3A_28] : memref<65536x16xf32, #tpu.memory_space<hbm>> -> memref<128x16xf32, #tpu.memory_space<hbm>>
        tpu.wait_dma2 semaphore(%run_scoped3A : memref<!tpu.dma_semaphore, #tpu.memory_space<semaphore_mem>>) src(%arg9 : memref<128x16xf32, #tpu.memory_space<vmem>>) dst(%dma_wait3A_29 : memref<128x16xf32, #tpu.memory_space<hbm>>)
        tpu.yield
      }) : () -> ()
    }
    %scan3A_7 = arith.constant 16 : i32
    return
  }
}

#map = affine_map<(d0, d1) -> (0, 0)>
#map1 = affine_map<(d0, d1) -> (0)>
module attributes {stable_mosaic.version = 14 : i64} {
  func.func @_sc_gather_body(%arg0: i32, %arg1: i32, %arg2: memref<16384x64xf32, #tpu.memory_space<hbm>>, %arg3: memref<16384x16xf32, #tpu.memory_space<hbm>>, %arg4: memref<65536xi32, #tpu.memory_space<hbm>>, %arg5: memref<65536x64xf32, #tpu.memory_space<hbm>>, %arg6: memref<65536x16xf32, #tpu.memory_space<hbm>>, %arg7: memref<128xi32, #tpu.memory_space<vmem>>, %arg8: memref<128x64xf32, #tpu.memory_space<vmem>>, %arg9: memref<128x16xf32, #tpu.memory_space<vmem>>, %arg10: memref<!tpu.dma_semaphore, #tpu.memory_space<semaphore_mem>>, %arg11: memref<!tpu.dma_semaphore, #tpu.memory_space<semaphore_mem>>) attributes {dimension_semantics = [#tpu.dimension_semantics<core_parallel>, #tpu.dimension_semantics<subcore_parallel>], iteration_bounds = array<i64: 2, 16>, scalar_prefetch = 0 : i64, scratch_operands = 5 : i64, tpu.core_type = #tpu.core_type<sc_vector_subcore>, window_params = [{transform_indices = #map}, {transform_indices = #map}, {transform_indices = #map1}, {transform_indices = #map}, {transform_indices = #map}]} {
    %mul3A = arith.constant 2 : i32
    %mul3A_0 = arith.muli %arg1, %mul3A : i32
    %add3A = arith.addi %mul3A_0, %arg0 : i32
    %mul3A_1 = arith.constant 2048 : i32
    %mul3A_2 = arith.muli %add3A, %mul3A_1 : i32
    %scan3A = arith.constant 0 : i32
    %scan3A_3 = arith.constant 0 : i32
    %scan3A_4 = arith.constant 16 : i32
    %scan3A_5 = arith.addi %scan3A_3, %scan3A_4 : i32
    %scan3A_6 = arith.constant 1 : i32
    scf.for %scan3A_8 = %scan3A_3 to %scan3A_5 step %scan3A_6  : i32 {
      %mul3A_9 = arith.constant 128 : i32
      %mul3A_10 = arith.muli %scan3A_8, %mul3A_9 : i32
      %add3A_11 = arith.addi %mul3A_2, %mul3A_10 : i32
      "tpu.region"() ({
        %run_scoped3A = tpu.sem_alloc : memref<!tpu.dma_semaphore, #tpu.memory_space<semaphore_mem>>
        %dma_start3A_22 = tpu.memref_slice %arg4[%add3A_11] : memref<65536xi32, #tpu.memory_space<hbm>> -> memref<128xi32, #tpu.memory_space<hbm>>
        %dma_start3A_23 = tpu.memref_slice %arg4[%add3A_11] : memref<65536xi32, #tpu.memory_space<hbm>> -> memref<128xi32, #tpu.memory_space<hbm>>
        tpu.enqueue_dma source(%dma_start3A_23 : memref<128xi32, #tpu.memory_space<hbm>>) target(%arg7 : memref<128xi32, #tpu.memory_space<vmem>>) target_semaphore(%run_scoped3A : memref<!tpu.dma_semaphore, #tpu.memory_space<semaphore_mem>>)
        %dma_wait3A_24 = tpu.memref_slice %arg4[%add3A_11] : memref<65536xi32, #tpu.memory_space<hbm>> -> memref<128xi32, #tpu.memory_space<hbm>>
        %dma_wait3A_25 = tpu.memref_slice %arg4[%add3A_11] : memref<65536xi32, #tpu.memory_space<hbm>> -> memref<128xi32, #tpu.memory_space<hbm>>
        tpu.wait_dma2 semaphore(%run_scoped3A : memref<!tpu.dma_semaphore, #tpu.memory_space<semaphore_mem>>) src(%dma_wait3A_25 : memref<128xi32, #tpu.memory_space<hbm>>) dst(%arg7 : memref<128xi32, #tpu.memory_space<vmem>>)
        tpu.yield
      }) : () -> ()
      %dma_start3A = arith.constant 0 : i32
      %dma_start3A_12 = arith.constant 0 : i32
      %dma_start3A_13 = tpu.memref_slice %arg2[%dma_start3A, %dma_start3A_12] : memref<16384x64xf32, #tpu.memory_space<hbm>> -> memref<16384x64xf32, #tpu.memory_space<hbm>>
      tpu.enqueue_indirect_dma source(%dma_start3A_13 : memref<16384x64xf32, #tpu.memory_space<hbm>>) target(%arg8 : memref<128x64xf32, #tpu.memory_space<vmem>>) offsets(%arg7 : memref<128xi32, #tpu.memory_space<vmem>>) semaphore(%arg10 : memref<!tpu.dma_semaphore, #tpu.memory_space<semaphore_mem>>)
      %dma_start3A_14 = arith.constant 0 : i32
      %dma_start3A_15 = arith.constant 0 : i32
      %dma_start3A_16 = tpu.memref_slice %arg3[%dma_start3A_14, %dma_start3A_15] : memref<16384x16xf32, #tpu.memory_space<hbm>> -> memref<16384x16xf32, #tpu.memory_space<hbm>>
      tpu.enqueue_indirect_dma source(%dma_start3A_16 : memref<16384x16xf32, #tpu.memory_space<hbm>>) target(%arg9 : memref<128x16xf32, #tpu.memory_space<vmem>>) offsets(%arg7 : memref<128xi32, #tpu.memory_space<vmem>>) semaphore(%arg11 : memref<!tpu.dma_semaphore, #tpu.memory_space<semaphore_mem>>)
      %dma_wait3A = arith.constant 0 : i32
      %dma_wait3A_17 = arith.constant 0 : i32
      %dma_wait3A_18 = tpu.memref_slice %arg2[%dma_wait3A, %dma_wait3A_17] : memref<16384x64xf32, #tpu.memory_space<hbm>> -> memref<16384x64xf32, #tpu.memory_space<hbm>>
      tpu.wait_indirect_dma semaphore(%arg10 : memref<!tpu.dma_semaphore, #tpu.memory_space<semaphore_mem>>) src(%dma_wait3A_18 : memref<16384x64xf32, #tpu.memory_space<hbm>>) dst(%arg8 : memref<128x64xf32, #tpu.memory_space<vmem>>)
      %dma_wait3A_19 = arith.constant 0 : i32
      %dma_wait3A_20 = arith.constant 0 : i32
      %dma_wait3A_21 = tpu.memref_slice %arg3[%dma_wait3A_19, %dma_wait3A_20] : memref<16384x16xf32, #tpu.memory_space<hbm>> -> memref<16384x16xf32, #tpu.memory_space<hbm>>
      tpu.wait_indirect_dma semaphore(%arg11 : memref<!tpu.dma_semaphore, #tpu.memory_space<semaphore_mem>>) src(%dma_wait3A_21 : memref<16384x16xf32, #tpu.memory_space<hbm>>) dst(%arg9 : memref<128x16xf32, #tpu.memory_space<vmem>>)
      "tpu.region"() ({
        %run_scoped3A = tpu.sem_alloc : memref<!tpu.dma_semaphore, #tpu.memory_space<semaphore_mem>>
        %dma_start3A_22 = arith.constant 0 : i32
        %dma_start3A_23 = tpu.memref_slice %arg5[%add3A_11, %dma_start3A_22] : memref<65536x64xf32, #tpu.memory_space<hbm>> -> memref<128x64xf32, #tpu.memory_space<hbm>>
        %dma_start3A_24 = arith.constant 0 : i32
        %dma_start3A_25 = tpu.memref_slice %arg5[%add3A_11, %dma_start3A_24] : memref<65536x64xf32, #tpu.memory_space<hbm>> -> memref<128x64xf32, #tpu.memory_space<hbm>>
        tpu.enqueue_dma source(%arg8 : memref<128x64xf32, #tpu.memory_space<vmem>>) target(%dma_start3A_25 : memref<128x64xf32, #tpu.memory_space<hbm>>) target_semaphore(%run_scoped3A : memref<!tpu.dma_semaphore, #tpu.memory_space<semaphore_mem>>)
        %dma_wait3A_26 = arith.constant 0 : i32
        %dma_wait3A_27 = tpu.memref_slice %arg5[%add3A_11, %dma_wait3A_26] : memref<65536x64xf32, #tpu.memory_space<hbm>> -> memref<128x64xf32, #tpu.memory_space<hbm>>
        %dma_wait3A_28 = arith.constant 0 : i32
        %dma_wait3A_29 = tpu.memref_slice %arg5[%add3A_11, %dma_wait3A_28] : memref<65536x64xf32, #tpu.memory_space<hbm>> -> memref<128x64xf32, #tpu.memory_space<hbm>>
        tpu.wait_dma2 semaphore(%run_scoped3A : memref<!tpu.dma_semaphore, #tpu.memory_space<semaphore_mem>>) src(%arg8 : memref<128x64xf32, #tpu.memory_space<vmem>>) dst(%dma_wait3A_29 : memref<128x64xf32, #tpu.memory_space<hbm>>)
        tpu.yield
      }) : () -> ()
      "tpu.region"() ({
        %run_scoped3A = tpu.sem_alloc : memref<!tpu.dma_semaphore, #tpu.memory_space<semaphore_mem>>
        %dma_start3A_22 = arith.constant 0 : i32
        %dma_start3A_23 = tpu.memref_slice %arg6[%add3A_11, %dma_start3A_22] : memref<65536x16xf32, #tpu.memory_space<hbm>> -> memref<128x16xf32, #tpu.memory_space<hbm>>
        %dma_start3A_24 = arith.constant 0 : i32
        %dma_start3A_25 = tpu.memref_slice %arg6[%add3A_11, %dma_start3A_24] : memref<65536x16xf32, #tpu.memory_space<hbm>> -> memref<128x16xf32, #tpu.memory_space<hbm>>
        tpu.enqueue_dma source(%arg9 : memref<128x16xf32, #tpu.memory_space<vmem>>) target(%dma_start3A_25 : memref<128x16xf32, #tpu.memory_space<hbm>>) target_semaphore(%run_scoped3A : memref<!tpu.dma_semaphore, #tpu.memory_space<semaphore_mem>>)
        %dma_wait3A_26 = arith.constant 0 : i32
        %dma_wait3A_27 = tpu.memref_slice %arg6[%add3A_11, %dma_wait3A_26] : memref<65536x16xf32, #tpu.memory_space<hbm>> -> memref<128x16xf32, #tpu.memory_space<hbm>>
        %dma_wait3A_28 = arith.constant 0 : i32
        %dma_wait3A_29 = tpu.memref_slice %arg6[%add3A_11, %dma_wait3A_28] : memref<65536x16xf32, #tpu.memory_space<hbm>> -> memref<128x16xf32, #tpu.memory_space<hbm>>
        tpu.wait_dma2 semaphore(%run_scoped3A : memref<!tpu.dma_semaphore, #tpu.memory_space<semaphore_mem>>) src(%arg9 : memref<128x16xf32, #tpu.memory_space<vmem>>) dst(%dma_wait3A_29 : memref<128x16xf32, #tpu.memory_space<hbm>>)
        tpu.yield
      }) : () -> ()
    }
    %scan3A_7 = arith.constant 16 : i32
    return
  }
}

#map = affine_map<(d0, d1) -> (0, 0)>
#map1 = affine_map<(d0, d1) -> (0)>
module attributes {stable_mosaic.version = 14 : i64} {
  func.func @_sc_gather_body(%arg0: i32, %arg1: i32, %arg2: memref<16384x64xf32, #tpu.memory_space<hbm>>, %arg3: memref<16384x16xf32, #tpu.memory_space<hbm>>, %arg4: memref<65536xi32, #tpu.memory_space<hbm>>, %arg5: memref<65536x64xf32, #tpu.memory_space<hbm>>, %arg6: memref<65536x16xf32, #tpu.memory_space<hbm>>, %arg7: memref<128xi32, #tpu.memory_space<vmem>>, %arg8: memref<128x64xf32, #tpu.memory_space<vmem>>, %arg9: memref<128x16xf32, #tpu.memory_space<vmem>>, %arg10: memref<!tpu.dma_semaphore, #tpu.memory_space<semaphore_mem>>, %arg11: memref<!tpu.dma_semaphore, #tpu.memory_space<semaphore_mem>>) attributes {dimension_semantics = [#tpu.dimension_semantics<core_parallel>, #tpu.dimension_semantics<subcore_parallel>], iteration_bounds = array<i64: 2, 16>, scalar_prefetch = 0 : i64, scratch_operands = 5 : i64, tpu.core_type = #tpu.core_type<sc_vector_subcore>, window_params = [{transform_indices = #map}, {transform_indices = #map}, {transform_indices = #map1}, {transform_indices = #map}, {transform_indices = #map}]} {
    %mul3A = arith.constant 2 : i32
    %mul3A_0 = arith.muli %arg1, %mul3A : i32
    %add3A = arith.addi %mul3A_0, %arg0 : i32
    %mul3A_1 = arith.constant 2048 : i32
    %mul3A_2 = arith.muli %add3A, %mul3A_1 : i32
    %scan3A = arith.constant 0 : i32
    %scan3A_3 = arith.constant 0 : i32
    %scan3A_4 = arith.constant 16 : i32
    %scan3A_5 = arith.addi %scan3A_3, %scan3A_4 : i32
    %scan3A_6 = arith.constant 1 : i32
    scf.for %scan3A_8 = %scan3A_3 to %scan3A_5 step %scan3A_6  : i32 {
      %mul3A_9 = arith.constant 128 : i32
      %mul3A_10 = arith.muli %scan3A_8, %mul3A_9 : i32
      %add3A_11 = arith.addi %mul3A_2, %mul3A_10 : i32
      "tpu.region"() ({
        %run_scoped3A = tpu.sem_alloc : memref<!tpu.dma_semaphore, #tpu.memory_space<semaphore_mem>>
        %dma_start3A_22 = tpu.memref_slice %arg4[%add3A_11] : memref<65536xi32, #tpu.memory_space<hbm>> -> memref<128xi32, #tpu.memory_space<hbm>>
        %dma_start3A_23 = tpu.memref_slice %arg4[%add3A_11] : memref<65536xi32, #tpu.memory_space<hbm>> -> memref<128xi32, #tpu.memory_space<hbm>>
        tpu.enqueue_dma source(%dma_start3A_23 : memref<128xi32, #tpu.memory_space<hbm>>) target(%arg7 : memref<128xi32, #tpu.memory_space<vmem>>) target_semaphore(%run_scoped3A : memref<!tpu.dma_semaphore, #tpu.memory_space<semaphore_mem>>)
        %dma_wait3A_24 = tpu.memref_slice %arg4[%add3A_11] : memref<65536xi32, #tpu.memory_space<hbm>> -> memref<128xi32, #tpu.memory_space<hbm>>
        %dma_wait3A_25 = tpu.memref_slice %arg4[%add3A_11] : memref<65536xi32, #tpu.memory_space<hbm>> -> memref<128xi32, #tpu.memory_space<hbm>>
        tpu.wait_dma2 semaphore(%run_scoped3A : memref<!tpu.dma_semaphore, #tpu.memory_space<semaphore_mem>>) src(%dma_wait3A_25 : memref<128xi32, #tpu.memory_space<hbm>>) dst(%arg7 : memref<128xi32, #tpu.memory_space<vmem>>)
        tpu.yield
      }) : () -> ()
      %dma_start3A = arith.constant 0 : i32
      %dma_start3A_12 = arith.constant 0 : i32
      %dma_start3A_13 = tpu.memref_slice %arg2[%dma_start3A, %dma_start3A_12] : memref<16384x64xf32, #tpu.memory_space<hbm>> -> memref<16384x64xf32, #tpu.memory_space<hbm>>
      tpu.enqueue_indirect_dma source(%dma_start3A_13 : memref<16384x64xf32, #tpu.memory_space<hbm>>) target(%arg8 : memref<128x64xf32, #tpu.memory_space<vmem>>) offsets(%arg7 : memref<128xi32, #tpu.memory_space<vmem>>) semaphore(%arg10 : memref<!tpu.dma_semaphore, #tpu.memory_space<semaphore_mem>>)
      %dma_start3A_14 = arith.constant 0 : i32
      %dma_start3A_15 = arith.constant 0 : i32
      %dma_start3A_16 = tpu.memref_slice %arg3[%dma_start3A_14, %dma_start3A_15] : memref<16384x16xf32, #tpu.memory_space<hbm>> -> memref<16384x16xf32, #tpu.memory_space<hbm>>
      tpu.enqueue_indirect_dma source(%dma_start3A_16 : memref<16384x16xf32, #tpu.memory_space<hbm>>) target(%arg9 : memref<128x16xf32, #tpu.memory_space<vmem>>) offsets(%arg7 : memref<128xi32, #tpu.memory_space<vmem>>) semaphore(%arg11 : memref<!tpu.dma_semaphore, #tpu.memory_space<semaphore_mem>>)
      %dma_wait3A = arith.constant 0 : i32
      %dma_wait3A_17 = arith.constant 0 : i32
      %dma_wait3A_18 = tpu.memref_slice %arg2[%dma_wait3A, %dma_wait3A_17] : memref<16384x64xf32, #tpu.memory_space<hbm>> -> memref<16384x64xf32, #tpu.memory_space<hbm>>
      tpu.wait_indirect_dma semaphore(%arg10 : memref<!tpu.dma_semaphore, #tpu.memory_space<semaphore_mem>>) src(%dma_wait3A_18 : memref<16384x64xf32, #tpu.memory_space<hbm>>) dst(%arg8 : memref<128x64xf32, #tpu.memory_space<vmem>>)
      %dma_wait3A_19 = arith.constant 0 : i32
      %dma_wait3A_20 = arith.constant 0 : i32
      %dma_wait3A_21 = tpu.memref_slice %arg3[%dma_wait3A_19, %dma_wait3A_20] : memref<16384x16xf32, #tpu.memory_space<hbm>> -> memref<16384x16xf32, #tpu.memory_space<hbm>>
      tpu.wait_indirect_dma semaphore(%arg11 : memref<!tpu.dma_semaphore, #tpu.memory_space<semaphore_mem>>) src(%dma_wait3A_21 : memref<16384x16xf32, #tpu.memory_space<hbm>>) dst(%arg9 : memref<128x16xf32, #tpu.memory_space<vmem>>)
      "tpu.region"() ({
        %run_scoped3A = tpu.sem_alloc : memref<!tpu.dma_semaphore, #tpu.memory_space<semaphore_mem>>
        %dma_start3A_22 = arith.constant 0 : i32
        %dma_start3A_23 = tpu.memref_slice %arg5[%add3A_11, %dma_start3A_22] : memref<65536x64xf32, #tpu.memory_space<hbm>> -> memref<128x64xf32, #tpu.memory_space<hbm>>
        %dma_start3A_24 = arith.constant 0 : i32
        %dma_start3A_25 = tpu.memref_slice %arg5[%add3A_11, %dma_start3A_24] : memref<65536x64xf32, #tpu.memory_space<hbm>> -> memref<128x64xf32, #tpu.memory_space<hbm>>
        tpu.enqueue_dma source(%arg8 : memref<128x64xf32, #tpu.memory_space<vmem>>) target(%dma_start3A_25 : memref<128x64xf32, #tpu.memory_space<hbm>>) target_semaphore(%run_scoped3A : memref<!tpu.dma_semaphore, #tpu.memory_space<semaphore_mem>>)
        %dma_wait3A_26 = arith.constant 0 : i32
        %dma_wait3A_27 = tpu.memref_slice %arg5[%add3A_11, %dma_wait3A_26] : memref<65536x64xf32, #tpu.memory_space<hbm>> -> memref<128x64xf32, #tpu.memory_space<hbm>>
        %dma_wait3A_28 = arith.constant 0 : i32
        %dma_wait3A_29 = tpu.memref_slice %arg5[%add3A_11, %dma_wait3A_28] : memref<65536x64xf32, #tpu.memory_space<hbm>> -> memref<128x64xf32, #tpu.memory_space<hbm>>
        tpu.wait_dma2 semaphore(%run_scoped3A : memref<!tpu.dma_semaphore, #tpu.memory_space<semaphore_mem>>) src(%arg8 : memref<128x64xf32, #tpu.memory_space<vmem>>) dst(%dma_wait3A_29 : memref<128x64xf32, #tpu.memory_space<hbm>>)
        tpu.yield
      }) : () -> ()
      "tpu.region"() ({
        %run_scoped3A = tpu.sem_alloc : memref<!tpu.dma_semaphore, #tpu.memory_space<semaphore_mem>>
        %dma_start3A_22 = arith.constant 0 : i32
        %dma_start3A_23 = tpu.memref_slice %arg6[%add3A_11, %dma_start3A_22] : memref<65536x16xf32, #tpu.memory_space<hbm>> -> memref<128x16xf32, #tpu.memory_space<hbm>>
        %dma_start3A_24 = arith.constant 0 : i32
        %dma_start3A_25 = tpu.memref_slice %arg6[%add3A_11, %dma_start3A_24] : memref<65536x16xf32, #tpu.memory_space<hbm>> -> memref<128x16xf32, #tpu.memory_space<hbm>>
        tpu.enqueue_dma source(%arg9 : memref<128x16xf32, #tpu.memory_space<vmem>>) target(%dma_start3A_25 : memref<128x16xf32, #tpu.memory_space<hbm>>) target_semaphore(%run_scoped3A : memref<!tpu.dma_semaphore, #tpu.memory_space<semaphore_mem>>)
        %dma_wait3A_26 = arith.constant 0 : i32
        %dma_wait3A_27 = tpu.memref_slice %arg6[%add3A_11, %dma_wait3A_26] : memref<65536x16xf32, #tpu.memory_space<hbm>> -> memref<128x16xf32, #tpu.memory_space<hbm>>
        %dma_wait3A_28 = arith.constant 0 : i32
        %dma_wait3A_29 = tpu.memref_slice %arg6[%add3A_11, %dma_wait3A_28] : memref<65536x16xf32, #tpu.memory_space<hbm>> -> memref<128x16xf32, #tpu.memory_space<hbm>>
        tpu.wait_dma2 semaphore(%run_scoped3A : memref<!tpu.dma_semaphore, #tpu.memory_space<semaphore_mem>>) src(%arg9 : memref<128x16xf32, #tpu.memory_space<vmem>>) dst(%dma_wait3A_29 : memref<128x16xf32, #tpu.memory_space<hbm>>)
        tpu.yield
      }) : () -> ()
    }
    %scan3A_7 = arith.constant 16 : i32
    return
  }
}

#map = affine_map<(d0, d1) -> (0, 0)>
#map1 = affine_map<(d0, d1) -> (0)>
module attributes {stable_mosaic.version = 14 : i64} {
  func.func @_sc_gather_body(%arg0: i32, %arg1: i32, %arg2: memref<16384x64xf32, #tpu.memory_space<hbm>>, %arg3: memref<16384x16xf32, #tpu.memory_space<hbm>>, %arg4: memref<65536xi32, #tpu.memory_space<hbm>>, %arg5: memref<65536x64xf32, #tpu.memory_space<hbm>>, %arg6: memref<65536x16xf32, #tpu.memory_space<hbm>>, %arg7: memref<128xi32, #tpu.memory_space<vmem>>, %arg8: memref<128x64xf32, #tpu.memory_space<vmem>>, %arg9: memref<128x16xf32, #tpu.memory_space<vmem>>, %arg10: memref<!tpu.dma_semaphore, #tpu.memory_space<semaphore_mem>>, %arg11: memref<!tpu.dma_semaphore, #tpu.memory_space<semaphore_mem>>) attributes {dimension_semantics = [#tpu.dimension_semantics<core_parallel>, #tpu.dimension_semantics<subcore_parallel>], iteration_bounds = array<i64: 2, 16>, scalar_prefetch = 0 : i64, scratch_operands = 5 : i64, tpu.core_type = #tpu.core_type<sc_vector_subcore>, window_params = [{transform_indices = #map}, {transform_indices = #map}, {transform_indices = #map1}, {transform_indices = #map}, {transform_indices = #map}]} {
    %mul3A = arith.constant 2 : i32
    %mul3A_0 = arith.muli %arg1, %mul3A : i32
    %add3A = arith.addi %mul3A_0, %arg0 : i32
    %mul3A_1 = arith.constant 2048 : i32
    %mul3A_2 = arith.muli %add3A, %mul3A_1 : i32
    %scan3A = arith.constant 0 : i32
    %scan3A_3 = arith.constant 0 : i32
    %scan3A_4 = arith.constant 16 : i32
    %scan3A_5 = arith.addi %scan3A_3, %scan3A_4 : i32
    %scan3A_6 = arith.constant 1 : i32
    scf.for %scan3A_8 = %scan3A_3 to %scan3A_5 step %scan3A_6  : i32 {
      %mul3A_9 = arith.constant 128 : i32
      %mul3A_10 = arith.muli %scan3A_8, %mul3A_9 : i32
      %add3A_11 = arith.addi %mul3A_2, %mul3A_10 : i32
      "tpu.region"() ({
        %run_scoped3A = tpu.sem_alloc : memref<!tpu.dma_semaphore, #tpu.memory_space<semaphore_mem>>
        %dma_start3A_22 = tpu.memref_slice %arg4[%add3A_11] : memref<65536xi32, #tpu.memory_space<hbm>> -> memref<128xi32, #tpu.memory_space<hbm>>
        %dma_start3A_23 = tpu.memref_slice %arg4[%add3A_11] : memref<65536xi32, #tpu.memory_space<hbm>> -> memref<128xi32, #tpu.memory_space<hbm>>
        tpu.enqueue_dma source(%dma_start3A_23 : memref<128xi32, #tpu.memory_space<hbm>>) target(%arg7 : memref<128xi32, #tpu.memory_space<vmem>>) target_semaphore(%run_scoped3A : memref<!tpu.dma_semaphore, #tpu.memory_space<semaphore_mem>>)
        %dma_wait3A_24 = tpu.memref_slice %arg4[%add3A_11] : memref<65536xi32, #tpu.memory_space<hbm>> -> memref<128xi32, #tpu.memory_space<hbm>>
        %dma_wait3A_25 = tpu.memref_slice %arg4[%add3A_11] : memref<65536xi32, #tpu.memory_space<hbm>> -> memref<128xi32, #tpu.memory_space<hbm>>
        tpu.wait_dma2 semaphore(%run_scoped3A : memref<!tpu.dma_semaphore, #tpu.memory_space<semaphore_mem>>) src(%dma_wait3A_25 : memref<128xi32, #tpu.memory_space<hbm>>) dst(%arg7 : memref<128xi32, #tpu.memory_space<vmem>>)
        tpu.yield
      }) : () -> ()
      %dma_start3A = arith.constant 0 : i32
      %dma_start3A_12 = arith.constant 0 : i32
      %dma_start3A_13 = tpu.memref_slice %arg2[%dma_start3A, %dma_start3A_12] : memref<16384x64xf32, #tpu.memory_space<hbm>> -> memref<16384x64xf32, #tpu.memory_space<hbm>>
      tpu.enqueue_indirect_dma source(%dma_start3A_13 : memref<16384x64xf32, #tpu.memory_space<hbm>>) target(%arg8 : memref<128x64xf32, #tpu.memory_space<vmem>>) offsets(%arg7 : memref<128xi32, #tpu.memory_space<vmem>>) semaphore(%arg10 : memref<!tpu.dma_semaphore, #tpu.memory_space<semaphore_mem>>)
      %dma_start3A_14 = arith.constant 0 : i32
      %dma_start3A_15 = arith.constant 0 : i32
      %dma_start3A_16 = tpu.memref_slice %arg3[%dma_start3A_14, %dma_start3A_15] : memref<16384x16xf32, #tpu.memory_space<hbm>> -> memref<16384x16xf32, #tpu.memory_space<hbm>>
      tpu.enqueue_indirect_dma source(%dma_start3A_16 : memref<16384x16xf32, #tpu.memory_space<hbm>>) target(%arg9 : memref<128x16xf32, #tpu.memory_space<vmem>>) offsets(%arg7 : memref<128xi32, #tpu.memory_space<vmem>>) semaphore(%arg11 : memref<!tpu.dma_semaphore, #tpu.memory_space<semaphore_mem>>)
      %dma_wait3A = arith.constant 0 : i32
      %dma_wait3A_17 = arith.constant 0 : i32
      %dma_wait3A_18 = tpu.memref_slice %arg2[%dma_wait3A, %dma_wait3A_17] : memref<16384x64xf32, #tpu.memory_space<hbm>> -> memref<16384x64xf32, #tpu.memory_space<hbm>>
      tpu.wait_indirect_dma semaphore(%arg10 : memref<!tpu.dma_semaphore, #tpu.memory_space<semaphore_mem>>) src(%dma_wait3A_18 : memref<16384x64xf32, #tpu.memory_space<hbm>>) dst(%arg8 : memref<128x64xf32, #tpu.memory_space<vmem>>)
      %dma_wait3A_19 = arith.constant 0 : i32
      %dma_wait3A_20 = arith.constant 0 : i32
      %dma_wait3A_21 = tpu.memref_slice %arg3[%dma_wait3A_19, %dma_wait3A_20] : memref<16384x16xf32, #tpu.memory_space<hbm>> -> memref<16384x16xf32, #tpu.memory_space<hbm>>
      tpu.wait_indirect_dma semaphore(%arg11 : memref<!tpu.dma_semaphore, #tpu.memory_space<semaphore_mem>>) src(%dma_wait3A_21 : memref<16384x16xf32, #tpu.memory_space<hbm>>) dst(%arg9 : memref<128x16xf32, #tpu.memory_space<vmem>>)
      "tpu.region"() ({
        %run_scoped3A = tpu.sem_alloc : memref<!tpu.dma_semaphore, #tpu.memory_space<semaphore_mem>>
        %dma_start3A_22 = arith.constant 0 : i32
        %dma_start3A_23 = tpu.memref_slice %arg5[%add3A_11, %dma_start3A_22] : memref<65536x64xf32, #tpu.memory_space<hbm>> -> memref<128x64xf32, #tpu.memory_space<hbm>>
        %dma_start3A_24 = arith.constant 0 : i32
        %dma_start3A_25 = tpu.memref_slice %arg5[%add3A_11, %dma_start3A_24] : memref<65536x64xf32, #tpu.memory_space<hbm>> -> memref<128x64xf32, #tpu.memory_space<hbm>>
        tpu.enqueue_dma source(%arg8 : memref<128x64xf32, #tpu.memory_space<vmem>>) target(%dma_start3A_25 : memref<128x64xf32, #tpu.memory_space<hbm>>) target_semaphore(%run_scoped3A : memref<!tpu.dma_semaphore, #tpu.memory_space<semaphore_mem>>)
        %dma_wait3A_26 = arith.constant 0 : i32
        %dma_wait3A_27 = tpu.memref_slice %arg5[%add3A_11, %dma_wait3A_26] : memref<65536x64xf32, #tpu.memory_space<hbm>> -> memref<128x64xf32, #tpu.memory_space<hbm>>
        %dma_wait3A_28 = arith.constant 0 : i32
        %dma_wait3A_29 = tpu.memref_slice %arg5[%add3A_11, %dma_wait3A_28] : memref<65536x64xf32, #tpu.memory_space<hbm>> -> memref<128x64xf32, #tpu.memory_space<hbm>>
        tpu.wait_dma2 semaphore(%run_scoped3A : memref<!tpu.dma_semaphore, #tpu.memory_space<semaphore_mem>>) src(%arg8 : memref<128x64xf32, #tpu.memory_space<vmem>>) dst(%dma_wait3A_29 : memref<128x64xf32, #tpu.memory_space<hbm>>)
        tpu.yield
      }) : () -> ()
      "tpu.region"() ({
        %run_scoped3A = tpu.sem_alloc : memref<!tpu.dma_semaphore, #tpu.memory_space<semaphore_mem>>
        %dma_start3A_22 = arith.constant 0 : i32
        %dma_start3A_23 = tpu.memref_slice %arg6[%add3A_11, %dma_start3A_22] : memref<65536x16xf32, #tpu.memory_space<hbm>> -> memref<128x16xf32, #tpu.memory_space<hbm>>
        %dma_start3A_24 = arith.constant 0 : i32
        %dma_start3A_25 = tpu.memref_slice %arg6[%add3A_11, %dma_start3A_24] : memref<65536x16xf32, #tpu.memory_space<hbm>> -> memref<128x16xf32, #tpu.memory_space<hbm>>
        tpu.enqueue_dma source(%arg9 : memref<128x16xf32, #tpu.memory_space<vmem>>) target(%dma_start3A_25 : memref<128x16xf32, #tpu.memory_space<hbm>>) target_semaphore(%run_scoped3A : memref<!tpu.dma_semaphore, #tpu.memory_space<semaphore_mem>>)
        %dma_wait3A_26 = arith.constant 0 : i32
        %dma_wait3A_27 = tpu.memref_slice %arg6[%add3A_11, %dma_wait3A_26] : memref<65536x16xf32, #tpu.memory_space<hbm>> -> memref<128x16xf32, #tpu.memory_space<hbm>>
        %dma_wait3A_28 = arith.constant 0 : i32
        %dma_wait3A_29 = tpu.memref_slice %arg6[%add3A_11, %dma_wait3A_28] : memref<65536x16xf32, #tpu.memory_space<hbm>> -> memref<128x16xf32, #tpu.memory_space<hbm>>
        tpu.wait_dma2 semaphore(%run_scoped3A : memref<!tpu.dma_semaphore, #tpu.memory_space<semaphore_mem>>) src(%arg9 : memref<128x16xf32, #tpu.memory_space<vmem>>) dst(%dma_wait3A_29 : memref<128x16xf32, #tpu.memory_space<hbm>>)
        tpu.yield
      }) : () -> ()
    }
    %scan3A_7 = arith.constant 16 : i32
    return
  }
}

#map = affine_map<(d0, d1) -> (0, 0)>
#map1 = affine_map<(d0, d1) -> (0)>
module attributes {stable_mosaic.version = 14 : i64} {
  func.func @_sc_gather_body(%arg0: i32, %arg1: i32, %arg2: memref<16384x64xf32, #tpu.memory_space<hbm>>, %arg3: memref<16384x16xf32, #tpu.memory_space<hbm>>, %arg4: memref<65536xi32, #tpu.memory_space<hbm>>, %arg5: memref<65536x64xf32, #tpu.memory_space<hbm>>, %arg6: memref<65536x16xf32, #tpu.memory_space<hbm>>, %arg7: memref<128xi32, #tpu.memory_space<vmem>>, %arg8: memref<128x64xf32, #tpu.memory_space<vmem>>, %arg9: memref<128x16xf32, #tpu.memory_space<vmem>>, %arg10: memref<!tpu.dma_semaphore, #tpu.memory_space<semaphore_mem>>, %arg11: memref<!tpu.dma_semaphore, #tpu.memory_space<semaphore_mem>>) attributes {dimension_semantics = [#tpu.dimension_semantics<core_parallel>, #tpu.dimension_semantics<subcore_parallel>], iteration_bounds = array<i64: 2, 16>, scalar_prefetch = 0 : i64, scratch_operands = 5 : i64, tpu.core_type = #tpu.core_type<sc_vector_subcore>, window_params = [{transform_indices = #map}, {transform_indices = #map}, {transform_indices = #map1}, {transform_indices = #map}, {transform_indices = #map}]} {
    %mul3A = arith.constant 2 : i32
    %mul3A_0 = arith.muli %arg1, %mul3A : i32
    %add3A = arith.addi %mul3A_0, %arg0 : i32
    %mul3A_1 = arith.constant 2048 : i32
    %mul3A_2 = arith.muli %add3A, %mul3A_1 : i32
    %scan3A = arith.constant 0 : i32
    %scan3A_3 = arith.constant 0 : i32
    %scan3A_4 = arith.constant 16 : i32
    %scan3A_5 = arith.addi %scan3A_3, %scan3A_4 : i32
    %scan3A_6 = arith.constant 1 : i32
    scf.for %scan3A_8 = %scan3A_3 to %scan3A_5 step %scan3A_6  : i32 {
      %mul3A_9 = arith.constant 128 : i32
      %mul3A_10 = arith.muli %scan3A_8, %mul3A_9 : i32
      %add3A_11 = arith.addi %mul3A_2, %mul3A_10 : i32
      "tpu.region"() ({
        %run_scoped3A = tpu.sem_alloc : memref<!tpu.dma_semaphore, #tpu.memory_space<semaphore_mem>>
        %dma_start3A_22 = tpu.memref_slice %arg4[%add3A_11] : memref<65536xi32, #tpu.memory_space<hbm>> -> memref<128xi32, #tpu.memory_space<hbm>>
        %dma_start3A_23 = tpu.memref_slice %arg4[%add3A_11] : memref<65536xi32, #tpu.memory_space<hbm>> -> memref<128xi32, #tpu.memory_space<hbm>>
        tpu.enqueue_dma source(%dma_start3A_23 : memref<128xi32, #tpu.memory_space<hbm>>) target(%arg7 : memref<128xi32, #tpu.memory_space<vmem>>) target_semaphore(%run_scoped3A : memref<!tpu.dma_semaphore, #tpu.memory_space<semaphore_mem>>)
        %dma_wait3A_24 = tpu.memref_slice %arg4[%add3A_11] : memref<65536xi32, #tpu.memory_space<hbm>> -> memref<128xi32, #tpu.memory_space<hbm>>
        %dma_wait3A_25 = tpu.memref_slice %arg4[%add3A_11] : memref<65536xi32, #tpu.memory_space<hbm>> -> memref<128xi32, #tpu.memory_space<hbm>>
        tpu.wait_dma2 semaphore(%run_scoped3A : memref<!tpu.dma_semaphore, #tpu.memory_space<semaphore_mem>>) src(%dma_wait3A_25 : memref<128xi32, #tpu.memory_space<hbm>>) dst(%arg7 : memref<128xi32, #tpu.memory_space<vmem>>)
        tpu.yield
      }) : () -> ()
      %dma_start3A = arith.constant 0 : i32
      %dma_start3A_12 = arith.constant 0 : i32
      %dma_start3A_13 = tpu.memref_slice %arg2[%dma_start3A, %dma_start3A_12] : memref<16384x64xf32, #tpu.memory_space<hbm>> -> memref<16384x64xf32, #tpu.memory_space<hbm>>
      tpu.enqueue_indirect_dma source(%dma_start3A_13 : memref<16384x64xf32, #tpu.memory_space<hbm>>) target(%arg8 : memref<128x64xf32, #tpu.memory_space<vmem>>) offsets(%arg7 : memref<128xi32, #tpu.memory_space<vmem>>) semaphore(%arg10 : memref<!tpu.dma_semaphore, #tpu.memory_space<semaphore_mem>>)
      %dma_start3A_14 = arith.constant 0 : i32
      %dma_start3A_15 = arith.constant 0 : i32
      %dma_start3A_16 = tpu.memref_slice %arg3[%dma_start3A_14, %dma_start3A_15] : memref<16384x16xf32, #tpu.memory_space<hbm>> -> memref<16384x16xf32, #tpu.memory_space<hbm>>
      tpu.enqueue_indirect_dma source(%dma_start3A_16 : memref<16384x16xf32, #tpu.memory_space<hbm>>) target(%arg9 : memref<128x16xf32, #tpu.memory_space<vmem>>) offsets(%arg7 : memref<128xi32, #tpu.memory_space<vmem>>) semaphore(%arg11 : memref<!tpu.dma_semaphore, #tpu.memory_space<semaphore_mem>>)
      %dma_wait3A = arith.constant 0 : i32
      %dma_wait3A_17 = arith.constant 0 : i32
      %dma_wait3A_18 = tpu.memref_slice %arg2[%dma_wait3A, %dma_wait3A_17] : memref<16384x64xf32, #tpu.memory_space<hbm>> -> memref<16384x64xf32, #tpu.memory_space<hbm>>
      tpu.wait_indirect_dma semaphore(%arg10 : memref<!tpu.dma_semaphore, #tpu.memory_space<semaphore_mem>>) src(%dma_wait3A_18 : memref<16384x64xf32, #tpu.memory_space<hbm>>) dst(%arg8 : memref<128x64xf32, #tpu.memory_space<vmem>>)
      %dma_wait3A_19 = arith.constant 0 : i32
      %dma_wait3A_20 = arith.constant 0 : i32
      %dma_wait3A_21 = tpu.memref_slice %arg3[%dma_wait3A_19, %dma_wait3A_20] : memref<16384x16xf32, #tpu.memory_space<hbm>> -> memref<16384x16xf32, #tpu.memory_space<hbm>>
      tpu.wait_indirect_dma semaphore(%arg11 : memref<!tpu.dma_semaphore, #tpu.memory_space<semaphore_mem>>) src(%dma_wait3A_21 : memref<16384x16xf32, #tpu.memory_space<hbm>>) dst(%arg9 : memref<128x16xf32, #tpu.memory_space<vmem>>)
      "tpu.region"() ({
        %run_scoped3A = tpu.sem_alloc : memref<!tpu.dma_semaphore, #tpu.memory_space<semaphore_mem>>
        %dma_start3A_22 = arith.constant 0 : i32
        %dma_start3A_23 = tpu.memref_slice %arg5[%add3A_11, %dma_start3A_22] : memref<65536x64xf32, #tpu.memory_space<hbm>> -> memref<128x64xf32, #tpu.memory_space<hbm>>
        %dma_start3A_24 = arith.constant 0 : i32
        %dma_start3A_25 = tpu.memref_slice %arg5[%add3A_11, %dma_start3A_24] : memref<65536x64xf32, #tpu.memory_space<hbm>> -> memref<128x64xf32, #tpu.memory_space<hbm>>
        tpu.enqueue_dma source(%arg8 : memref<128x64xf32, #tpu.memory_space<vmem>>) target(%dma_start3A_25 : memref<128x64xf32, #tpu.memory_space<hbm>>) target_semaphore(%run_scoped3A : memref<!tpu.dma_semaphore, #tpu.memory_space<semaphore_mem>>)
        %dma_wait3A_26 = arith.constant 0 : i32
        %dma_wait3A_27 = tpu.memref_slice %arg5[%add3A_11, %dma_wait3A_26] : memref<65536x64xf32, #tpu.memory_space<hbm>> -> memref<128x64xf32, #tpu.memory_space<hbm>>
        %dma_wait3A_28 = arith.constant 0 : i32
        %dma_wait3A_29 = tpu.memref_slice %arg5[%add3A_11, %dma_wait3A_28] : memref<65536x64xf32, #tpu.memory_space<hbm>> -> memref<128x64xf32, #tpu.memory_space<hbm>>
        tpu.wait_dma2 semaphore(%run_scoped3A : memref<!tpu.dma_semaphore, #tpu.memory_space<semaphore_mem>>) src(%arg8 : memref<128x64xf32, #tpu.memory_space<vmem>>) dst(%dma_wait3A_29 : memref<128x64xf32, #tpu.memory_space<hbm>>)
        tpu.yield
      }) : () -> ()
      "tpu.region"() ({
        %run_scoped3A = tpu.sem_alloc : memref<!tpu.dma_semaphore, #tpu.memory_space<semaphore_mem>>
        %dma_start3A_22 = arith.constant 0 : i32
        %dma_start3A_23 = tpu.memref_slice %arg6[%add3A_11, %dma_start3A_22] : memref<65536x16xf32, #tpu.memory_space<hbm>> -> memref<128x16xf32, #tpu.memory_space<hbm>>
        %dma_start3A_24 = arith.constant 0 : i32
        %dma_start3A_25 = tpu.memref_slice %arg6[%add3A_11, %dma_start3A_24] : memref<65536x16xf32, #tpu.memory_space<hbm>> -> memref<128x16xf32, #tpu.memory_space<hbm>>
        tpu.enqueue_dma source(%arg9 : memref<128x16xf32, #tpu.memory_space<vmem>>) target(%dma_start3A_25 : memref<128x16xf32, #tpu.memory_space<hbm>>) target_semaphore(%run_scoped3A : memref<!tpu.dma_semaphore, #tpu.memory_space<semaphore_mem>>)
        %dma_wait3A_26 = arith.constant 0 : i32
        %dma_wait3A_27 = tpu.memref_slice %arg6[%add3A_11, %dma_wait3A_26] : memref<65536x16xf32, #tpu.memory_space<hbm>> -> memref<128x16xf32, #tpu.memory_space<hbm>>
        %dma_wait3A_28 = arith.constant 0 : i32
        %dma_wait3A_29 = tpu.memref_slice %arg6[%add3A_11, %dma_wait3A_28] : memref<65536x16xf32, #tpu.memory_space<hbm>> -> memref<128x16xf32, #tpu.memory_space<hbm>>
        tpu.wait_dma2 semaphore(%run_scoped3A : memref<!tpu.dma_semaphore, #tpu.memory_space<semaphore_mem>>) src(%arg9 : memref<128x16xf32, #tpu.memory_space<vmem>>) dst(%dma_wait3A_29 : memref<128x16xf32, #tpu.memory_space<hbm>>)
        tpu.yield
      }) : () -> ()
    }
    %scan3A_7 = arith.constant 16 : i32
    return
  }
}

#map = affine_map<(d0, d1) -> (0, 0)>
#map1 = affine_map<(d0, d1) -> (0)>
module attributes {stable_mosaic.version = 14 : i64} {
  func.func @_sc_gather_body(%arg0: i32, %arg1: i32, %arg2: memref<16384x64xf32, #tpu.memory_space<hbm>>, %arg3: memref<16384x16xf32, #tpu.memory_space<hbm>>, %arg4: memref<65536xi32, #tpu.memory_space<hbm>>, %arg5: memref<65536x64xf32, #tpu.memory_space<hbm>>, %arg6: memref<65536x16xf32, #tpu.memory_space<hbm>>, %arg7: memref<128xi32, #tpu.memory_space<vmem>>, %arg8: memref<128x64xf32, #tpu.memory_space<vmem>>, %arg9: memref<128x16xf32, #tpu.memory_space<vmem>>, %arg10: memref<!tpu.dma_semaphore, #tpu.memory_space<semaphore_mem>>, %arg11: memref<!tpu.dma_semaphore, #tpu.memory_space<semaphore_mem>>) attributes {dimension_semantics = [#tpu.dimension_semantics<core_parallel>, #tpu.dimension_semantics<subcore_parallel>], iteration_bounds = array<i64: 2, 16>, scalar_prefetch = 0 : i64, scratch_operands = 5 : i64, tpu.core_type = #tpu.core_type<sc_vector_subcore>, window_params = [{transform_indices = #map}, {transform_indices = #map}, {transform_indices = #map1}, {transform_indices = #map}, {transform_indices = #map}]} {
    %mul3A = arith.constant 2 : i32
    %mul3A_0 = arith.muli %arg1, %mul3A : i32
    %add3A = arith.addi %mul3A_0, %arg0 : i32
    %mul3A_1 = arith.constant 2048 : i32
    %mul3A_2 = arith.muli %add3A, %mul3A_1 : i32
    %scan3A = arith.constant 0 : i32
    %scan3A_3 = arith.constant 0 : i32
    %scan3A_4 = arith.constant 16 : i32
    %scan3A_5 = arith.addi %scan3A_3, %scan3A_4 : i32
    %scan3A_6 = arith.constant 1 : i32
    scf.for %scan3A_8 = %scan3A_3 to %scan3A_5 step %scan3A_6  : i32 {
      %mul3A_9 = arith.constant 128 : i32
      %mul3A_10 = arith.muli %scan3A_8, %mul3A_9 : i32
      %add3A_11 = arith.addi %mul3A_2, %mul3A_10 : i32
      "tpu.region"() ({
        %run_scoped3A = tpu.sem_alloc : memref<!tpu.dma_semaphore, #tpu.memory_space<semaphore_mem>>
        %dma_start3A_22 = tpu.memref_slice %arg4[%add3A_11] : memref<65536xi32, #tpu.memory_space<hbm>> -> memref<128xi32, #tpu.memory_space<hbm>>
        %dma_start3A_23 = tpu.memref_slice %arg4[%add3A_11] : memref<65536xi32, #tpu.memory_space<hbm>> -> memref<128xi32, #tpu.memory_space<hbm>>
        tpu.enqueue_dma source(%dma_start3A_23 : memref<128xi32, #tpu.memory_space<hbm>>) target(%arg7 : memref<128xi32, #tpu.memory_space<vmem>>) target_semaphore(%run_scoped3A : memref<!tpu.dma_semaphore, #tpu.memory_space<semaphore_mem>>)
        %dma_wait3A_24 = tpu.memref_slice %arg4[%add3A_11] : memref<65536xi32, #tpu.memory_space<hbm>> -> memref<128xi32, #tpu.memory_space<hbm>>
        %dma_wait3A_25 = tpu.memref_slice %arg4[%add3A_11] : memref<65536xi32, #tpu.memory_space<hbm>> -> memref<128xi32, #tpu.memory_space<hbm>>
        tpu.wait_dma2 semaphore(%run_scoped3A : memref<!tpu.dma_semaphore, #tpu.memory_space<semaphore_mem>>) src(%dma_wait3A_25 : memref<128xi32, #tpu.memory_space<hbm>>) dst(%arg7 : memref<128xi32, #tpu.memory_space<vmem>>)
        tpu.yield
      }) : () -> ()
      %dma_start3A = arith.constant 0 : i32
      %dma_start3A_12 = arith.constant 0 : i32
      %dma_start3A_13 = tpu.memref_slice %arg2[%dma_start3A, %dma_start3A_12] : memref<16384x64xf32, #tpu.memory_space<hbm>> -> memref<16384x64xf32, #tpu.memory_space<hbm>>
      tpu.enqueue_indirect_dma source(%dma_start3A_13 : memref<16384x64xf32, #tpu.memory_space<hbm>>) target(%arg8 : memref<128x64xf32, #tpu.memory_space<vmem>>) offsets(%arg7 : memref<128xi32, #tpu.memory_space<vmem>>) semaphore(%arg10 : memref<!tpu.dma_semaphore, #tpu.memory_space<semaphore_mem>>)
      %dma_start3A_14 = arith.constant 0 : i32
      %dma_start3A_15 = arith.constant 0 : i32
      %dma_start3A_16 = tpu.memref_slice %arg3[%dma_start3A_14, %dma_start3A_15] : memref<16384x16xf32, #tpu.memory_space<hbm>> -> memref<16384x16xf32, #tpu.memory_space<hbm>>
      tpu.enqueue_indirect_dma source(%dma_start3A_16 : memref<16384x16xf32, #tpu.memory_space<hbm>>) target(%arg9 : memref<128x16xf32, #tpu.memory_space<vmem>>) offsets(%arg7 : memref<128xi32, #tpu.memory_space<vmem>>) semaphore(%arg11 : memref<!tpu.dma_semaphore, #tpu.memory_space<semaphore_mem>>)
      %dma_wait3A = arith.constant 0 : i32
      %dma_wait3A_17 = arith.constant 0 : i32
      %dma_wait3A_18 = tpu.memref_slice %arg2[%dma_wait3A, %dma_wait3A_17] : memref<16384x64xf32, #tpu.memory_space<hbm>> -> memref<16384x64xf32, #tpu.memory_space<hbm>>
      tpu.wait_indirect_dma semaphore(%arg10 : memref<!tpu.dma_semaphore, #tpu.memory_space<semaphore_mem>>) src(%dma_wait3A_18 : memref<16384x64xf32, #tpu.memory_space<hbm>>) dst(%arg8 : memref<128x64xf32, #tpu.memory_space<vmem>>)
      %dma_wait3A_19 = arith.constant 0 : i32
      %dma_wait3A_20 = arith.constant 0 : i32
      %dma_wait3A_21 = tpu.memref_slice %arg3[%dma_wait3A_19, %dma_wait3A_20] : memref<16384x16xf32, #tpu.memory_space<hbm>> -> memref<16384x16xf32, #tpu.memory_space<hbm>>
      tpu.wait_indirect_dma semaphore(%arg11 : memref<!tpu.dma_semaphore, #tpu.memory_space<semaphore_mem>>) src(%dma_wait3A_21 : memref<16384x16xf32, #tpu.memory_space<hbm>>) dst(%arg9 : memref<128x16xf32, #tpu.memory_space<vmem>>)
      "tpu.region"() ({
        %run_scoped3A = tpu.sem_alloc : memref<!tpu.dma_semaphore, #tpu.memory_space<semaphore_mem>>
        %dma_start3A_22 = arith.constant 0 : i32
        %dma_start3A_23 = tpu.memref_slice %arg5[%add3A_11, %dma_start3A_22] : memref<65536x64xf32, #tpu.memory_space<hbm>> -> memref<128x64xf32, #tpu.memory_space<hbm>>
        %dma_start3A_24 = arith.constant 0 : i32
        %dma_start3A_25 = tpu.memref_slice %arg5[%add3A_11, %dma_start3A_24] : memref<65536x64xf32, #tpu.memory_space<hbm>> -> memref<128x64xf32, #tpu.memory_space<hbm>>
        tpu.enqueue_dma source(%arg8 : memref<128x64xf32, #tpu.memory_space<vmem>>) target(%dma_start3A_25 : memref<128x64xf32, #tpu.memory_space<hbm>>) target_semaphore(%run_scoped3A : memref<!tpu.dma_semaphore, #tpu.memory_space<semaphore_mem>>)
        %dma_wait3A_26 = arith.constant 0 : i32
        %dma_wait3A_27 = tpu.memref_slice %arg5[%add3A_11, %dma_wait3A_26] : memref<65536x64xf32, #tpu.memory_space<hbm>> -> memref<128x64xf32, #tpu.memory_space<hbm>>
        %dma_wait3A_28 = arith.constant 0 : i32
        %dma_wait3A_29 = tpu.memref_slice %arg5[%add3A_11, %dma_wait3A_28] : memref<65536x64xf32, #tpu.memory_space<hbm>> -> memref<128x64xf32, #tpu.memory_space<hbm>>
        tpu.wait_dma2 semaphore(%run_scoped3A : memref<!tpu.dma_semaphore, #tpu.memory_space<semaphore_mem>>) src(%arg8 : memref<128x64xf32, #tpu.memory_space<vmem>>) dst(%dma_wait3A_29 : memref<128x64xf32, #tpu.memory_space<hbm>>)
        tpu.yield
      }) : () -> ()
      "tpu.region"() ({
        %run_scoped3A = tpu.sem_alloc : memref<!tpu.dma_semaphore, #tpu.memory_space<semaphore_mem>>
        %dma_start3A_22 = arith.constant 0 : i32
        %dma_start3A_23 = tpu.memref_slice %arg6[%add3A_11, %dma_start3A_22] : memref<65536x16xf32, #tpu.memory_space<hbm>> -> memref<128x16xf32, #tpu.memory_space<hbm>>
        %dma_start3A_24 = arith.constant 0 : i32
        %dma_start3A_25 = tpu.memref_slice %arg6[%add3A_11, %dma_start3A_24] : memref<65536x16xf32, #tpu.memory_space<hbm>> -> memref<128x16xf32, #tpu.memory_space<hbm>>
        tpu.enqueue_dma source(%arg9 : memref<128x16xf32, #tpu.memory_space<vmem>>) target(%dma_start3A_25 : memref<128x16xf32, #tpu.memory_space<hbm>>) target_semaphore(%run_scoped3A : memref<!tpu.dma_semaphore, #tpu.memory_space<semaphore_mem>>)
        %dma_wait3A_26 = arith.constant 0 : i32
        %dma_wait3A_27 = tpu.memref_slice %arg6[%add3A_11, %dma_wait3A_26] : memref<65536x16xf32, #tpu.memory_space<hbm>> -> memref<128x16xf32, #tpu.memory_space<hbm>>
        %dma_wait3A_28 = arith.constant 0 : i32
        %dma_wait3A_29 = tpu.memref_slice %arg6[%add3A_11, %dma_wait3A_28] : memref<65536x16xf32, #tpu.memory_space<hbm>> -> memref<128x16xf32, #tpu.memory_space<hbm>>
        tpu.wait_dma2 semaphore(%run_scoped3A : memref<!tpu.dma_semaphore, #tpu.memory_space<semaphore_mem>>) src(%arg9 : memref<128x16xf32, #tpu.memory_space<vmem>>) dst(%dma_wait3A_29 : memref<128x16xf32, #tpu.memory_space<hbm>>)
        tpu.yield
      }) : () -> ()
    }
    %scan3A_7 = arith.constant 16 : i32
    return
  }
}

#map = affine_map<(d0, d1) -> (0, 0)>
#map1 = affine_map<(d0, d1) -> (0)>
module attributes {stable_mosaic.version = 14 : i64} {
  func.func @_sc_gather_body(%arg0: i32, %arg1: i32, %arg2: memref<16384x64xf32, #tpu.memory_space<hbm>>, %arg3: memref<16384x16xf32, #tpu.memory_space<hbm>>, %arg4: memref<65536xi32, #tpu.memory_space<hbm>>, %arg5: memref<65536x64xf32, #tpu.memory_space<hbm>>, %arg6: memref<65536x16xf32, #tpu.memory_space<hbm>>, %arg7: memref<128xi32, #tpu.memory_space<vmem>>, %arg8: memref<128x64xf32, #tpu.memory_space<vmem>>, %arg9: memref<128x16xf32, #tpu.memory_space<vmem>>, %arg10: memref<!tpu.dma_semaphore, #tpu.memory_space<semaphore_mem>>, %arg11: memref<!tpu.dma_semaphore, #tpu.memory_space<semaphore_mem>>) attributes {dimension_semantics = [#tpu.dimension_semantics<core_parallel>, #tpu.dimension_semantics<subcore_parallel>], iteration_bounds = array<i64: 2, 16>, scalar_prefetch = 0 : i64, scratch_operands = 5 : i64, tpu.core_type = #tpu.core_type<sc_vector_subcore>, window_params = [{transform_indices = #map}, {transform_indices = #map}, {transform_indices = #map1}, {transform_indices = #map}, {transform_indices = #map}]} {
    %mul3A = arith.constant 2 : i32
    %mul3A_0 = arith.muli %arg1, %mul3A : i32
    %add3A = arith.addi %mul3A_0, %arg0 : i32
    %mul3A_1 = arith.constant 2048 : i32
    %mul3A_2 = arith.muli %add3A, %mul3A_1 : i32
    %scan3A = arith.constant 0 : i32
    %scan3A_3 = arith.constant 0 : i32
    %scan3A_4 = arith.constant 16 : i32
    %scan3A_5 = arith.addi %scan3A_3, %scan3A_4 : i32
    %scan3A_6 = arith.constant 1 : i32
    scf.for %scan3A_8 = %scan3A_3 to %scan3A_5 step %scan3A_6  : i32 {
      %mul3A_9 = arith.constant 128 : i32
      %mul3A_10 = arith.muli %scan3A_8, %mul3A_9 : i32
      %add3A_11 = arith.addi %mul3A_2, %mul3A_10 : i32
      "tpu.region"() ({
        %run_scoped3A = tpu.sem_alloc : memref<!tpu.dma_semaphore, #tpu.memory_space<semaphore_mem>>
        %dma_start3A_22 = tpu.memref_slice %arg4[%add3A_11] : memref<65536xi32, #tpu.memory_space<hbm>> -> memref<128xi32, #tpu.memory_space<hbm>>
        %dma_start3A_23 = tpu.memref_slice %arg4[%add3A_11] : memref<65536xi32, #tpu.memory_space<hbm>> -> memref<128xi32, #tpu.memory_space<hbm>>
        tpu.enqueue_dma source(%dma_start3A_23 : memref<128xi32, #tpu.memory_space<hbm>>) target(%arg7 : memref<128xi32, #tpu.memory_space<vmem>>) target_semaphore(%run_scoped3A : memref<!tpu.dma_semaphore, #tpu.memory_space<semaphore_mem>>)
        %dma_wait3A_24 = tpu.memref_slice %arg4[%add3A_11] : memref<65536xi32, #tpu.memory_space<hbm>> -> memref<128xi32, #tpu.memory_space<hbm>>
        %dma_wait3A_25 = tpu.memref_slice %arg4[%add3A_11] : memref<65536xi32, #tpu.memory_space<hbm>> -> memref<128xi32, #tpu.memory_space<hbm>>
        tpu.wait_dma2 semaphore(%run_scoped3A : memref<!tpu.dma_semaphore, #tpu.memory_space<semaphore_mem>>) src(%dma_wait3A_25 : memref<128xi32, #tpu.memory_space<hbm>>) dst(%arg7 : memref<128xi32, #tpu.memory_space<vmem>>)
        tpu.yield
      }) : () -> ()
      %dma_start3A = arith.constant 0 : i32
      %dma_start3A_12 = arith.constant 0 : i32
      %dma_start3A_13 = tpu.memref_slice %arg2[%dma_start3A, %dma_start3A_12] : memref<16384x64xf32, #tpu.memory_space<hbm>> -> memref<16384x64xf32, #tpu.memory_space<hbm>>
      tpu.enqueue_indirect_dma source(%dma_start3A_13 : memref<16384x64xf32, #tpu.memory_space<hbm>>) target(%arg8 : memref<128x64xf32, #tpu.memory_space<vmem>>) offsets(%arg7 : memref<128xi32, #tpu.memory_space<vmem>>) semaphore(%arg10 : memref<!tpu.dma_semaphore, #tpu.memory_space<semaphore_mem>>)
      %dma_start3A_14 = arith.constant 0 : i32
      %dma_start3A_15 = arith.constant 0 : i32
      %dma_start3A_16 = tpu.memref_slice %arg3[%dma_start3A_14, %dma_start3A_15] : memref<16384x16xf32, #tpu.memory_space<hbm>> -> memref<16384x16xf32, #tpu.memory_space<hbm>>
      tpu.enqueue_indirect_dma source(%dma_start3A_16 : memref<16384x16xf32, #tpu.memory_space<hbm>>) target(%arg9 : memref<128x16xf32, #tpu.memory_space<vmem>>) offsets(%arg7 : memref<128xi32, #tpu.memory_space<vmem>>) semaphore(%arg11 : memref<!tpu.dma_semaphore, #tpu.memory_space<semaphore_mem>>)
      %dma_wait3A = arith.constant 0 : i32
      %dma_wait3A_17 = arith.constant 0 : i32
      %dma_wait3A_18 = tpu.memref_slice %arg2[%dma_wait3A, %dma_wait3A_17] : memref<16384x64xf32, #tpu.memory_space<hbm>> -> memref<16384x64xf32, #tpu.memory_space<hbm>>
      tpu.wait_indirect_dma semaphore(%arg10 : memref<!tpu.dma_semaphore, #tpu.memory_space<semaphore_mem>>) src(%dma_wait3A_18 : memref<16384x64xf32, #tpu.memory_space<hbm>>) dst(%arg8 : memref<128x64xf32, #tpu.memory_space<vmem>>)
      %dma_wait3A_19 = arith.constant 0 : i32
      %dma_wait3A_20 = arith.constant 0 : i32
      %dma_wait3A_21 = tpu.memref_slice %arg3[%dma_wait3A_19, %dma_wait3A_20] : memref<16384x16xf32, #tpu.memory_space<hbm>> -> memref<16384x16xf32, #tpu.memory_space<hbm>>
      tpu.wait_indirect_dma semaphore(%arg11 : memref<!tpu.dma_semaphore, #tpu.memory_space<semaphore_mem>>) src(%dma_wait3A_21 : memref<16384x16xf32, #tpu.memory_space<hbm>>) dst(%arg9 : memref<128x16xf32, #tpu.memory_space<vmem>>)
      "tpu.region"() ({
        %run_scoped3A = tpu.sem_alloc : memref<!tpu.dma_semaphore, #tpu.memory_space<semaphore_mem>>
        %dma_start3A_22 = arith.constant 0 : i32
        %dma_start3A_23 = tpu.memref_slice %arg5[%add3A_11, %dma_start3A_22] : memref<65536x64xf32, #tpu.memory_space<hbm>> -> memref<128x64xf32, #tpu.memory_space<hbm>>
        %dma_start3A_24 = arith.constant 0 : i32
        %dma_start3A_25 = tpu.memref_slice %arg5[%add3A_11, %dma_start3A_24] : memref<65536x64xf32, #tpu.memory_space<hbm>> -> memref<128x64xf32, #tpu.memory_space<hbm>>
        tpu.enqueue_dma source(%arg8 : memref<128x64xf32, #tpu.memory_space<vmem>>) target(%dma_start3A_25 : memref<128x64xf32, #tpu.memory_space<hbm>>) target_semaphore(%run_scoped3A : memref<!tpu.dma_semaphore, #tpu.memory_space<semaphore_mem>>)
        %dma_wait3A_26 = arith.constant 0 : i32
        %dma_wait3A_27 = tpu.memref_slice %arg5[%add3A_11, %dma_wait3A_26] : memref<65536x64xf32, #tpu.memory_space<hbm>> -> memref<128x64xf32, #tpu.memory_space<hbm>>
        %dma_wait3A_28 = arith.constant 0 : i32
        %dma_wait3A_29 = tpu.memref_slice %arg5[%add3A_11, %dma_wait3A_28] : memref<65536x64xf32, #tpu.memory_space<hbm>> -> memref<128x64xf32, #tpu.memory_space<hbm>>
        tpu.wait_dma2 semaphore(%run_scoped3A : memref<!tpu.dma_semaphore, #tpu.memory_space<semaphore_mem>>) src(%arg8 : memref<128x64xf32, #tpu.memory_space<vmem>>) dst(%dma_wait3A_29 : memref<128x64xf32, #tpu.memory_space<hbm>>)
        tpu.yield
      }) : () -> ()
      "tpu.region"() ({
        %run_scoped3A = tpu.sem_alloc : memref<!tpu.dma_semaphore, #tpu.memory_space<semaphore_mem>>
        %dma_start3A_22 = arith.constant 0 : i32
        %dma_start3A_23 = tpu.memref_slice %arg6[%add3A_11, %dma_start3A_22] : memref<65536x16xf32, #tpu.memory_space<hbm>> -> memref<128x16xf32, #tpu.memory_space<hbm>>
        %dma_start3A_24 = arith.constant 0 : i32
        %dma_start3A_25 = tpu.memref_slice %arg6[%add3A_11, %dma_start3A_24] : memref<65536x16xf32, #tpu.memory_space<hbm>> -> memref<128x16xf32, #tpu.memory_space<hbm>>
        tpu.enqueue_dma source(%arg9 : memref<128x16xf32, #tpu.memory_space<vmem>>) target(%dma_start3A_25 : memref<128x16xf32, #tpu.memory_space<hbm>>) target_semaphore(%run_scoped3A : memref<!tpu.dma_semaphore, #tpu.memory_space<semaphore_mem>>)
        %dma_wait3A_26 = arith.constant 0 : i32
        %dma_wait3A_27 = tpu.memref_slice %arg6[%add3A_11, %dma_wait3A_26] : memref<65536x16xf32, #tpu.memory_space<hbm>> -> memref<128x16xf32, #tpu.memory_space<hbm>>
        %dma_wait3A_28 = arith.constant 0 : i32
        %dma_wait3A_29 = tpu.memref_slice %arg6[%add3A_11, %dma_wait3A_28] : memref<65536x16xf32, #tpu.memory_space<hbm>> -> memref<128x16xf32, #tpu.memory_space<hbm>>
        tpu.wait_dma2 semaphore(%run_scoped3A : memref<!tpu.dma_semaphore, #tpu.memory_space<semaphore_mem>>) src(%arg9 : memref<128x16xf32, #tpu.memory_space<vmem>>) dst(%dma_wait3A_29 : memref<128x16xf32, #tpu.memory_space<hbm>>)
        tpu.yield
      }) : () -> ()
    }
    %scan3A_7 = arith.constant 16 : i32
    return
  }
}

module attributes {stable_mosaic.version = 14 : i64} {
  func.func @_stage1_kernel(%arg0: i32, %arg1: memref<256x16xf32, #tpu.memory_space<vmem>>, %arg2: memref<8192x16xf32, #tpu.memory_space<vmem>>, %arg3: memref<8192x64xf32, #tpu.memory_space<vmem>>, %arg4: memref<16x16xf32, #tpu.memory_space<vmem>>, %arg5: memref<8x16xf32, #tpu.memory_space<vmem>>, %arg6: memref<16x1024xf32, #tpu.memory_space<vmem>>, %arg7: memref<1024x64xf32, #tpu.memory_space<vmem>>, %arg8: memref<8x64xf32, #tpu.memory_space<vmem>>, %arg9: memref<256x64xf32, #tpu.memory_space<vmem>>, %arg10: memref<8x128xf32, #tpu.memory_space<vmem>>) attributes {dimension_semantics = [#tpu.dimension_semantics<arbitrary>], iteration_bounds = array<i64: 8>, scalar_prefetch = 0 : i64, scratch_operands = 0 : i64, tpu.core_type = #tpu.core_type<tc>, window_params = [{transform_indices = @transform_0, window_bounds = array<i64: 256, 16>}, {transform_indices = @transform_1, window_bounds = array<i64: 8192, 16>}, {transform_indices = @transform_2, window_bounds = array<i64: 8192, 64>}, {pipeline_mode = #tpu.pipeline_mode<synchronous>, transform_indices = @transform_3, window_bounds = array<i64: 16, 16>}, {pipeline_mode = #tpu.pipeline_mode<synchronous>, transform_indices = @transform_4, window_bounds = array<i64: 8, 16>}, {pipeline_mode = #tpu.pipeline_mode<synchronous>, transform_indices = @transform_5, window_bounds = array<i64: 16, 1024>}, {pipeline_mode = #tpu.pipeline_mode<synchronous>, transform_indices = @transform_6, window_bounds = array<i64: 1024, 64>}, {pipeline_mode = #tpu.pipeline_mode<synchronous>, transform_indices = @transform_7, window_bounds = array<i64: 8, 64>}, {transform_indices = @transform_8, window_bounds = array<i64: 256, 64>}, {pipeline_mode = #tpu.pipeline_mode<synchronous>, transform_indices = @transform_9, window_bounds = array<i64: 8, 128>}]} {
    %get3A = arith.constant 0 : index
    %get3A_0 = arith.constant 0 : index
    %get3A_1 = vector.load %arg1[%get3A, %get3A_0] : memref<256x16xf32, #tpu.memory_space<vmem>>, vector<256x16xf32>
    %broadcast_in_dim3A = vector.shape_cast %get3A_1 : vector<256x16xf32> to vector<256x1x16xf32>
    %broadcast_in_dim3A_2 = vector.shape_cast %broadcast_in_dim3A : vector<256x1x16xf32> to vector<256x1x16xf32>
    %broadcast_in_dim3A_3 = vector.broadcast %broadcast_in_dim3A_2 : vector<256x1x16xf32> to vector<256x32x16xf32>
    %reshape3A = vector.shape_cast %broadcast_in_dim3A_3 : vector<256x32x16xf32> to vector<8192x16xf32>
    %get3A_4 = arith.constant 0 : index
    %get3A_5 = arith.constant 0 : index
    %get3A_6 = vector.load %arg2[%get3A_4, %get3A_5] : memref<8192x16xf32, #tpu.memory_space<vmem>>, vector<8192x16xf32>
    %sub3A = arith.subf %get3A_6, %reshape3A : vector<8192x16xf32>
    %get3A_7 = arith.constant 0 : index
    %get3A_8 = arith.constant 0 : index
    %get3A_9 = vector.load %arg4[%get3A_7, %get3A_8] : memref<16x16xf32, #tpu.memory_space<vmem>>, vector<16x16xf32>
    %dot_general3A = arith.constant dense<0.000000e+00> : vector<8192x16xf32>
    %dot_general3A_10 = tpu.matmul %sub3A, %get3A_9, %dot_general3A {dimension_numbers = #tpu.dot_dimension_numbers<[1], [0], [0], [1], [0, 0, 1, 1], [], []>, transpose_lhs_hint = false} : vector<8192x16xf32>, vector<16x16xf32>, vector<8192x16xf32> -> vector<8192x16xf32>
    %mul3A = arith.mulf %sub3A, %sub3A : vector<8192x16xf32>
    %reduce_sum3A = arith.constant dense<0.000000e+00> : vector<8192xf32>
    %reduce_sum3A_11 = vector.multi_reduction <add>, %mul3A, %reduce_sum3A [1] : vector<8192x16xf32> to vector<8192xf32>
    %broadcast_in_dim3A_12 = vector.shape_cast %reduce_sum3A_11 : vector<8192xf32> to vector<8192x1xf32>
    %get3A_13 = arith.constant 0 : index
    %get3A_14 = arith.constant 0 : index
    %get3A_15 = vector.load %arg5[%get3A_13, %get3A_14] : memref<8x16xf32, #tpu.memory_space<vmem>>, vector<1x16xf32>
    %get3A_16 = vector.shape_cast %get3A_15 : vector<1x16xf32> to vector<16xf32>
    %broadcast_in_dim3A_17 = vector.shape_cast %get3A_16 : vector<16xf32> to vector<1x16xf32>
    %add3A = vector.broadcast %broadcast_in_dim3A_12 : vector<8192x1xf32> to vector<8192x16xf32>
    %add3A_18 = vector.broadcast %broadcast_in_dim3A_17 : vector<1x16xf32> to vector<8192x16xf32>
    %add3A_19 = arith.addf %add3A, %add3A_18 : vector<8192x16xf32>
    %mul3A_20 = arith.constant 2.000000e+00 : f32
    %mul3A_21 = vector.broadcast %mul3A_20 : f32 to vector<8192x16xf32>
    %mul3A_22 = arith.mulf %mul3A_21, %dot_general3A_10 : vector<8192x16xf32>
    %sub3A_23 = arith.subf %add3A_19, %mul3A_22 : vector<8192x16xf32>
    %max3A = arith.constant 0.000000e+00 : f32
    %max3A_24 = vector.broadcast %max3A : f32 to vector<8192x16xf32>
    %max3A_25 = arith.maximumf %sub3A_23, %max3A_24 : vector<8192x16xf32>
    %sqrt3A = math.sqrt %max3A_25 : vector<8192x16xf32>
    %div3A = arith.constant 1.000000e+00 : f32
    %div3A_26 = vector.broadcast %div3A : f32 to vector<8192x16xf32>
    %div3A_27 = arith.divf %sqrt3A, %div3A_26 : vector<8192x16xf32>
    %sub3A_28 = arith.constant 1.000000e+00 : f32
    %sub3A_29 = vector.broadcast %sub3A_28 : f32 to vector<8192x16xf32>
    %sub3A_30 = arith.subf %sub3A_29, %div3A_27 : vector<8192x16xf32>
    %max3A_31 = arith.constant 0.000000e+00 : f32
    %max3A_32 = vector.broadcast %max3A_31 : f32 to vector<8192x16xf32>
    %max3A_33 = arith.maximumf %sub3A_30, %max3A_32 : vector<8192x16xf32>
    %get3A_34 = arith.constant 0 : index
    %get3A_35 = arith.constant 0 : index
    %get3A_36 = vector.load %arg6[%get3A_34, %get3A_35] : memref<16x1024xf32, #tpu.memory_space<vmem>>, vector<16x1024xf32>
    %dot_general3A_37 = arith.constant dense<0.000000e+00> : vector<8192x1024xf32>
    %dot_general3A_38 = tpu.matmul %max3A_33, %get3A_36, %dot_general3A_37 {dimension_numbers = #tpu.dot_dimension_numbers<[1], [0], [0], [1], [0, 0, 1, 1], [], []>, transpose_lhs_hint = false} : vector<8192x16xf32>, vector<16x1024xf32>, vector<8192x1024xf32> -> vector<8192x1024xf32>
    %get3A_39 = arith.constant 0 : index
    %get3A_40 = arith.constant 0 : index
    %get3A_41 = vector.load %arg3[%get3A_39, %get3A_40] : memref<8192x64xf32, #tpu.memory_space<vmem>>, vector<8192x64xf32>
    %concatenate3A = tpu.concatenate %get3A_41, %get3A_41, %get3A_41, %get3A_41, %get3A_41, %get3A_41, %get3A_41, %get3A_41, %get3A_41, %get3A_41, %get3A_41, %get3A_41, %get3A_41, %get3A_41, %get3A_41, %get3A_41 in 1 : vector<8192x64xf32>, vector<8192x64xf32>, vector<8192x64xf32>, vector<8192x64xf32>, vector<8192x64xf32>, vector<8192x64xf32>, vector<8192x64xf32>, vector<8192x64xf32>, vector<8192x64xf32>, vector<8192x64xf32>, vector<8192x64xf32>, vector<8192x64xf32>, vector<8192x64xf32>, vector<8192x64xf32>, vector<8192x64xf32>, vector<8192x64xf32> -> vector<8192x1024xf32>
    %mul3A_42 = arith.mulf %dot_general3A_38, %concatenate3A : vector<8192x1024xf32>
    %reshape3A_43 = vector.shape_cast %mul3A_42 : vector<8192x1024xf32> to vector<256x32x1024xf32>
    %reduce_sum3A_44 = arith.constant dense<0.000000e+00> : vector<256x1024xf32>
    %reduce_sum3A_45 = vector.multi_reduction <add>, %reshape3A_43, %reduce_sum3A_44 [1] : vector<256x32x1024xf32> to vector<256x1024xf32>
    %get3A_46 = arith.constant 0 : index
    %get3A_47 = arith.constant 0 : index
    %get3A_48 = vector.load %arg7[%get3A_46, %get3A_47] : memref<1024x64xf32, #tpu.memory_space<vmem>>, vector<1024x64xf32>
    %dot_general3A_49 = arith.constant dense<0.000000e+00> : vector<256x64xf32>
    %dot_general3A_50 = tpu.matmul %reduce_sum3A_45, %get3A_48, %dot_general3A_49 {dimension_numbers = #tpu.dot_dimension_numbers<[1], [0], [0], [1], [0, 0, 1, 1], [], []>, transpose_lhs_hint = false} : vector<256x1024xf32>, vector<1024x64xf32>, vector<256x64xf32> -> vector<256x64xf32>
    %reduce_sum3A_51 = arith.constant dense<0.000000e+00> : vector<8192xf32>
    %reduce_sum3A_52 = vector.multi_reduction <add>, %get3A_41, %reduce_sum3A_51 [1] : vector<8192x64xf32> to vector<8192xf32>
    %abs3A = math.absf %reduce_sum3A_52 : vector<8192xf32>
    %gt3A = arith.constant 0.000000e+00 : f32
    %gt3A_53 = vector.broadcast %gt3A : f32 to vector<8192xf32>
    %gt3A_54 = arith.cmpf ogt, %abs3A, %gt3A_53 : vector<8192xf32>
    %convert_element_type3A = arith.extui %gt3A_54 : vector<8192xi1> to vector<8192xi32>
    %convert_element_type3A_55 = arith.sitofp %convert_element_type3A : vector<8192xi32> to vector<8192xf32>
    %reshape3A_56 = vector.shape_cast %convert_element_type3A_55 : vector<8192xf32> to vector<256x32xf32>
    %reduce_sum3A_57 = arith.constant dense<0.000000e+00> : vector<256xf32>
    %reduce_sum3A_58 = vector.multi_reduction <add>, %reshape3A_56, %reduce_sum3A_57 [1] : vector<256x32xf32> to vector<256xf32>
    %max3A_59 = arith.constant 1.000000e+00 : f32
    %max3A_60 = vector.broadcast %max3A_59 : f32 to vector<256xf32>
    %max3A_61 = arith.maximumf %reduce_sum3A_58, %max3A_60 : vector<256xf32>
    %broadcast_in_dim3A_62 = vector.shape_cast %max3A_61 : vector<256xf32> to vector<256x1xf32>
    %div3A_63 = vector.broadcast %broadcast_in_dim3A_62 : vector<256x1xf32> to vector<256x64xf32>
    %div3A_64 = arith.divf %dot_general3A_50, %div3A_63 : vector<256x64xf32>
    %get3A_65 = arith.constant 0 : index
    %get3A_66 = arith.constant 0 : index
    %get3A_67 = vector.load %arg8[%get3A_65, %get3A_66] : memref<8x64xf32, #tpu.memory_space<vmem>>, vector<1x64xf32>
    %get3A_68 = vector.shape_cast %get3A_67 : vector<1x64xf32> to vector<64xf32>
    %broadcast_in_dim3A_69 = vector.shape_cast %get3A_68 : vector<64xf32> to vector<1x64xf32>
    %add3A_70 = vector.broadcast %broadcast_in_dim3A_69 : vector<1x64xf32> to vector<256x64xf32>
    %add3A_71 = arith.addf %div3A_64, %add3A_70 : vector<256x64xf32>
    %swap3A = arith.constant 0 : index
    %swap3A_72 = arith.constant 0 : index
    %swap3A_73 = vector.load %arg9[%swap3A, %swap3A_72] : memref<256x64xf32, #tpu.memory_space<vmem>>, vector<256x64xf32>
    tpu.vector_store %arg9[%swap3A, %swap3A_72], %add3A_71 {strides = array<i32>} : memref<256x64xf32, #tpu.memory_space<vmem>>, vector<256x64xf32>,
    %reduce_sum3A_74 = arith.constant dense<0.000000e+00> : vector<64xf32>
    %reduce_sum3A_75 = vector.multi_reduction <add>, %add3A_71, %reduce_sum3A_74 [0] : vector<256x64xf32> to vector<64xf32>
    %mul3A_76 = arith.mulf %add3A_71, %add3A_71 : vector<256x64xf32>
    %reduce_sum3A_77 = arith.constant dense<0.000000e+00> : vector<64xf32>
    %reduce_sum3A_78 = vector.multi_reduction <add>, %mul3A_76, %reduce_sum3A_77 [0] : vector<256x64xf32> to vector<64xf32>
    %stack3A = vector.shape_cast %reduce_sum3A_75 : vector<64xf32> to vector<1x64xf32>
    %stack3A_79 = vector.shape_cast %reduce_sum3A_78 : vector<64xf32> to vector<1x64xf32>
    %stack3A_80 = tpu.concatenate %stack3A, %stack3A_79 in 0 : vector<1x64xf32>, vector<1x64xf32> -> vector<2x64xf32>
    %broadcast_in_dim3A_81 = arith.constant 0.000000e+00 : f32
    %broadcast_in_dim3A_82 = vector.broadcast %broadcast_in_dim3A_81 : f32 to vector<2x64xf32>
    %concatenate3A_83 = tpu.concatenate %stack3A_80, %broadcast_in_dim3A_82 in 1 : vector<2x64xf32>, vector<2x64xf32> -> vector<2x128xf32>
    %broadcast_in_dim3A_84 = arith.constant 0.000000e+00 : f32
    %broadcast_in_dim3A_85 = vector.broadcast %broadcast_in_dim3A_84 : f32 to vector<6x128xf32>
    %concatenate3A_86 = tpu.concatenate %concatenate3A_83, %broadcast_in_dim3A_85 in 0 : vector<2x128xf32>, vector<6x128xf32> -> vector<8x128xf32>
    %eq3A = arith.constant 0 : i32
    %eq3A_87 = arith.cmpi eq, %arg0, %eq3A : i32
    %convert_element_type3A_88 = arith.extui %eq3A_87 : i1 to i32
    %cond3A = arith.constant 0 : i32
    %cond3A_89 = arith.cmpi ne, %convert_element_type3A_88, %cond3A : i32
    scf.if %cond3A_89 {
      %swap3A_94 = arith.constant 0 : index
      %swap3A_95 = arith.constant 0 : index
      %swap3A_96 = vector.load %arg10[%swap3A_94, %swap3A_95] : memref<8x128xf32, #tpu.memory_space<vmem>>, vector<8x128xf32>
      tpu.vector_store %arg10[%swap3A_94, %swap3A_95], %concatenate3A_86 {strides = array<i32>} : memref<8x128xf32, #tpu.memory_space<vmem>>, vector<8x128xf32>,
    } else {
    }
    %ne3A = arith.constant 0 : i32
    %ne3A_90 = arith.cmpi ne, %arg0, %ne3A : i32
    %convert_element_type3A_91 = arith.extui %ne3A_90 : i1 to i32
    %cond3A_92 = arith.constant 0 : i32
    %cond3A_93 = arith.cmpi ne, %convert_element_type3A_91, %cond3A_92 : i32
    scf.if %cond3A_93 {
      %get3A_94 = arith.constant 0 : index
      %get3A_95 = arith.constant 0 : index
      %get3A_96 = vector.load %arg10[%get3A_94, %get3A_95] : memref<8x128xf32, #tpu.memory_space<vmem>>, vector<8x128xf32>
      %add3A_97 = arith.addf %get3A_96, %concatenate3A_86 : vector<8x128xf32>
      %swap3A_98 = arith.constant 0 : index
      %swap3A_99 = arith.constant 0 : index
      %swap3A_100 = vector.load %arg10[%swap3A_98, %swap3A_99] : memref<8x128xf32, #tpu.memory_space<vmem>>, vector<8x128xf32>
      tpu.vector_store %arg10[%swap3A_98, %swap3A_99], %add3A_97 {strides = array<i32>} : memref<8x128xf32, #tpu.memory_space<vmem>>, vector<8x128xf32>,
    } else {
    }
    return
  }
  func.func @transform_0(%arg0: i32) -> (i32, i32) {
    %c0_i32 = arith.constant 0 : i32
    %c0_i32_0 = arith.constant 0 : i32
    return %arg0, %c0_i32 : i32, i32
  }
  func.func @transform_1(%arg0: i32) -> (i32, i32) {
    %c0_i32 = arith.constant 0 : i32
    %c0_i32_0 = arith.constant 0 : i32
    return %arg0, %c0_i32 : i32, i32
  }
  func.func @transform_2(%arg0: i32) -> (i32, i32) {
    %c0_i32 = arith.constant 0 : i32
    %c0_i32_0 = arith.constant 0 : i32
    return %arg0, %c0_i32 : i32, i32
  }
  func.func @transform_3(%arg0: i32) -> (i32, i32) {
    %c0_i32 = arith.constant 0 : i32
    %c0_i32_0 = arith.constant 0 : i32
    %c0_i32_1 = arith.constant 0 : i32
    return %c0_i32, %c0_i32_0 : i32, i32
  }
  func.func @transform_4(%arg0: i32) -> (i32, i32) {
    %c0_i32 = arith.constant 0 : i32
    %c0_i32_0 = arith.constant 0 : i32
    %c0_i32_1 = arith.constant 0 : i32
    return %c0_i32, %c0_i32_0 : i32, i32
  }
  func.func @transform_5(%arg0: i32) -> (i32, i32) {
    %c0_i32 = arith.constant 0 : i32
    %c0_i32_0 = arith.constant 0 : i32
    %c0_i32_1 = arith.constant 0 : i32
    return %c0_i32, %c0_i32_0 : i32, i32
  }
  func.func @transform_6(%arg0: i32) -> (i32, i32) {
    %c0_i32 = arith.constant 0 : i32
    %c0_i32_0 = arith.constant 0 : i32
    %c0_i32_1 = arith.constant 0 : i32
    return %c0_i32, %c0_i32_0 : i32, i32
  }
  func.func @transform_7(%arg0: i32) -> (i32, i32) {
    %c0_i32 = arith.constant 0 : i32
    %c0_i32_0 = arith.constant 0 : i32
    %c0_i32_1 = arith.constant 0 : i32
    return %c0_i32, %c0_i32_0 : i32, i32
  }
  func.func @transform_8(%arg0: i32) -> (i32, i32) {
    %c0_i32 = arith.constant 0 : i32
    %c0_i32_0 = arith.constant 0 : i32
    return %arg0, %c0_i32 : i32, i32
  }
  func.func @transform_9(%arg0: i32) -> (i32, i32) {
    %c0_i32 = arith.constant 0 : i32
    %c0_i32_0 = arith.constant 0 : i32
    %c0_i32_1 = arith.constant 0 : i32
    return %c0_i32, %c0_i32_0 : i32, i32
  }
}

module attributes {stable_mosaic.version = 14 : i64} {
  func.func @_stage2_kernel(%arg0: i32, %arg1: memref<256x64xf32, #tpu.memory_space<vmem>>, %arg2: memref<8x128xf32, #tpu.memory_space<vmem>>, %arg3: memref<8x128xf32, #tpu.memory_space<vmem>>, %arg4: memref<8x128xf32, #tpu.memory_space<vmem>>, %arg5: memref<8x128xf32, #tpu.memory_space<vmem>>, %arg6: memref<8x128xf32, #tpu.memory_space<vmem>>, %arg7: memref<8x128xf32, #tpu.memory_space<vmem>>, %arg8: memref<8x128xf32, #tpu.memory_space<vmem>>, %arg9: memref<8x128xf32, #tpu.memory_space<vmem>>, %arg10: memref<8x64xf32, #tpu.memory_space<vmem>>, %arg11: memref<8x64xf32, #tpu.memory_space<vmem>>, %arg12: memref<256x64xf32, #tpu.memory_space<vmem>>) attributes {dimension_semantics = [#tpu.dimension_semantics<arbitrary>], iteration_bounds = array<i64: 8>, scalar_prefetch = 0 : i64, scratch_operands = 0 : i64, tpu.core_type = #tpu.core_type<tc>, window_params = [{transform_indices = @transform_0, window_bounds = array<i64: 256, 64>}, {pipeline_mode = #tpu.pipeline_mode<synchronous>, transform_indices = @transform_1, window_bounds = array<i64: 8, 128>}, {pipeline_mode = #tpu.pipeline_mode<synchronous>, transform_indices = @transform_2, window_bounds = array<i64: 8, 128>}, {pipeline_mode = #tpu.pipeline_mode<synchronous>, transform_indices = @transform_3, window_bounds = array<i64: 8, 128>}, {pipeline_mode = #tpu.pipeline_mode<synchronous>, transform_indices = @transform_4, window_bounds = array<i64: 8, 128>}, {pipeline_mode = #tpu.pipeline_mode<synchronous>, transform_indices = @transform_5, window_bounds = array<i64: 8, 128>}, {pipeline_mode = #tpu.pipeline_mode<synchronous>, transform_indices = @transform_6, window_bounds = array<i64: 8, 128>}, {pipeline_mode = #tpu.pipeline_mode<synchronous>, transform_indices = @transform_7, window_bounds = array<i64: 8, 128>}, {pipeline_mode = #tpu.pipeline_mode<synchronous>, transform_indices = @transform_8, window_bounds = array<i64: 8, 128>}, {pipeline_mode = #tpu.pipeline_mode<synchronous>, transform_indices = @transform_9, window_bounds = array<i64: 8, 64>}, {pipeline_mode = #tpu.pipeline_mode<synchronous>, transform_indices = @transform_10, window_bounds = array<i64: 8, 64>}, {transform_indices = @transform_11, window_bounds = array<i64: 256, 64>}]} {
    %get3A = arith.constant 0 : index
    %get3A_0 = arith.constant 0 : index
    %get3A_1 = vector.load %arg2[%get3A, %get3A_0] : memref<8x128xf32, #tpu.memory_space<vmem>>, vector<1x64xf32>
    %get3A_2 = vector.shape_cast %get3A_1 : vector<1x64xf32> to vector<64xf32>
    %get3A_3 = arith.constant 1 : index
    %get3A_4 = arith.constant 0 : index
    %get3A_5 = vector.load %arg2[%get3A_3, %get3A_4] : memref<8x128xf32, #tpu.memory_space<vmem>>, vector<1x64xf32>
    %get3A_6 = vector.shape_cast %get3A_5 : vector<1x64xf32> to vector<64xf32>
    %get3A_7 = arith.constant 0 : index
    %get3A_8 = arith.constant 0 : index
    %get3A_9 = vector.load %arg3[%get3A_7, %get3A_8] : memref<8x128xf32, #tpu.memory_space<vmem>>, vector<1x64xf32>
    %get3A_10 = vector.shape_cast %get3A_9 : vector<1x64xf32> to vector<64xf32>
    %add3A = arith.addf %get3A_2, %get3A_10 : vector<64xf32>
    %get3A_11 = arith.constant 1 : index
    %get3A_12 = arith.constant 0 : index
    %get3A_13 = vector.load %arg3[%get3A_11, %get3A_12] : memref<8x128xf32, #tpu.memory_space<vmem>>, vector<1x64xf32>
    %get3A_14 = vector.shape_cast %get3A_13 : vector<1x64xf32> to vector<64xf32>
    %add3A_15 = arith.addf %get3A_6, %get3A_14 : vector<64xf32>
    %get3A_16 = arith.constant 0 : index
    %get3A_17 = arith.constant 0 : index
    %get3A_18 = vector.load %arg4[%get3A_16, %get3A_17] : memref<8x128xf32, #tpu.memory_space<vmem>>, vector<1x64xf32>
    %get3A_19 = vector.shape_cast %get3A_18 : vector<1x64xf32> to vector<64xf32>
    %add3A_20 = arith.addf %add3A, %get3A_19 : vector<64xf32>
    %get3A_21 = arith.constant 1 : index
    %get3A_22 = arith.constant 0 : index
    %get3A_23 = vector.load %arg4[%get3A_21, %get3A_22] : memref<8x128xf32, #tpu.memory_space<vmem>>, vector<1x64xf32>
    %get3A_24 = vector.shape_cast %get3A_23 : vector<1x64xf32> to vector<64xf32>
    %add3A_25 = arith.addf %add3A_15, %get3A_24 : vector<64xf32>
    %get3A_26 = arith.constant 0 : index
    %get3A_27 = arith.constant 0 : index
    %get3A_28 = vector.load %arg5[%get3A_26, %get3A_27] : memref<8x128xf32, #tpu.memory_space<vmem>>, vector<1x64xf32>
    %get3A_29 = vector.shape_cast %get3A_28 : vector<1x64xf32> to vector<64xf32>
    %add3A_30 = arith.addf %add3A_20, %get3A_29 : vector<64xf32>
    %get3A_31 = arith.constant 1 : index
    %get3A_32 = arith.constant 0 : index
    %get3A_33 = vector.load %arg5[%get3A_31, %get3A_32] : memref<8x128xf32, #tpu.memory_space<vmem>>, vector<1x64xf32>
    %get3A_34 = vector.shape_cast %get3A_33 : vector<1x64xf32> to vector<64xf32>
    %add3A_35 = arith.addf %add3A_25, %get3A_34 : vector<64xf32>
    %get3A_36 = arith.constant 0 : index
    %get3A_37 = arith.constant 0 : index
    %get3A_38 = vector.load %arg6[%get3A_36, %get3A_37] : memref<8x128xf32, #tpu.memory_space<vmem>>, vector<1x64xf32>
    %get3A_39 = vector.shape_cast %get3A_38 : vector<1x64xf32> to vector<64xf32>
    %add3A_40 = arith.addf %add3A_30, %get3A_39 : vector<64xf32>
    %get3A_41 = arith.constant 1 : index
    %get3A_42 = arith.constant 0 : index
    %get3A_43 = vector.load %arg6[%get3A_41, %get3A_42] : memref<8x128xf32, #tpu.memory_space<vmem>>, vector<1x64xf32>
    %get3A_44 = vector.shape_cast %get3A_43 : vector<1x64xf32> to vector<64xf32>
    %add3A_45 = arith.addf %add3A_35, %get3A_44 : vector<64xf32>
    %get3A_46 = arith.constant 0 : index
    %get3A_47 = arith.constant 0 : index
    %get3A_48 = vector.load %arg7[%get3A_46, %get3A_47] : memref<8x128xf32, #tpu.memory_space<vmem>>, vector<1x64xf32>
    %get3A_49 = vector.shape_cast %get3A_48 : vector<1x64xf32> to vector<64xf32>
    %add3A_50 = arith.addf %add3A_40, %get3A_49 : vector<64xf32>
    %get3A_51 = arith.constant 1 : index
    %get3A_52 = arith.constant 0 : index
    %get3A_53 = vector.load %arg7[%get3A_51, %get3A_52] : memref<8x128xf32, #tpu.memory_space<vmem>>, vector<1x64xf32>
    %get3A_54 = vector.shape_cast %get3A_53 : vector<1x64xf32> to vector<64xf32>
    %add3A_55 = arith.addf %add3A_45, %get3A_54 : vector<64xf32>
    %get3A_56 = arith.constant 0 : index
    %get3A_57 = arith.constant 0 : index
    %get3A_58 = vector.load %arg8[%get3A_56, %get3A_57] : memref<8x128xf32, #tpu.memory_space<vmem>>, vector<1x64xf32>
    %get3A_59 = vector.shape_cast %get3A_58 : vector<1x64xf32> to vector<64xf32>
    %add3A_60 = arith.addf %add3A_50, %get3A_59 : vector<64xf32>
    %get3A_61 = arith.constant 1 : index
    %get3A_62 = arith.constant 0 : index
    %get3A_63 = vector.load %arg8[%get3A_61, %get3A_62] : memref<8x128xf32, #tpu.memory_space<vmem>>, vector<1x64xf32>
    %get3A_64 = vector.shape_cast %get3A_63 : vector<1x64xf32> to vector<64xf32>
    %add3A_65 = arith.addf %add3A_55, %get3A_64 : vector<64xf32>
    %get3A_66 = arith.constant 0 : index
    %get3A_67 = arith.constant 0 : index
    %get3A_68 = vector.load %arg9[%get3A_66, %get3A_67] : memref<8x128xf32, #tpu.memory_space<vmem>>, vector<1x64xf32>
    %get3A_69 = vector.shape_cast %get3A_68 : vector<1x64xf32> to vector<64xf32>
    %add3A_70 = arith.addf %add3A_60, %get3A_69 : vector<64xf32>
    %get3A_71 = arith.constant 1 : index
    %get3A_72 = arith.constant 0 : index
    %get3A_73 = vector.load %arg9[%get3A_71, %get3A_72] : memref<8x128xf32, #tpu.memory_space<vmem>>, vector<1x64xf32>
    %get3A_74 = vector.shape_cast %get3A_73 : vector<1x64xf32> to vector<64xf32>
    %add3A_75 = arith.addf %add3A_65, %get3A_74 : vector<64xf32>
    %div3A = arith.constant 1.638400e+04 : f32
    %div3A_76 = vector.broadcast %div3A : f32 to vector<64xf32>
    %div3A_77 = arith.divf %add3A_70, %div3A_76 : vector<64xf32>
    %div3A_78 = arith.constant 1.638400e+04 : f32
    %div3A_79 = vector.broadcast %div3A_78 : f32 to vector<64xf32>
    %div3A_80 = arith.divf %add3A_75, %div3A_79 : vector<64xf32>
    %mul3A = arith.mulf %div3A_77, %div3A_77 : vector<64xf32>
    %sub3A = arith.subf %div3A_80, %mul3A : vector<64xf32>
    %add3A_81 = arith.constant 9.99999974E-6 : f32
    %add3A_82 = vector.broadcast %add3A_81 : f32 to vector<64xf32>
    %add3A_83 = arith.addf %sub3A, %add3A_82 : vector<64xf32>
    %rsqrt3A = math.rsqrt %add3A_83 : vector<64xf32>
    %get3A_84 = arith.constant 0 : index
    %get3A_85 = arith.constant 0 : index
    %get3A_86 = vector.load %arg1[%get3A_84, %get3A_85] : memref<256x64xf32, #tpu.memory_space<vmem>>, vector<256x64xf32>
    %broadcast_in_dim3A = vector.shape_cast %div3A_77 : vector<64xf32> to vector<1x64xf32>
    %sub3A_87 = vector.broadcast %broadcast_in_dim3A : vector<1x64xf32> to vector<256x64xf32>
    %sub3A_88 = arith.subf %get3A_86, %sub3A_87 : vector<256x64xf32>
    %broadcast_in_dim3A_89 = vector.shape_cast %rsqrt3A : vector<64xf32> to vector<1x64xf32>
    %mul3A_90 = vector.broadcast %broadcast_in_dim3A_89 : vector<1x64xf32> to vector<256x64xf32>
    %mul3A_91 = arith.mulf %sub3A_88, %mul3A_90 : vector<256x64xf32>
    %get3A_92 = arith.constant 0 : index
    %get3A_93 = arith.constant 0 : index
    %get3A_94 = vector.load %arg10[%get3A_92, %get3A_93] : memref<8x64xf32, #tpu.memory_space<vmem>>, vector<1x64xf32>
    %get3A_95 = vector.shape_cast %get3A_94 : vector<1x64xf32> to vector<64xf32>
    %broadcast_in_dim3A_96 = vector.shape_cast %get3A_95 : vector<64xf32> to vector<1x64xf32>
    %mul3A_97 = vector.broadcast %broadcast_in_dim3A_96 : vector<1x64xf32> to vector<256x64xf32>
    %mul3A_98 = arith.mulf %mul3A_91, %mul3A_97 : vector<256x64xf32>
    %get3A_99 = arith.constant 0 : index
    %get3A_100 = arith.constant 0 : index
    %get3A_101 = vector.load %arg11[%get3A_99, %get3A_100] : memref<8x64xf32, #tpu.memory_space<vmem>>, vector<1x64xf32>
    %get3A_102 = vector.shape_cast %get3A_101 : vector<1x64xf32> to vector<64xf32>
    %broadcast_in_dim3A_103 = vector.shape_cast %get3A_102 : vector<64xf32> to vector<1x64xf32>
    %add3A_104 = vector.broadcast %broadcast_in_dim3A_103 : vector<1x64xf32> to vector<256x64xf32>
    %add3A_105 = arith.addf %mul3A_98, %add3A_104 : vector<256x64xf32>
    %max3A = arith.constant 0.000000e+00 : f32
    %max3A_106 = vector.broadcast %max3A : f32 to vector<256x64xf32>
    %max3A_107 = arith.maximumf %add3A_105, %max3A_106 : vector<256x64xf32>
    %swap3A = arith.constant 0 : index
    %swap3A_108 = arith.constant 0 : index
    %swap3A_109 = vector.load %arg12[%swap3A, %swap3A_108] : memref<256x64xf32, #tpu.memory_space<vmem>>, vector<256x64xf32>
    tpu.vector_store %arg12[%swap3A, %swap3A_108], %max3A_107 {strides = array<i32>} : memref<256x64xf32, #tpu.memory_space<vmem>>, vector<256x64xf32>,
    return
  }
  func.func @transform_0(%arg0: i32) -> (i32, i32) {
    %c0_i32 = arith.constant 0 : i32
    %c0_i32_0 = arith.constant 0 : i32
    return %arg0, %c0_i32 : i32, i32
  }
  func.func @transform_1(%arg0: i32) -> (i32, i32) {
    %c0_i32 = arith.constant 0 : i32
    %c0_i32_0 = arith.constant 0 : i32
    %c0_i32_1 = arith.constant 0 : i32
    return %c0_i32, %c0_i32_0 : i32, i32
  }
  func.func @transform_2(%arg0: i32) -> (i32, i32) {
    %c0_i32 = arith.constant 0 : i32
    %c0_i32_0 = arith.constant 0 : i32
    %c0_i32_1 = arith.constant 0 : i32
    return %c0_i32, %c0_i32_0 : i32, i32
  }
  func.func @transform_3(%arg0: i32) -> (i32, i32) {
    %c0_i32 = arith.constant 0 : i32
    %c0_i32_0 = arith.constant 0 : i32
    %c0_i32_1 = arith.constant 0 : i32
    return %c0_i32, %c0_i32_0 : i32, i32
  }
  func.func @transform_4(%arg0: i32) -> (i32, i32) {
    %c0_i32 = arith.constant 0 : i32
    %c0_i32_0 = arith.constant 0 : i32
    %c0_i32_1 = arith.constant 0 : i32
    return %c0_i32, %c0_i32_0 : i32, i32
  }
  func.func @transform_5(%arg0: i32) -> (i32, i32) {
    %c0_i32 = arith.constant 0 : i32
    %c0_i32_0 = arith.constant 0 : i32
    %c0_i32_1 = arith.constant 0 : i32
    return %c0_i32, %c0_i32_0 : i32, i32
  }
  func.func @transform_6(%arg0: i32) -> (i32, i32) {
    %c0_i32 = arith.constant 0 : i32
    %c0_i32_0 = arith.constant 0 : i32
    %c0_i32_1 = arith.constant 0 : i32
    return %c0_i32, %c0_i32_0 : i32, i32
  }
  func.func @transform_7(%arg0: i32) -> (i32, i32) {
    %c0_i32 = arith.constant 0 : i32
    %c0_i32_0 = arith.constant 0 : i32
    %c0_i32_1 = arith.constant 0 : i32
    return %c0_i32, %c0_i32_0 : i32, i32
  }
  func.func @transform_8(%arg0: i32) -> (i32, i32) {
    %c0_i32 = arith.constant 0 : i32
    %c0_i32_0 = arith.constant 0 : i32
    %c0_i32_1 = arith.constant 0 : i32
    return %c0_i32, %c0_i32_0 : i32, i32
  }
  func.func @transform_9(%arg0: i32) -> (i32, i32) {
    %c0_i32 = arith.constant 0 : i32
    %c0_i32_0 = arith.constant 0 : i32
    %c0_i32_1 = arith.constant 0 : i32
    return %c0_i32, %c0_i32_0 : i32, i32
  }
  func.func @transform_10(%arg0: i32) -> (i32, i32) {
    %c0_i32 = arith.constant 0 : i32
    %c0_i32_0 = arith.constant 0 : i32
    %c0_i32_1 = arith.constant 0 : i32
    return %c0_i32, %c0_i32_0 : i32, i32
  }
  func.func @transform_11(%arg0: i32) -> (i32, i32) {
    %c0_i32 = arith.constant 0 : i32
    %c0_i32_0 = arith.constant 0 : i32
    return %arg0, %c0_i32 : i32, i32
  }
}

</mosaic_0001>

<sc_bundles>
// kernel: kernel.26.cloned.1.call-start
scs
__scs_entry_jumppad:
0x0: {  	(pc) =	sbr.rel $0x88, $3  }
0x1: {  	(tag) =	ssettag $0x0;
	lr =	simm.s32 $0x1  }
0x2: {  	[smem:$0x3F98] =	sst lr;
	_ =	strace $0xD0000000  }
0x3: {  	_ = 	snop  }
0x4: {  	_ = 	snop  }
0x5: {  	_ = 	snop  }
0x6: {  	_ = 	snop  }
0x7: {  	_ = 	snop  }
__scs_overlays_trampoline_lowered:
0x8: {  	[smem:$0x3FA7] =	sst s0  }
0x9: {  	[smem:$0x3FA8] =	sst s1  }
0xa: {  	[smem:$0x3FA9] =	sst s2  }
0xb: {  	[smem:$0x3FAA] =	sst s3  }
0xc: {  	[smem:$0x3FAB] =	sst s4  }
0xd: {  	[smem:$0x3FAC] =	sst s5  }
0xe: {  	[smem:$0x3FAD] =	sst s6  }
0xf: {  	[smem:$0x3FAE] =	sst s7  }
0x10: {  	[smem:$0x3FAF] =	sst s8  }
0x11: {  	[smem:$0x3FB0] =	sst s9;
	s0 =	simm.s32 @!p0 $0x0  }
0x12: {  	s1 =	sld [smem:$0x3F96];
	s0 =	simm.s32 @p0 $0x1  }
0x13: {  	[smem:$0x3FB1] =	sst s0;
	s0 =	simm.s32 @!p1 $0x0  }
0x14: {  	s2 =	sld [smem:$0x3F95];
	s0 =	simm.s32 @p1 $0x1  }
0x15: {  	[smem:$0x3FB2] =	sst s0;
	s0 =	simm.s32 @!p2 $0x0  }
0x16: {  	s3 =	sld [smem:$0x3FDB];
	s0 =	simm.s32 @p2 $0x1  }
0x17: {  	s4 =	simm.s32 $0x1BF5;
	[smem:$0x3FB4] =	sst s0  }
0x18: {  	s0 =	sld [smem:$0x3F97];
	_ =	swait.ge [sflag:s4], $0x0  }
0x19: {  	s7 =	sld [smem:$0x3F98]  }
0x1a: {  	s8 =	sadd.s32 $0xFFFFE003, lr  }
0x1b: {  	s9 =	sadd.s32 $0xFFFFFEF7, lr;
	s5 =	simm.s32 $0xFFFFFFFF;
	p2 =	slt.u32 s8, $0xFFFFF086  }
0x1c: {  	p1 =	slt.u32 s9, $0xF7A;
	s5 =	simm.s32 @!p2 $0x0  }
0x1d: {  	s5 =	simm.s32 @p1 $0x1;
	p0 =	seq.s32 s7, s2  }
0x1e: {  	s7 =	smul.u32 @!p0 $0xF7A, s2;
	p2 =	seq.s32 @!p0 s5, $0x0  }
0x1f: {  	s9 =	smul.u32 $0xF7A, s1;
	s8 =	simm.s32 @!p0 $0x1BF5;
	p2 =	por !p2, p0  }
0x20: {  	[sflag:s8] =	ssyncset.s32 @!p0 $0xFFFFF086;
	s6 =	sadd.s32 @!p0 s3, s7;
	s7 =	simm.s32 @!p0 $0x108  }
0x21: {  	s3 =	sadd.s32 s3, s9;
	s6 =	sadd.s32 @!p0 $0x88, s6;
	s7 =	simm.s32 @p2 $0x1082  }
0x22: {  	[simem:s7], [sflag:s8] =	dma.local @!p0 [hbm:s6], $0xF7A  }
0x23: {  	s9 =	sor.u32 $0xD0000000, s2;
	s6 =	simm.s32 $0x108;
	_ =	swait.ge @!p0 [sflag:s8], $0x0  }
0x24: {  	s3 =	sadd.s32 $0x88, s3;
	s6 =	simm.s32 @!p1 $0x1082;
	[sflag:s4] =	ssyncset.s32 $0xFFFFF086  }
0x25: {  	[simem:s6], [sflag:s4] =	dma.local [hbm:s3], $0xF7A  }
0x26: {  	[smem:$0x3F98] =	sst s1;
	(tag) =	ssettag s2;
	_ =	strace s9  }
0x27: {  	s1 =	sld [smem:$0x3FA8]  }
0x28: {  	s2 =	sld [smem:$0x3FA9]  }
0x29: {  	s4 =	sld [smem:$0x3FAB]  }
0x2a: {  	p0 =	seq.s32 s5, $0x0;
	s5 =	sld [smem:$0x3FAC]  }
0x2b: {  	s6 =	sld [smem:$0x3FAD]  }
0x2c: {  	s7 =	sld [smem:$0x3FAE]  }
0x2d: {  	s3 =	simm.s32 $0x108;
	s8 =	sld [smem:$0x3FAF]  }
0x2e: {  	s3 =	simm.s32 @!p0 $0x1082;
	s9 =	sld [smem:$0x3FB0]  }
0x2f: {  	lr =	sadd.s32 s0, s3;
	s0 =	sld [smem:$0x3FA7]  }
0x30: {  	s3 =	sld [smem:$0x3FAA]  }
0x31: {  	[smem:$0x3FB3] =	sst s10  }
0x32: {  	s10 =	sld [smem:$0x3FB1];
	_ =	sdelay $0x3  }
0x33: {  	p0 =	seq.s32 s10, $0x1;
	s10 =	sld [smem:$0x3FB3];
	_ =	sdelay $0x3  }
0x34: {  	[smem:$0x3FB3] =	sst s10  }
0x35: {  	s10 =	sld [smem:$0x3FB2];
	_ =	sdelay $0x3  }
0x36: {  	p1 =	seq.s32 s10, $0x1;
	s10 =	sld [smem:$0x3FB3];
	_ =	sdelay $0x3  }
0x37: {  	[smem:$0x3FB3] =	sst s10  }
0x38: {  	s10 =	sld [smem:$0x3FB4]  }
0x39: {  	_ = 	snop;
	(pc) =	sbr.ind lr, $3  }
0x3a: {  	_ = 	snop  }
0x3b: {  	_ = 	snop  }
0x3c: {  	p2 =	seq.s32 s10, $0x1;
	s10 =	sld [smem:$0x3FB3]  }
0x3d: {  	_ =	shalt  }
0x3e: {  	_ =	shalt  }
0x3f: {  	_ =	shalt  }
0x40: {  	_ =	shalt  }
0x41: {  	_ =	shalt  }
0x42: {  	_ =	shalt  }
0x43: {  	_ =	shalt  }
0x44: {  	_ =	shalt  }
0x45: {  	_ =	shalt  }
0x46: {  	_ =	shalt  }
0x47: {  	_ =	shalt  }
0x48: {  	_ =	shalt  }
0x49: {  	_ =	shalt  }
0x4a: {  	_ =	shalt  }
0x4b: {  	_ =	shalt  }
0x4c: {  	_ =	shalt  }
0x4d: {  	_ =	shalt  }
0x4e: {  	_ =	shalt  }
0x4f: {  	_ =	shalt  }
0x50: {  	_ =	shalt  }
0x51: {  	_ =	shalt  }
0x52: {  	_ =	shalt  }
0x53: {  	_ =	shalt  }
0x54: {  	_ =	shalt  }
0x55: {  	_ =	shalt  }
0x56: {  	_ =	shalt  }
0x57: {  	_ =	shalt  }
0x58: {  	_ =	shalt  }
0x59: {  	_ =	shalt  }
0x5a: {  	_ =	shalt  }
0x5b: {  	_ =	shalt  }
0x5c: {  	_ =	shalt  }
0x5d: {  	_ =	shalt  }
0x5e: {  	_ =	shalt  }
0x5f: {  	_ =	shalt  }
0x60: {  	_ =	shalt  }
0x61: {  	_ =	shalt  }
0x62: {  	_ =	shalt  }
0x63: {  	_ =	shalt  }
0x64: {  	_ =	shalt  }
0x65: {  	_ =	shalt  }
0x66: {  	_ =	shalt  }
0x67: {  	_ =	shalt  }
0x68: {  	_ =	shalt  }
0x69: {  	_ =	shalt  }
0x6a: {  	_ =	shalt  }
0x6b: {  	_ =	shalt  }
0x6c: {  	_ =	shalt  }
0x6d: {  	_ =	shalt  }
0x6e: {  	_ =	shalt  }
0x6f: {  	_ =	shalt  }
0x70: {  	_ =	shalt  }
0x71: {  	_ =	shalt  }
0x72: {  	_ =	shalt  }
0x73: {  	_ =	shalt  }
0x74: {  	_ =	shalt  }
0x75: {  	_ =	shalt  }
0x76: {  	_ =	shalt  }
0x77: {  	_ =	shalt  }
0x78: {  	_ =	shalt  }
0x79: {  	_ =	shalt  }
0x7a: {  	_ =	shalt  }
0x7b: {  	_ =	shalt  }
0x7c: {  	_ =	shalt  }
0x7d: {  	_ =	shalt  }
0x7e: {  	_ =	shalt  }
0x7f: {  	_ =	shalt  }
0x80: {  	_ =	shalt  }
0x81: {  	_ =	shalt  }
0x82: {  	_ =	shalt  }
0x83: {  	_ =	shalt  }
0x84: {  	_ =	shalt  }
0x85: {  	_ =	shalt  }
0x86: {  	_ =	shalt  }
0x87: {  	_ =	shalt  }
.Lfunc_end0:
.L_simem_size_0:
called_computation_lowered:
.L_overlay_start_0:
0x88: {  	s2 =	sld [smem:$0x3FD9]  }
0x89: {  	s3 =	sld [smem:$0x3FFE];
	_ =	sdelay $0x1  }
0x8a: {  	s1 =	srdreg.scid  }
0x8b: {  	s0 =	sand.u32 $0x1, s1  }
0x8c: {  	s17 =	sshll.u32 s0, $0xA;
	s2 =	sadd.s32 s3, s2  }
0x8d: {  	s2 =	sadd.s32 s2, s17  }
0x8e: {  	[smem:$0x3FBF] =	sst s2  }
0x8f: {  	_ = 	snop  }
0x90: {  	s18 =	sld [smem:$0x3FD0];
	(tm) =	ssettm $0x1  }
0x91: {  	s19 =	sld [smem:$0x3FFB];
	_ =	sdelay $0x3  }
0x92: {  	_ =	strace s19  }
0x93: {  	s2 =	sld [smem:$0x3FFC];
	_ =	sdelay $0x3  }
0x94: {  	_ =	strace s2  }
0x95: {  	s2 =	sld [smem:$0x3FFD];
	_ =	sdelay $0x3  }
0x96: {  	_ =	strace s2  }
0x97: {  	_ =	strace $0x8FFFFFFF  }
0x98: {  	s20 =	sld [smem:$0x3FDB];
	_ =	sdelay $0x1  }
0x99: {  	s4 =	simm.s32 $_scs_section_size  }
0x9a: {  	s5 =	simm.s32 $_size__tile_overlayer_lowered;
	s6 =	simm.s32 $_tile_overlayer_lowered  }
0x9b: {  	s7 =	simm.s32 $0x1BFF;
	s21 =	sshll.u32 s6, $0x1;
	s4 =	sadd.s32 s4, s20  }
0x9c: {  	s22 =	simm.s32 $0x0;
	s5 =	sshll.u32 s5, $0x1;
	s6 =	sadd.s32 s21, s4  }
0x9d: {  	[timem:s22], [sflag:s7] =	dma.local [hbm:s6], s5  }
0x9e: {  	_ =	swait.ge [sflag:s7], s5  }
0x9f: {  	s5 =	ssub.s32 $0x0, s5;
	[sflag:s7] =	ssyncset.done $0x0  }
0xa0: {  	[sflag:s7] =	ssyncadd.s32 s5;
	_ =	sdelay $0x1  }
0xa1: {  	s23 =	simm.s32 $0x1B8B  }
0xa2: {  	_ =	swait.ge [sflag:s23], $0x1  }
0xa3: {  	[sflag:s23] =	ssyncset.done $0x0  }
0xa4: {  	[sflag:s23] =	ssyncadd.s32 $0xFFFFFFFF  }
0xa5: {  	s5 =	sld [smem:$0x0]  }
0xa6: {  	s6 =	sand.u32 $0xFFFFFFFE, s1  }
0xa7: {  	p0 =	sne.s32 s1, s6  }
0xa8: {  	s6 =	sshll.u32 @p0 s6, $0xE  }
0xa9: {  	s6 =	sadd.s32 @p0 $0x11B8D, s6;
	s7 =	sshll.u32 @p0 s5, $0x11  }
0xaa: {  	s6 =	sor.u32 @p0 s7, s6  }
0xab: {  	[sflag:s6] =	ssyncadd.remote.s32 @p0 $0x1;
	_ =	sdelay $0x1  }
0xac: {  	s6 =	simm.s32 @p0 $0x1B8D  }
0xad: {  	_ =	swait.eq @p0 [sflag:s6], $0x1  }
0xae: {  	[sflag:s6] =	ssyncadd.s32 @p0 $0xFFFFFFFF  }
0xaf: {  	s7 =	sshll.u32 @!p0 s1, $0xE  }
0xb0: {  	s7 =	sor.u32 @!p0 $0x4000, s7;
	s6 =	simm.s32 @!p0 $0x1B8D  }
0xb1: {  	s5 =	sshll.u32 @!p0 s5, $0x11;
	s7 =	sadd.s32 @!p0 $0x11B8D, s7;
	_ =	swait.eq @!p0 [sflag:s6], $0x1  }
0xb2: {  	s5 =	sor.u32 @!p0 s5, s7;
	[sflag:s6] =	ssyncadd.s32 @!p0 $0xFFFFFFFF  }
0xb3: {  	s25 =	simm.s32 $0x1B8E;
	s24 =	sld [smem:$0x3FFE];
	[sflag:s5] =	ssyncadd.remote.s32 @!p0 $0x1  }
0xb4: {  	s26 =	simm.s32 $execute0_lowered;
	[smem:$0x3FD2] =	sst s25  }
0xb5: {  	s6 =	sshll.u32 s26, $0x1;
	_ =	strace $0x8000005B;
	[dreg:$0x1] =	wrdreg $0xFFFFFFFF  }
0xb6: {  	s28 =	simm.s32 $_size_execute0_lowered;
	s4 =	sadd.s32 s4, s6;
	[dreg:$0x0] =	wrdreg $0x0  }
0xb7: {  	s6 =	sshll.u32 s28, $0x1;
	[dreg:$0x2] =	wrdreg s4  }
0xb8: {  	[dreg:$0x3] =	wrdreg s6  }
0xb9: {  	[dreg:$0x4] =	wrdreg $0xC0  }
0xba: {  	_ =	task [dreg:s22], $0x5FFFF  }
0xbb: {  	[dreg:$0x1] =	wrdreg $0xFFFFFFFF  }
0xbc: {  	[dreg:$0x0] =	wrdreg $0x60  }
0xbd: {  	[dreg:$0x2] =	wrdreg s18  }
0xbe: {  	[dreg:$0x3] =	wrdreg s24  }
0xbf: {  	[dreg:$0x4] =	wrdreg $0x9  }
0xc0: {  	_ =	task.clear_ibuf [dreg:s22], $0x5FFFF;
	_ =	strace $0x9000005B  }
0xc1: {  	s29 =	simm.s32 $0x9;
	_ =	strace $0x8000005D  }
0xc2: {  	_ =	swait.ge [sflag:s29], $0x1  }
0xc3: {  	[sflag:s29] =	ssyncadd.s32 $0xFFFFFFFF  }
0xc4: {  	_ =	strace $0x9000005D  }
0xc5: {  	_ =	sfence  }
0xc6: {  	s30 =	sld [smem:$0x0];
	_ =	sdelay $0x2  }
0xc7: {  	s31 =	sshll.u32 s1, $0xD;
	s1 =	sshrl.u32 s1, $0x2  }
0xc8: {  	s4 =	sand.u32 $0x4000, s31;
	s1 =	sadd.s32 s1, s30  }
0xc9: {  	s0 =	sor.u32 s4, s0;
	s1 =	sshll.u32 s1, $0x11  }
0xca: {  	s0 =	sor.u32 s1, s0  }
0xcb: {  	s0 =	sadd.s32 $0x8F2B, s0  }
0xcc: {  	[sflag:s0] =	ssyncadd.remote.s32 $0x1  }
0xcd: {  	_ =	sfence.sel $0xFFFF  }
0xce: {  	[dreg:$0x0] =	wrdreg $0xFFFFFFFF;
	(pc) =	sbr.abs _section_cstart, $3  }
0xcf: {  	[dreg:$0x1] =	wrdreg $0xFFFFFFFF  }
0xd0: {  	_ =	task.clear_ibuf [dreg:s22], $0x2FFFF;
	_ =	strace $0x9FFFFFFF  }
0xd1: {  	(tm) =	ssettm $0x7FFFFFFF  }
tec
execute0_lowered:
.L_overlay_start_1:
0x0: {  	(tag) =	ssettag $0x1  }
0x1: {  	s1 =	rddreg [dreg:$0x0]  }
0x2: {  	s5 =	rddreg [dreg:$0x1]  }
0x3: {  	s0 =	rddreg [dreg:$0x2]  }
0x4: {  	s4 =	srdreg.scid;
	s3 =	simm.s32 $0x0;
	s2 =	stileid.u32  }
0x5: {  	s12 =	simm.s32 $0x1;
	s13 =	simm.s32 $0x2;
	s14 =	simm.s32 $0x0  }
0x6: {  	s6 =	sand.u32 $0x1, s4;
	[smem:$0x7FF] =	sst s3;
	s28 =	sshll.u32 s2, $0xC  }
0x7: {  	s4 =	sadd.s32 $0x9C00, s5;
	s8 =	sshll.u32 s2, $0xF;
	s30 =	sshll.u32 s2, $0xD  }
0x8: {  	s7 =	sshll.u32 s6, $0xB;
	_ =	strace $0x8000005C;
	s29 =	sadd.s32 s8, s5  }
0x9: {  	s31 =	ssub.s32 $0x2, s6;
	s10 =	sshll.u32 s6, $0xC;
	s7 =	sor.u32 s7, s28  }
0xa: {  	s6 =	sshll.u32 s6, $0xE;
	s11 =	sshrl.u32 s31, $0x1;
	s7 =	sshrl.u32 s7, $0x3  }
0xb: {  	s8 =	ssub.s32 s31, s11;
	s11 =	simm.s32 $0x2080;
	s9 =	sadd.s32 s7, s5  }
0xc: {  	s5 =	sadd.s32 s30, s5;
	s7 =	sadd.s32 s6, s29;
	s6 =	smax.u32 s8, $0x1  }
0xd: {  	s5 =	sadd.s32 s10, s5;
	s7 =	sadd.s32 $0x481C00, s7;
	s8 =	sadd.s32 $0x47FC00, s9  }
0xe: {  	s9 =	simm.s32 $0x3;
	s10 =	simm.s32 $0x80;
	s5 =	sadd.s32 $0x501C00, s5  }
.LBB2_1:
0xf: {  	s15 =	sadd.s32 $0x0, s8  }
0x10: {  	[tilespmem:s3], [sflag:$0x3] =	stream.linear.gather [hbm4b:s15+s3], $0x80, $0x38;
	[tilespmem:$0x2880] =	vst v63  }
0x11: {  	_ =	swait.ge [sflag:s9], $0x80  }
0x12: {  	[sflag:s9] =	ssyncset.done $0x0  }
0x13: {  	[sflag:s9] =	ssyncadd.s32 $0xFFFFFF80  }
0x14: {  	[tilespmem:s10], [sflag:$0x1] =	stream.indirect.gather [hbm4b:s1+s10], $0x40, s3, s10, $0xb8;
	[tilespmem:$0x2880] =	vst v63  }
0x15: {  	_ = 	snop  }
0x16: {  	[tilespmem:s11], [sflag:$0x2] =	stream.indirect.gather [hbm4b:s4+s10], $0x10, s3, s10, $0xb8;
	[tilespmem:$0x2880] =	vst v63  }
0x17: {  	_ =	swait.ge [sflag:s12], $0x2000  }
0x18: {  	[sflag:s12] =	ssyncset.done $0x0  }
0x19: {  	[sflag:s12] =	ssyncadd.s32 $0xFFFFE000  }
0x1a: {  	_ =	swait.ge [sflag:s13], $0x800  }
0x1b: {  	[sflag:s13] =	ssyncset.done $0x0  }
0x1c: {  	[sflag:s13] =	ssyncadd.s32 $0xFFFFF800  }
0x1d: {  	[hbm4b:s7+s3] =	stream.linear.scatter [tilespmem:s10], [sflag:$0x3], $0x2000, $0x38;
	[tilespmem:$0x2880] =	vst v63  }
0x1e: {  	_ =	swait.ge [sflag:s9], $0x2000  }
0x1f: {  	[sflag:s9] =	ssyncset.done $0x0  }
0x20: {  	[sflag:s9] =	ssyncadd.s32 $0xFFFFE000  }
0x21: {  	[hbm4b:s5+s3] =	stream.linear.scatter [tilespmem:s11], [sflag:$0x3], $0x800, $0x38;
	[tilespmem:$0x2880] =	vst v63  }
0x22: {  	s17 =	simm.s32 $0x10;
	s18 =	simm.s32 $0x20;
	_ =	swait.ge [sflag:s9], $0x800  }
0x23: {  	s16 =	sadd.s32 $0x400, s7;
	s15 =	sadd.s32 $0x100, s5;
	[sflag:s9] =	ssyncset.done $0x0  }
.LBB2_2:
0x24: {  	s19 =	sadd.s32 s17, s8  }
0x25: {  	[sflag:s9] =	ssyncadd.s32 $0xFFFFF800;
	s17 =	smov.u32 s18;
	s20 =	sadd.s32 $0x10, s18  }
0x26: {  	[tilespmem:s3], [sflag:$0x3] =	stream.linear.gather [hbm4b:s19+s3], $0x80, $0x38;
	[tilespmem:$0x2880] =	vst v63  }
0x27: {  	p0 =	sne.s32 s18, $0xF0;
	_ =	swait.ge [sflag:s9], $0x80  }
0x28: {  	[sflag:s9] =	ssyncset.done $0x0  }
0x29: {  	[sflag:s9] =	ssyncadd.s32 $0xFFFFFF80  }
0x2a: {  	[tilespmem:s10], [sflag:$0x1] =	stream.indirect.gather [hbm4b:s1+s10], $0x40, s3, s10, $0xb8;
	[tilespmem:$0x2880] =	vst v63  }
0x2b: {  	_ = 	snop  }
0x2c: {  	[tilespmem:s11], [sflag:$0x2] =	stream.indirect.gather [hbm4b:s4+s10], $0x10, s3, s10, $0xb8;
	[tilespmem:$0x2880] =	vst v63  }
0x2d: {  	_ =	swait.ge [sflag:s12], $0x2000  }
0x2e: {  	[sflag:s12] =	ssyncset.done $0x0  }
0x2f: {  	[sflag:s12] =	ssyncadd.s32 $0xFFFFE000  }
0x30: {  	_ =	swait.ge [sflag:s13], $0x800  }
0x31: {  	[sflag:s13] =	ssyncset.done $0x0  }
0x32: {  	[sflag:s13] =	ssyncadd.s32 $0xFFFFF800  }
0x33: {  	[hbm4b:s16+s3] =	stream.linear.scatter [tilespmem:s10], [sflag:$0x3], $0x2000, $0x38;
	[tilespmem:$0x2880] =	vst v63  }
0x34: {  	_ =	swait.ge [sflag:s9], $0x2000  }
.Ltmp0:
0x35: {  	[sflag:s9] =	ssyncset.done $0x0;
	(pc) =	sbr.rel @p0 .LBB2_2-.Ltmp0, $4  }
0x36: {  	[sflag:s9] =	ssyncadd.s32 $0xFFFFE000  }
0x37: {  	[hbm4b:s15+s3] =	stream.linear.scatter [tilespmem:s11], [sflag:$0x3], $0x800, $0x38;
	[tilespmem:$0x2880] =	vst v63  }
0x38: {  	s18 =	smov.u32 s20;
	_ =	swait.ge [sflag:s9], $0x800  }
0x39: {  	s16 =	sadd.s32 $0x400, s16;
	s15 =	sadd.s32 $0x100, s15;
	[sflag:s9] =	ssyncset.done $0x0  }
0x3a: {  	s17 =	sadd.s32 s17, s8;
	[sflag:s9] =	ssyncadd.s32 $0xFFFFF800  }
0x3b: {  	[tilespmem:s3], [sflag:$0x3] =	stream.linear.gather [hbm4b:s17+s3], $0x80, $0x38;
	[tilespmem:$0x2880] =	vst v63  }
0x3c: {  	_ =	swait.ge [sflag:s9], $0x80  }
0x3d: {  	[sflag:s9] =	ssyncset.done $0x0  }
0x3e: {  	[sflag:s9] =	ssyncadd.s32 $0xFFFFFF80  }
0x3f: {  	[tilespmem:s10], [sflag:$0x1] =	stream.indirect.gather [hbm4b:s1+s10], $0x40, s3, s10, $0xb8;
	[tilespmem:$0x2880] =	vst v63  }
0x40: {  	_ = 	snop  }
0x41: {  	[tilespmem:s11], [sflag:$0x2] =	stream.indirect.gather [hbm4b:s4+s10], $0x10, s3, s10, $0xb8;
	[tilespmem:$0x2880] =	vst v63  }
0x42: {  	_ =	swait.ge [sflag:s12], $0x2000  }
0x43: {  	[sflag:s12] =	ssyncset.done $0x0  }
0x44: {  	[sflag:s12] =	ssyncadd.s32 $0xFFFFE000  }
0x45: {  	_ =	swait.ge [sflag:s13], $0x800  }
0x46: {  	[sflag:s13] =	ssyncset.done $0x0  }
0x47: {  	[sflag:s13] =	ssyncadd.s32 $0xFFFFF800  }
0x48: {  	[hbm4b:s16+s3] =	stream.linear.scatter [tilespmem:s10], [sflag:$0x3], $0x2000, $0x38;
	[tilespmem:$0x2880] =	vst v63  }
0x49: {  	s14 =	sadd.s32 $0x1, s14;
	_ =	swait.ge [sflag:s9], $0x2000  }
0x4a: {  	p0 =	sne.s32 s14, s6;
	[sflag:s9] =	ssyncset.done $0x0  }
.Ltmp1:
0x4b: {  	[sflag:s9] =	ssyncadd.s32 $0xFFFFE000;
	(pc) =	sbr.rel @p0 .LBB2_1-.Ltmp1, $4  }
0x4c: {  	[hbm4b:s15+s3] =	stream.linear.scatter [tilespmem:s11], [sflag:$0x3], $0x800, $0x38;
	[tilespmem:$0x2880] =	vst v63  }
0x4d: {  	_ =	swait.ge [sflag:s9], $0x800  }
0x4e: {  	[sflag:s9] =	ssyncset.done $0x0  }
0x4f: {  	[sflag:s9] =	ssyncadd.s32 $0xFFFFF800  }
0x50: {  	_ =	sfence.sel $0x180000  }
0x51: {  	[bflag:$0x0] =	sbarrier.arrive $0xFFFF  }
0x52: {  	p0 =	sne.s32 s2, $0x0;
	_ =	strace $0x9000005C  }
0x53: {  	s0 =	sadd.s32 @!p0 $0x100000, s0;
	[bflag:$0x2] =	sbarrier.arrive $0xFFFF  }
0x54: {  	[sflag:s0] =	ssyncadd.tile.s32 @!p0 $0x1;
	_ =	shalt  }
.Lfunc_end2:
_tile_overlayer_lowered:
.L_overlay_start_2:
0x55: {  	(tag) =	ssettag $0x2  }
0x56: {  	s0 =	rddreg [dreg:$0x0];
	s2 =	stileid.u32  }
0x57: {  	s1 =	rddreg [dreg:$0x1];
	p0 =	sne.s32 s2, $0x0  }
0x58: {  	s3 =	rddreg [dreg:$0x2];
	[bflag:$0x3] =	sbarrier.arrive $0xFFFF;
	s2 =	simm.s32 @!p0 $0x1C03  }
0x59: {  	[timem:s3], [sflag:s2] =	dma.local @!p0 [hbm:s0], s1  }
0x5a: {  	s0 =	simm.s32 @!p0 $0x3  }
0x5b: {  	_ =	swait.ge @!p0 [sflag:s0], s1  }
0x5c: {  	s1 =	ssub.s32 @!p0 $0x0, s1;
	[sflag:s0] =	ssyncset.done @!p0 $0x0  }
0x5d: {  	[sflag:s0] =	ssyncadd.s32 @!p0 s1  }
0x5e: {  	[bflag:$0x3] =	sbarrier.arrive $0xFFFF  }
0x5f: {  	_ =	shalt  }

// kernel: kernel.29.cloned.1.call-start
scs
__scs_entry_jumppad:
0x0: {  	(pc) =	sbr.rel $0x88, $3  }
0x1: {  	(tag) =	ssettag $0x0;
	lr =	simm.s32 $0x1  }
0x2: {  	[smem:$0x3F98] =	sst lr;
	_ =	strace $0xD0000000  }
0x3: {  	_ = 	snop  }
0x4: {  	_ = 	snop  }
0x5: {  	_ = 	snop  }
0x6: {  	_ = 	snop  }
0x7: {  	_ = 	snop  }
__scs_overlays_trampoline_lowered:
0x8: {  	[smem:$0x3FA7] =	sst s0  }
0x9: {  	[smem:$0x3FA8] =	sst s1  }
0xa: {  	[smem:$0x3FA9] =	sst s2  }
0xb: {  	[smem:$0x3FAA] =	sst s3  }
0xc: {  	[smem:$0x3FAB] =	sst s4  }
0xd: {  	[smem:$0x3FAC] =	sst s5  }
0xe: {  	[smem:$0x3FAD] =	sst s6  }
0xf: {  	[smem:$0x3FAE] =	sst s7  }
0x10: {  	[smem:$0x3FAF] =	sst s8  }
0x11: {  	[smem:$0x3FB0] =	sst s9;
	s0 =	simm.s32 @!p0 $0x0  }
0x12: {  	s1 =	sld [smem:$0x3F96];
	s0 =	simm.s32 @p0 $0x1  }
0x13: {  	[smem:$0x3FB1] =	sst s0;
	s0 =	simm.s32 @!p1 $0x0  }
0x14: {  	s2 =	sld [smem:$0x3F95];
	s0 =	simm.s32 @p1 $0x1  }
0x15: {  	[smem:$0x3FB2] =	sst s0;
	s0 =	simm.s32 @!p2 $0x0  }
0x16: {  	s3 =	sld [smem:$0x3FDB];
	s0 =	simm.s32 @p2 $0x1  }
0x17: {  	s4 =	simm.s32 $0x1BF5;
	[smem:$0x3FB4] =	sst s0  }
0x18: {  	s0 =	sld [smem:$0x3F97];
	_ =	swait.ge [sflag:s4], $0x0  }
0x19: {  	s7 =	sld [smem:$0x3F98]  }
0x1a: {  	s8 =	sadd.s32 $0xFFFFE003, lr  }
0x1b: {  	s9 =	sadd.s32 $0xFFFFFEF7, lr;
	s5 =	simm.s32 $0xFFFFFFFF;
	p2 =	slt.u32 s8, $0xFFFFF086  }
0x1c: {  	p1 =	slt.u32 s9, $0xF7A;
	s5 =	simm.s32 @!p2 $0x0  }
0x1d: {  	s5 =	simm.s32 @p1 $0x1;
	p0 =	seq.s32 s7, s2  }
0x1e: {  	s7 =	smul.u32 @!p0 $0xF7A, s2;
	p2 =	seq.s32 @!p0 s5, $0x0  }
0x1f: {  	s9 =	smul.u32 $0xF7A, s1;
	s8 =	simm.s32 @!p0 $0x1BF5;
	p2 =	por !p2, p0  }
0x20: {  	[sflag:s8] =	ssyncset.s32 @!p0 $0xFFFFF086;
	s6 =	sadd.s32 @!p0 s3, s7;
	s7 =	simm.s32 @!p0 $0x108  }
0x21: {  	s3 =	sadd.s32 s3, s9;
	s6 =	sadd.s32 @!p0 $0x88, s6;
	s7 =	simm.s32 @p2 $0x1082  }
0x22: {  	[simem:s7], [sflag:s8] =	dma.local @!p0 [hbm:s6], $0xF7A  }
0x23: {  	s9 =	sor.u32 $0xD0000000, s2;
	s6 =	simm.s32 $0x108;
	_ =	swait.ge @!p0 [sflag:s8], $0x0  }
0x24: {  	s3 =	sadd.s32 $0x88, s3;
	s6 =	simm.s32 @!p1 $0x1082;
	[sflag:s4] =	ssyncset.s32 $0xFFFFF086  }
0x25: {  	[simem:s6], [sflag:s4] =	dma.local [hbm:s3], $0xF7A  }
0x26: {  	[smem:$0x3F98] =	sst s1;
	(tag) =	ssettag s2;
	_ =	strace s9  }
0x27: {  	s1 =	sld [smem:$0x3FA8]  }
0x28: {  	s2 =	sld [smem:$0x3FA9]  }
0x29: {  	s4 =	sld [smem:$0x3FAB]  }
0x2a: {  	p0 =	seq.s32 s5, $0x0;
	s5 =	sld [smem:$0x3FAC]  }
0x2b: {  	s6 =	sld [smem:$0x3FAD]  }
0x2c: {  	s7 =	sld [smem:$0x3FAE]  }
0x2d: {  	s3 =	simm.s32 $0x108;
	s8 =	sld [smem:$0x3FAF]  }
0x2e: {  	s3 =	simm.s32 @!p0 $0x1082;
	s9 =	sld [smem:$0x3FB0]  }
0x2f: {  	lr =	sadd.s32 s0, s3;
	s0 =	sld [smem:$0x3FA7]  }
0x30: {  	s3 =	sld [smem:$0x3FAA]  }
0x31: {  	[smem:$0x3FB3] =	sst s10  }
0x32: {  	s10 =	sld [smem:$0x3FB1];
	_ =	sdelay $0x3  }
0x33: {  	p0 =	seq.s32 s10, $0x1;
	s10 =	sld [smem:$0x3FB3];
	_ =	sdelay $0x3  }
0x34: {  	[smem:$0x3FB3] =	sst s10  }
0x35: {  	s10 =	sld [smem:$0x3FB2];
	_ =	sdelay $0x3  }
0x36: {  	p1 =	seq.s32 s10, $0x1;
	s10 =	sld [smem:$0x3FB3];
	_ =	sdelay $0x3  }
0x37: {  	[smem:$0x3FB3] =	sst s10  }
0x38: {  	s10 =	sld [smem:$0x3FB4]  }
0x39: {  	_ = 	snop;
	(pc) =	sbr.ind lr, $3  }
0x3a: {  	_ = 	snop  }
0x3b: {  	_ = 	snop  }
0x3c: {  	p2 =	seq.s32 s10, $0x1;
	s10 =	sld [smem:$0x3FB3]  }
0x3d: {  	_ =	shalt  }
0x3e: {  	_ =	shalt  }
0x3f: {  	_ =	shalt  }
0x40: {  	_ =	shalt  }
0x41: {  	_ =	shalt  }
0x42: {  	_ =	shalt  }
0x43: {  	_ =	shalt  }
0x44: {  	_ =	shalt  }
0x45: {  	_ =	shalt  }
0x46: {  	_ =	shalt  }
0x47: {  	_ =	shalt  }
0x48: {  	_ =	shalt  }
0x49: {  	_ =	shalt  }
0x4a: {  	_ =	shalt  }
0x4b: {  	_ =	shalt  }
0x4c: {  	_ =	shalt  }
0x4d: {  	_ =	shalt  }
0x4e: {  	_ =	shalt  }
0x4f: {  	_ =	shalt  }
0x50: {  	_ =	shalt  }
0x51: {  	_ =	shalt  }
0x52: {  	_ =	shalt  }
0x53: {  	_ =	shalt  }
0x54: {  	_ =	shalt  }
0x55: {  	_ =	shalt  }
0x56: {  	_ =	shalt  }
0x57: {  	_ =	shalt  }
0x58: {  	_ =	shalt  }
0x59: {  	_ =	shalt  }
0x5a: {  	_ =	shalt  }
0x5b: {  	_ =	shalt  }
0x5c: {  	_ =	shalt  }
0x5d: {  	_ =	shalt  }
0x5e: {  	_ =	shalt  }
0x5f: {  	_ =	shalt  }
0x60: {  	_ =	shalt  }
0x61: {  	_ =	shalt  }
0x62: {  	_ =	shalt  }
0x63: {  	_ =	shalt  }
0x64: {  	_ =	shalt  }
0x65: {  	_ =	shalt  }
0x66: {  	_ =	shalt  }
0x67: {  	_ =	shalt  }
0x68: {  	_ =	shalt  }
0x69: {  	_ =	shalt  }
0x6a: {  	_ =	shalt  }
0x6b: {  	_ =	shalt  }
0x6c: {  	_ =	shalt  }
0x6d: {  	_ =	shalt  }
0x6e: {  	_ =	shalt  }
0x6f: {  	_ =	shalt  }
0x70: {  	_ =	shalt  }
0x71: {  	_ =	shalt  }
0x72: {  	_ =	shalt  }
0x73: {  	_ =	shalt  }
0x74: {  	_ =	shalt  }
0x75: {  	_ =	shalt  }
0x76: {  	_ =	shalt  }
0x77: {  	_ =	shalt  }
0x78: {  	_ =	shalt  }
0x79: {  	_ =	shalt  }
0x7a: {  	_ =	shalt  }
0x7b: {  	_ =	shalt  }
0x7c: {  	_ =	shalt  }
0x7d: {  	_ =	shalt  }
0x7e: {  	_ =	shalt  }
0x7f: {  	_ =	shalt  }
0x80: {  	_ =	shalt  }
0x81: {  	_ =	shalt  }
0x82: {  	_ =	shalt  }
0x83: {  	_ =	shalt  }
0x84: {  	_ =	shalt  }
0x85: {  	_ =	shalt  }
0x86: {  	_ =	shalt  }
0x87: {  	_ =	shalt  }
.Lfunc_end0:
.L_simem_size_0:
called_computation.1_lowered:
.L_overlay_start_0:
0x88: {  	s2 =	sld [smem:$0x3FD9]  }
0x89: {  	s3 =	sld [smem:$0x3FFE];
	_ =	sdelay $0x1  }
0x8a: {  	s1 =	srdreg.scid  }
0x8b: {  	s0 =	sand.u32 $0x1, s1  }
0x8c: {  	s17 =	sshll.u32 s0, $0xA;
	s2 =	sadd.s32 s3, s2  }
0x8d: {  	s2 =	sadd.s32 s2, s17  }
0x8e: {  	[smem:$0x3FBF] =	sst s2  }
0x8f: {  	_ = 	snop  }
0x90: {  	s2 =	sld [smem:$0x3FD0];
	(tm) =	ssettm $0x1  }
0x91: {  	s18 =	sld [smem:$0x3FFB];
	_ =	sdelay $0x3  }
0x92: {  	_ =	strace s18  }
0x93: {  	s3 =	sld [smem:$0x3FFC];
	_ =	sdelay $0x3  }
0x94: {  	_ =	strace s3  }
0x95: {  	s3 =	sld [smem:$0x3FFD];
	_ =	sdelay $0x3  }
0x96: {  	_ =	strace s3  }
0x97: {  	_ =	strace $0x8FFFFFFF  }
0x98: {  	s19 =	sld [smem:$0x3FDB];
	_ =	sdelay $0x1  }
0x99: {  	s4 =	simm.s32 $_scs_section_size  }
0x9a: {  	s5 =	simm.s32 $_size__tile_overlayer_lowered;
	s6 =	simm.s32 $_tile_overlayer_lowered  }
0x9b: {  	s22 =	simm.s32 $0x1BFF;
	s21 =	sshll.u32 s6, $0x1;
	s3 =	sadd.s32 s4, s19  }
0x9c: {  	s7 =	simm.s32 $0x0;
	s20 =	sshll.u32 s5, $0x1;
	s5 =	sadd.s32 s21, s3  }
0x9d: {  	[timem:s7], [sflag:s22] =	dma.local [hbm:s5], s20  }
0x9e: {  	_ =	swait.ge [sflag:s22], s20  }
0x9f: {  	s4 =	ssub.s32 $0x0, s20;
	[sflag:s22] =	ssyncset.done $0x0  }
0xa0: {  	[sflag:s22] =	ssyncadd.s32 s4;
	_ =	sdelay $0x1  }
0xa1: {  	s23 =	simm.s32 $0x1B8B  }
0xa2: {  	_ =	swait.ge [sflag:s23], $0x1  }
0xa3: {  	[sflag:s23] =	ssyncset.done $0x0  }
0xa4: {  	s25 =	simm.s32 $0x1B8E;
	s24 =	sld [smem:$0x3FFE];
	[sflag:s23] =	ssyncadd.s32 $0xFFFFFFFF  }
0xa5: {  	s26 =	simm.s32 $execute0_lowered;
	[smem:$0x3FD2] =	sst s25  }
0xa6: {  	s5 =	sshll.u32 s26, $0x1;
	_ =	strace $0x80000046;
	[dreg:$0x1] =	wrdreg $0xFFFFFFFF  }
0xa7: {  	s28 =	simm.s32 $_size_execute0_lowered;
	s3 =	sadd.s32 s3, s5;
	[dreg:$0x0] =	wrdreg $0x0  }
0xa8: {  	s5 =	sshll.u32 s28, $0x1;
	[dreg:$0x2] =	wrdreg s3  }
0xa9: {  	[dreg:$0x3] =	wrdreg s5  }
0xaa: {  	[dreg:$0x4] =	wrdreg $0xC0  }
0xab: {  	_ =	task [dreg:s7], $0x5FFFF  }
0xac: {  	[dreg:$0x1] =	wrdreg $0xFFFFFFFF  }
0xad: {  	[dreg:$0x0] =	wrdreg $0x60  }
0xae: {  	[dreg:$0x2] =	wrdreg s2  }
0xaf: {  	[dreg:$0x3] =	wrdreg s24  }
0xb0: {  	[dreg:$0x4] =	wrdreg $0xA  }
0xb1: {  	_ =	task.clear_ibuf [dreg:s7], $0x5FFFF;
	_ =	strace $0x90000046  }
0xb2: {  	s29 =	simm.s32 $0xA;
	_ =	strace $0x80000048  }
0xb3: {  	_ =	swait.ge [sflag:s29], $0x1  }
0xb4: {  	[sflag:s29] =	ssyncadd.s32 $0xFFFFFFFF  }
0xb5: {  	_ =	strace $0x90000048  }
0xb6: {  	_ =	sfence  }
0xb7: {  	s30 =	sld [smem:$0x0];
	_ =	sdelay $0x2  }
0xb8: {  	s31 =	sshll.u32 s1, $0xD;
	s1 =	sshrl.u32 s1, $0x2  }
0xb9: {  	s3 =	sand.u32 $0x4000, s31;
	s1 =	sadd.s32 s1, s30  }
0xba: {  	s0 =	sor.u32 s3, s0;
	s1 =	sshll.u32 s1, $0x11  }
0xbb: {  	s0 =	sor.u32 s1, s0  }
0xbc: {  	s0 =	sadd.s32 $0x8F2B, s0  }
0xbd: {  	[sflag:s0] =	ssyncadd.remote.s32 $0x1  }
0xbe: {  	_ =	sfence.sel $0xFFFF  }
0xbf: {  	[dreg:$0x0] =	wrdreg $0xFFFFFFFF;
	(pc) =	sbr.abs _section_cstart, $3  }
0xc0: {  	[dreg:$0x1] =	wrdreg $0xFFFFFFFF  }
0xc1: {  	_ =	task.clear_ibuf [dreg:s7], $0x2FFFF;
	_ =	strace $0x9FFFFFFF  }
0xc2: {  	(tm) =	ssettm $0x7FFFFFFF  }
0xc3: {  	_ =	shalt  }
tec
execute0_lowered:
.L_overlay_start_1:
0x0: {  	(tag) =	ssettag $0x1  }
0x1: {  	s1 =	srdreg.scid  }
0x2: {  	s2 =	rddreg [dreg:$0x0];
	s0 =	stileid.u32  }
0x3: {  	s6 =	rddreg [dreg:$0x1];
	s3 =	simm.s32 $0x0;
	s12 =	simm.s32 $0x1  }
0x4: {  	s13 =	simm.s32 $0x2;
	s5 =	sand.u32 $0x1, s1;
	s1 =	rddreg [dreg:$0x2]  }
0x5: {  	s14 =	simm.s32 $0x0;
	s4 =	sshll.u32 s0, $0xC;
	[smem:$0x7FF] =	sst s3  }
0x6: {  	s29 =	sshll.u32 s0, $0xF;
	s9 =	sshll.u32 s0, $0xD;
	s7 =	sshll.u32 s5, $0xB  }
0x7: {  	_ =	strace $0x80000047;
	s10 =	ssub.s32 $0x2, s5;
	s4 =	sor.u32 s7, s4  }
0x8: {  	s31 =	sshll.u32 s5, $0xC;
	s11 =	sshll.u32 s5, $0xE;
	s7 =	sshrl.u32 s4, $0x3  }
0x9: {  	s30 =	sshrl.u32 s10, $0x1;
	s4 =	sadd.s32 $0x9C00, s6;
	s8 =	sadd.s32 s7, s6  }
0xa: {  	s7 =	sadd.s32 s29, s6;
	s6 =	sadd.s32 s9, s6;
	s9 =	ssub.s32 s10, s30  }
0xb: {  	s10 =	simm.s32 $0x80;
	s5 =	smax.u32 s9, $0x1;
	s6 =	sadd.s32 s31, s6  }
0xc: {  	s7 =	sadd.s32 s11, s7;
	s8 =	sadd.s32 $0x11C00, s8;
	s9 =	simm.s32 $0x3  }
0xd: {  	s11 =	simm.s32 $0x2080;
	s6 =	sadd.s32 $0x9FC00, s6;
	s7 =	sadd.s32 $0x1FC00, s7  }
.LBB2_1:
0xe: {  	s15 =	sadd.s32 $0x0, s8  }
0xf: {  	[tilespmem:s3], [sflag:$0x3] =	stream.linear.gather [hbm4b:s15+s3], $0x80, $0x38;
	[tilespmem:$0x2880] =	vst v63  }
0x10: {  	_ =	swait.ge [sflag:s9], $0x80  }
0x11: {  	[sflag:s9] =	ssyncset.done $0x0  }
0x12: {  	[sflag:s9] =	ssyncadd.s32 $0xFFFFFF80  }
0x13: {  	[tilespmem:s10], [sflag:$0x1] =	stream.indirect.gather [hbm4b:s2+s10], $0x40, s3, s10, $0xb8;
	[tilespmem:$0x2880] =	vst v63  }
0x14: {  	_ = 	snop  }
0x15: {  	[tilespmem:s11], [sflag:$0x2] =	stream.indirect.gather [hbm4b:s4+s10], $0x10, s3, s10, $0xb8;
	[tilespmem:$0x2880] =	vst v63  }
0x16: {  	_ =	swait.ge [sflag:s12], $0x2000  }
0x17: {  	[sflag:s12] =	ssyncset.done $0x0  }
0x18: {  	[sflag:s12] =	ssyncadd.s32 $0xFFFFE000  }
0x19: {  	_ =	swait.ge [sflag:s13], $0x800  }
0x1a: {  	[sflag:s13] =	ssyncset.done $0x0  }
0x1b: {  	[sflag:s13] =	ssyncadd.s32 $0xFFFFF800  }
0x1c: {  	[hbm4b:s7+s3] =	stream.linear.scatter [tilespmem:s10], [sflag:$0x3], $0x2000, $0x38;
	[tilespmem:$0x2880] =	vst v63  }
0x1d: {  	_ =	swait.ge [sflag:s9], $0x2000  }
0x1e: {  	[sflag:s9] =	ssyncset.done $0x0  }
0x1f: {  	[sflag:s9] =	ssyncadd.s32 $0xFFFFE000  }
0x20: {  	[hbm4b:s6+s3] =	stream.linear.scatter [tilespmem:s11], [sflag:$0x3], $0x800, $0x38;
	[tilespmem:$0x2880] =	vst v63  }
0x21: {  	s17 =	simm.s32 $0x10;
	s18 =	simm.s32 $0x20;
	_ =	swait.ge [sflag:s9], $0x800  }
0x22: {  	s16 =	sadd.s32 $0x400, s7;
	s15 =	sadd.s32 $0x100, s6;
	[sflag:s9] =	ssyncset.done $0x0  }
.LBB2_2:
0x23: {  	s19 =	sadd.s32 s17, s8  }
0x24: {  	[sflag:s9] =	ssyncadd.s32 $0xFFFFF800;
	s17 =	smov.u32 s18;
	s20 =	sadd.s32 $0x10, s18  }
0x25: {  	[tilespmem:s3], [sflag:$0x3] =	stream.linear.gather [hbm4b:s19+s3], $0x80, $0x38;
	[tilespmem:$0x2880] =	vst v63  }
0x26: {  	p0 =	sne.s32 s18, $0xF0;
	_ =	swait.ge [sflag:s9], $0x80  }
0x27: {  	[sflag:s9] =	ssyncset.done $0x0  }
0x28: {  	[sflag:s9] =	ssyncadd.s32 $0xFFFFFF80  }
0x29: {  	[tilespmem:s10], [sflag:$0x1] =	stream.indirect.gather [hbm4b:s2+s10], $0x40, s3, s10, $0xb8;
	[tilespmem:$0x2880] =	vst v63  }
0x2a: {  	_ = 	snop  }
0x2b: {  	[tilespmem:s11], [sflag:$0x2] =	stream.indirect.gather [hbm4b:s4+s10], $0x10, s3, s10, $0xb8;
	[tilespmem:$0x2880] =	vst v63  }
0x2c: {  	_ =	swait.ge [sflag:s12], $0x2000  }
0x2d: {  	[sflag:s12] =	ssyncset.done $0x0  }
0x2e: {  	[sflag:s12] =	ssyncadd.s32 $0xFFFFE000  }
0x2f: {  	_ =	swait.ge [sflag:s13], $0x800  }
0x30: {  	[sflag:s13] =	ssyncset.done $0x0  }
0x31: {  	[sflag:s13] =	ssyncadd.s32 $0xFFFFF800  }
0x32: {  	[hbm4b:s16+s3] =	stream.linear.scatter [tilespmem:s10], [sflag:$0x3], $0x2000, $0x38;
	[tilespmem:$0x2880] =	vst v63  }
0x33: {  	_ =	swait.ge [sflag:s9], $0x2000  }
.Ltmp0:
0x34: {  	[sflag:s9] =	ssyncset.done $0x0;
	(pc) =	sbr.rel @p0 .LBB2_2-.Ltmp0, $4  }
0x35: {  	[sflag:s9] =	ssyncadd.s32 $0xFFFFE000  }
0x36: {  	[hbm4b:s15+s3] =	stream.linear.scatter [tilespmem:s11], [sflag:$0x3], $0x800, $0x38;
	[tilespmem:$0x2880] =	vst v63  }
0x37: {  	s18 =	smov.u32 s20;
	_ =	swait.ge [sflag:s9], $0x800  }
0x38: {  	s16 =	sadd.s32 $0x400, s16;
	s15 =	sadd.s32 $0x100, s15;
	[sflag:s9] =	ssyncset.done $0x0  }
0x39: {  	s17 =	sadd.s32 s17, s8;
	[sflag:s9] =	ssyncadd.s32 $0xFFFFF800  }
0x3a: {  	[tilespmem:s3], [sflag:$0x3] =	stream.linear.gather [hbm4b:s17+s3], $0x80, $0x38;
	[tilespmem:$0x2880] =	vst v63  }
0x3b: {  	_ =	swait.ge [sflag:s9], $0x80  }
0x3c: {  	[sflag:s9] =	ssyncset.done $0x0  }
0x3d: {  	[sflag:s9] =	ssyncadd.s32 $0xFFFFFF80  }
0x3e: {  	[tilespmem:s10], [sflag:$0x1] =	stream.indirect.gather [hbm4b:s2+s10], $0x40, s3, s10, $0xb8;
	[tilespmem:$0x2880] =	vst v63  }
0x3f: {  	_ = 	snop  }
0x40: {  	[tilespmem:s11], [sflag:$0x2] =	stream.indirect.gather [hbm4b:s4+s10], $0x10, s3, s10, $0xb8;
	[tilespmem:$0x2880] =	vst v63  }
0x41: {  	_ =	swait.ge [sflag:s12], $0x2000  }
0x42: {  	[sflag:s12] =	ssyncset.done $0x0  }
0x43: {  	[sflag:s12] =	ssyncadd.s32 $0xFFFFE000  }
0x44: {  	_ =	swait.ge [sflag:s13], $0x800  }
0x45: {  	[sflag:s13] =	ssyncset.done $0x0  }
0x46: {  	[sflag:s13] =	ssyncadd.s32 $0xFFFFF800  }
0x47: {  	[hbm4b:s16+s3] =	stream.linear.scatter [tilespmem:s10], [sflag:$0x3], $0x2000, $0x38;
	[tilespmem:$0x2880] =	vst v63  }
0x48: {  	s14 =	sadd.s32 $0x1, s14;
	_ =	swait.ge [sflag:s9], $0x2000  }
0x49: {  	p0 =	sne.s32 s14, s5;
	[sflag:s9] =	ssyncset.done $0x0  }
.Ltmp1:
0x4a: {  	[sflag:s9] =	ssyncadd.s32 $0xFFFFE000;
	(pc) =	sbr.rel @p0 .LBB2_1-.Ltmp1, $4  }
0x4b: {  	[hbm4b:s15+s3] =	stream.linear.scatter [tilespmem:s11], [sflag:$0x3], $0x800, $0x38;
	[tilespmem:$0x2880] =	vst v63  }
0x4c: {  	_ =	swait.ge [sflag:s9], $0x800  }
0x4d: {  	[sflag:s9] =	ssyncset.done $0x0  }
0x4e: {  	[sflag:s9] =	ssyncadd.s32 $0xFFFFF800  }
0x4f: {  	_ =	sfence.sel $0x180000  }
0x50: {  	[bflag:$0x0] =	sbarrier.arrive $0xFFFF  }
0x51: {  	p0 =	sne.s32 s0, $0x0;
	_ =	strace $0x90000047  }
0x52: {  	s0 =	sadd.s32 @!p0 $0x100000, s1;
	[bflag:$0x2] =	sbarrier.arrive $0xFFFF  }
0x53: {  	[sflag:s0] =	ssyncadd.tile.s32 @!p0 $0x1;
	_ =	shalt  }
.Lfunc_end2:
_tile_overlayer_lowered:
.L_overlay_start_2:
0x54: {  	(tag) =	ssettag $0x2  }
0x55: {  	s0 =	rddreg [dreg:$0x0];
	s2 =	stileid.u32  }
0x56: {  	s1 =	rddreg [dreg:$0x1];
	p0 =	sne.s32 s2, $0x0  }
0x57: {  	s3 =	rddreg [dreg:$0x2];
	[bflag:$0x3] =	sbarrier.arrive $0xFFFF;
	s2 =	simm.s32 @!p0 $0x1C03  }
0x58: {  	[timem:s3], [sflag:s2] =	dma.local @!p0 [hbm:s0], s1  }
0x59: {  	s0 =	simm.s32 @!p0 $0x3  }
0x5a: {  	_ =	swait.ge @!p0 [sflag:s0], s1  }
0x5b: {  	s1 =	ssub.s32 @!p0 $0x0, s1;
	[sflag:s0] =	ssyncset.done @!p0 $0x0  }
0x5c: {  	[sflag:s0] =	ssyncadd.s32 @!p0 s1  }
0x5d: {  	[bflag:$0x3] =	sbarrier.arrive $0xFFFF  }
0x5e: {  	_ =	shalt  }

// kernel: kernel.32.cloned.1.call-start
scs
__scs_entry_jumppad:
0x0: {  	(pc) =	sbr.rel $0x88, $3  }
0x1: {  	(tag) =	ssettag $0x0;
	lr =	simm.s32 $0x1  }
0x2: {  	[smem:$0x3F98] =	sst lr;
	_ =	strace $0xD0000000  }
0x3: {  	_ = 	snop  }
0x4: {  	_ = 	snop  }
0x5: {  	_ = 	snop  }
0x6: {  	_ = 	snop  }
0x7: {  	_ = 	snop  }
__scs_overlays_trampoline_lowered:
0x8: {  	[smem:$0x3FA7] =	sst s0  }
0x9: {  	[smem:$0x3FA8] =	sst s1  }
0xa: {  	[smem:$0x3FA9] =	sst s2  }
0xb: {  	[smem:$0x3FAA] =	sst s3  }
0xc: {  	[smem:$0x3FAB] =	sst s4  }
0xd: {  	[smem:$0x3FAC] =	sst s5  }
0xe: {  	[smem:$0x3FAD] =	sst s6  }
0xf: {  	[smem:$0x3FAE] =	sst s7  }
0x10: {  	[smem:$0x3FAF] =	sst s8  }
0x11: {  	[smem:$0x3FB0] =	sst s9;
	s0 =	simm.s32 @!p0 $0x0  }
0x12: {  	s1 =	sld [smem:$0x3F96];
	s0 =	simm.s32 @p0 $0x1  }
0x13: {  	[smem:$0x3FB1] =	sst s0;
	s0 =	simm.s32 @!p1 $0x0  }
0x14: {  	s2 =	sld [smem:$0x3F95];
	s0 =	simm.s32 @p1 $0x1  }
0x15: {  	[smem:$0x3FB2] =	sst s0;
	s0 =	simm.s32 @!p2 $0x0  }
0x16: {  	s3 =	sld [smem:$0x3FDB];
	s0 =	simm.s32 @p2 $0x1  }
0x17: {  	s4 =	simm.s32 $0x1BF5;
	[smem:$0x3FB4] =	sst s0  }
0x18: {  	s0 =	sld [smem:$0x3F97];
	_ =	swait.ge [sflag:s4], $0x0  }
0x19: {  	s7 =	sld [smem:$0x3F98]  }
0x1a: {  	s8 =	sadd.s32 $0xFFFFE003, lr  }
0x1b: {  	s9 =	sadd.s32 $0xFFFFFEF7, lr;
	s5 =	simm.s32 $0xFFFFFFFF;
	p2 =	slt.u32 s8, $0xFFFFF086  }
0x1c: {  	p1 =	slt.u32 s9, $0xF7A;
	s5 =	simm.s32 @!p2 $0x0  }
0x1d: {  	s5 =	simm.s32 @p1 $0x1;
	p0 =	seq.s32 s7, s2  }
0x1e: {  	s7 =	smul.u32 @!p0 $0xF7A, s2;
	p2 =	seq.s32 @!p0 s5, $0x0  }
0x1f: {  	s9 =	smul.u32 $0xF7A, s1;
	s8 =	simm.s32 @!p0 $0x1BF5;
	p2 =	por !p2, p0  }
0x20: {  	[sflag:s8] =	ssyncset.s32 @!p0 $0xFFFFF086;
	s6 =	sadd.s32 @!p0 s3, s7;
	s7 =	simm.s32 @!p0 $0x108  }
0x21: {  	s3 =	sadd.s32 s3, s9;
	s6 =	sadd.s32 @!p0 $0x88, s6;
	s7 =	simm.s32 @p2 $0x1082  }
0x22: {  	[simem:s7], [sflag:s8] =	dma.local @!p0 [hbm:s6], $0xF7A  }
0x23: {  	s9 =	sor.u32 $0xD0000000, s2;
	s6 =	simm.s32 $0x108;
	_ =	swait.ge @!p0 [sflag:s8], $0x0  }
0x24: {  	s3 =	sadd.s32 $0x88, s3;
	s6 =	simm.s32 @!p1 $0x1082;
	[sflag:s4] =	ssyncset.s32 $0xFFFFF086  }
0x25: {  	[simem:s6], [sflag:s4] =	dma.local [hbm:s3], $0xF7A  }
0x26: {  	[smem:$0x3F98] =	sst s1;
	(tag) =	ssettag s2;
	_ =	strace s9  }
0x27: {  	s1 =	sld [smem:$0x3FA8]  }
0x28: {  	s2 =	sld [smem:$0x3FA9]  }
0x29: {  	s4 =	sld [smem:$0x3FAB]  }
0x2a: {  	p0 =	seq.s32 s5, $0x0;
	s5 =	sld [smem:$0x3FAC]  }
0x2b: {  	s6 =	sld [smem:$0x3FAD]  }
0x2c: {  	s7 =	sld [smem:$0x3FAE]  }
0x2d: {  	s3 =	simm.s32 $0x108;
	s8 =	sld [smem:$0x3FAF]  }
0x2e: {  	s3 =	simm.s32 @!p0 $0x1082;
	s9 =	sld [smem:$0x3FB0]  }
0x2f: {  	lr =	sadd.s32 s0, s3;
	s0 =	sld [smem:$0x3FA7]  }
0x30: {  	s3 =	sld [smem:$0x3FAA]  }
0x31: {  	[smem:$0x3FB3] =	sst s10  }
0x32: {  	s10 =	sld [smem:$0x3FB1];
	_ =	sdelay $0x3  }
0x33: {  	p0 =	seq.s32 s10, $0x1;
	s10 =	sld [smem:$0x3FB3];
	_ =	sdelay $0x3  }
0x34: {  	[smem:$0x3FB3] =	sst s10  }
0x35: {  	s10 =	sld [smem:$0x3FB2];
	_ =	sdelay $0x3  }
0x36: {  	p1 =	seq.s32 s10, $0x1;
	s10 =	sld [smem:$0x3FB3];
	_ =	sdelay $0x3  }
0x37: {  	[smem:$0x3FB3] =	sst s10  }
0x38: {  	s10 =	sld [smem:$0x3FB4]  }
0x39: {  	_ = 	snop;
	(pc) =	sbr.ind lr, $3  }
0x3a: {  	_ = 	snop  }
0x3b: {  	_ = 	snop  }
0x3c: {  	p2 =	seq.s32 s10, $0x1;
	s10 =	sld [smem:$0x3FB3]  }
0x3d: {  	_ =	shalt  }
0x3e: {  	_ =	shalt  }
0x3f: {  	_ =	shalt  }
0x40: {  	_ =	shalt  }
0x41: {  	_ =	shalt  }
0x42: {  	_ =	shalt  }
0x43: {  	_ =	shalt  }
0x44: {  	_ =	shalt  }
0x45: {  	_ =	shalt  }
0x46: {  	_ =	shalt  }
0x47: {  	_ =	shalt  }
0x48: {  	_ =	shalt  }
0x49: {  	_ =	shalt  }
0x4a: {  	_ =	shalt  }
0x4b: {  	_ =	shalt  }
0x4c: {  	_ =	shalt  }
0x4d: {  	_ =	shalt  }
0x4e: {  	_ =	shalt  }
0x4f: {  	_ =	shalt  }
0x50: {  	_ =	shalt  }
0x51: {  	_ =	shalt  }
0x52: {  	_ =	shalt  }
0x53: {  	_ =	shalt  }
0x54: {  	_ =	shalt  }
0x55: {  	_ =	shalt  }
0x56: {  	_ =	shalt  }
0x57: {  	_ =	shalt  }
0x58: {  	_ =	shalt  }
0x59: {  	_ =	shalt  }
0x5a: {  	_ =	shalt  }
0x5b: {  	_ =	shalt  }
0x5c: {  	_ =	shalt  }
0x5d: {  	_ =	shalt  }
0x5e: {  	_ =	shalt  }
0x5f: {  	_ =	shalt  }
0x60: {  	_ =	shalt  }
0x61: {  	_ =	shalt  }
0x62: {  	_ =	shalt  }
0x63: {  	_ =	shalt  }
0x64: {  	_ =	shalt  }
0x65: {  	_ =	shalt  }
0x66: {  	_ =	shalt  }
0x67: {  	_ =	shalt  }
0x68: {  	_ =	shalt  }
0x69: {  	_ =	shalt  }
0x6a: {  	_ =	shalt  }
0x6b: {  	_ =	shalt  }
0x6c: {  	_ =	shalt  }
0x6d: {  	_ =	shalt  }
0x6e: {  	_ =	shalt  }
0x6f: {  	_ =	shalt  }
0x70: {  	_ =	shalt  }
0x71: {  	_ =	shalt  }
0x72: {  	_ =	shalt  }
0x73: {  	_ =	shalt  }
0x74: {  	_ =	shalt  }
0x75: {  	_ =	shalt  }
0x76: {  	_ =	shalt  }
0x77: {  	_ =	shalt  }
0x78: {  	_ =	shalt  }
0x79: {  	_ =	shalt  }
0x7a: {  	_ =	shalt  }
0x7b: {  	_ =	shalt  }
0x7c: {  	_ =	shalt  }
0x7d: {  	_ =	shalt  }
0x7e: {  	_ =	shalt  }
0x7f: {  	_ =	shalt  }
0x80: {  	_ =	shalt  }
0x81: {  	_ =	shalt  }
0x82: {  	_ =	shalt  }
0x83: {  	_ =	shalt  }
0x84: {  	_ =	shalt  }
0x85: {  	_ =	shalt  }
0x86: {  	_ =	shalt  }
0x87: {  	_ =	shalt  }
.Lfunc_end0:
.L_simem_size_0:
called_computation.2_lowered:
.L_overlay_start_0:
0x88: {  	s2 =	sld [smem:$0x3FD9]  }
0x89: {  	s3 =	sld [smem:$0x3FFE];
	_ =	sdelay $0x1  }
0x8a: {  	s1 =	srdreg.scid  }
0x8b: {  	s0 =	sand.u32 $0x1, s1  }
0x8c: {  	s17 =	sshll.u32 s0, $0xA;
	s2 =	sadd.s32 s3, s2  }
0x8d: {  	s2 =	sadd.s32 s2, s17  }
0x8e: {  	[smem:$0x3FBF] =	sst s2  }
0x8f: {  	_ = 	snop  }
0x90: {  	s18 =	sld [smem:$0x3FD0];
	(tm) =	ssettm $0x1  }
0x91: {  	s19 =	sld [smem:$0x3FFB];
	_ =	sdelay $0x3  }
0x92: {  	_ =	strace s19  }
0x93: {  	s2 =	sld [smem:$0x3FFC];
	_ =	sdelay $0x3  }
0x94: {  	_ =	strace s2  }
0x95: {  	s2 =	sld [smem:$0x3FFD];
	_ =	sdelay $0x3  }
0x96: {  	_ =	strace s2  }
0x97: {  	_ =	strace $0x8FFFFFFF  }
0x98: {  	s20 =	sld [smem:$0x3FDB];
	_ =	sdelay $0x1  }
0x99: {  	s4 =	simm.s32 $_scs_section_size  }
0x9a: {  	s5 =	simm.s32 $_size__tile_overlayer_lowered;
	s6 =	simm.s32 $_tile_overlayer_lowered  }
0x9b: {  	s7 =	simm.s32 $0x1BFF;
	s21 =	sshll.u32 s6, $0x1;
	s4 =	sadd.s32 s4, s20  }
0x9c: {  	s22 =	simm.s32 $0x0;
	s5 =	sshll.u32 s5, $0x1;
	s6 =	sadd.s32 s21, s4  }
0x9d: {  	[timem:s22], [sflag:s7] =	dma.local [hbm:s6], s5  }
0x9e: {  	_ =	swait.ge [sflag:s7], s5  }
0x9f: {  	s5 =	ssub.s32 $0x0, s5;
	[sflag:s7] =	ssyncset.done $0x0  }
0xa0: {  	[sflag:s7] =	ssyncadd.s32 s5;
	_ =	sdelay $0x1  }
0xa1: {  	s23 =	simm.s32 $0x1B8B  }
0xa2: {  	_ =	swait.ge [sflag:s23], $0x1  }
0xa3: {  	[sflag:s23] =	ssyncset.done $0x0  }
0xa4: {  	[sflag:s23] =	ssyncadd.s32 $0xFFFFFFFF  }
0xa5: {  	s5 =	sld [smem:$0x0]  }
0xa6: {  	s6 =	sand.u32 $0xFFFFFFFE, s1  }
0xa7: {  	p0 =	sne.s32 s1, s6  }
0xa8: {  	s6 =	sshll.u32 @p0 s6, $0xE  }
0xa9: {  	s6 =	sadd.s32 @p0 $0x11B8D, s6;
	s7 =	sshll.u32 @p0 s5, $0x11  }
0xaa: {  	s6 =	sor.u32 @p0 s7, s6  }
0xab: {  	[sflag:s6] =	ssyncadd.remote.s32 @p0 $0x1;
	_ =	sdelay $0x1  }
0xac: {  	s6 =	simm.s32 @p0 $0x1B8D  }
0xad: {  	_ =	swait.eq @p0 [sflag:s6], $0x1  }
0xae: {  	[sflag:s6] =	ssyncadd.s32 @p0 $0xFFFFFFFF  }
0xaf: {  	s7 =	sshll.u32 @!p0 s1, $0xE  }
0xb0: {  	s7 =	sor.u32 @!p0 $0x4000, s7;
	s6 =	simm.s32 @!p0 $0x1B8D  }
0xb1: {  	s5 =	sshll.u32 @!p0 s5, $0x11;
	s7 =	sadd.s32 @!p0 $0x11B8D, s7;
	_ =	swait.eq @!p0 [sflag:s6], $0x1  }
0xb2: {  	s5 =	sor.u32 @!p0 s5, s7;
	[sflag:s6] =	ssyncadd.s32 @!p0 $0xFFFFFFFF  }
0xb3: {  	s25 =	simm.s32 $0x1B8E;
	s24 =	sld [smem:$0x3FFE];
	[sflag:s5] =	ssyncadd.remote.s32 @!p0 $0x1  }
0xb4: {  	s26 =	simm.s32 $execute0_lowered;
	[smem:$0x3FD2] =	sst s25  }
0xb5: {  	s6 =	sshll.u32 s26, $0x1;
	_ =	strace $0x80000049;
	[dreg:$0x1] =	wrdreg $0xFFFFFFFF  }
0xb6: {  	s28 =	simm.s32 $_size_execute0_lowered;
	s4 =	sadd.s32 s4, s6;
	[dreg:$0x0] =	wrdreg $0x0  }
0xb7: {  	s6 =	sshll.u32 s28, $0x1;
	[dreg:$0x2] =	wrdreg s4  }
0xb8: {  	[dreg:$0x3] =	wrdreg s6  }
0xb9: {  	[dreg:$0x4] =	wrdreg $0xC0  }
0xba: {  	_ =	task [dreg:s22], $0x5FFFF  }
0xbb: {  	[dreg:$0x1] =	wrdreg $0xFFFFFFFF  }
0xbc: {  	[dreg:$0x0] =	wrdreg $0x60  }
0xbd: {  	[dreg:$0x2] =	wrdreg s18  }
0xbe: {  	[dreg:$0x3] =	wrdreg s24  }
0xbf: {  	[dreg:$0x4] =	wrdreg $0xB  }
0xc0: {  	_ =	task.clear_ibuf [dreg:s22], $0x5FFFF;
	_ =	strace $0x90000049  }
0xc1: {  	s29 =	simm.s32 $0xB;
	_ =	strace $0x8000004B  }
0xc2: {  	_ =	swait.ge [sflag:s29], $0x1  }
0xc3: {  	[sflag:s29] =	ssyncadd.s32 $0xFFFFFFFF  }
0xc4: {  	_ =	strace $0x9000004B  }
0xc5: {  	_ =	sfence  }
0xc6: {  	s30 =	sld [smem:$0x0];
	_ =	sdelay $0x2  }
0xc7: {  	s31 =	sshll.u32 s1, $0xD;
	s1 =	sshrl.u32 s1, $0x2  }
0xc8: {  	s4 =	sand.u32 $0x4000, s31;
	s1 =	sadd.s32 s1, s30  }
0xc9: {  	s0 =	sor.u32 s4, s0;
	s1 =	sshll.u32 s1, $0x11  }
0xca: {  	s0 =	sor.u32 s1, s0  }
0xcb: {  	s0 =	sadd.s32 $0x8F2B, s0  }
0xcc: {  	[sflag:s0] =	ssyncadd.remote.s32 $0x1  }
0xcd: {  	_ =	sfence.sel $0xFFFF  }
0xce: {  	[dreg:$0x0] =	wrdreg $0xFFFFFFFF;
	(pc) =	sbr.abs _section_cstart, $3  }
0xcf: {  	[dreg:$0x1] =	wrdreg $0xFFFFFFFF  }
0xd0: {  	_ =	task.clear_ibuf [dreg:s22], $0x2FFFF;
	_ =	strace $0x9FFFFFFF  }
0xd1: {  	(tm) =	ssettm $0x7FFFFFFF  }
tec
execute0_lowered:
.L_overlay_start_1:
0x0: {  	(tag) =	ssettag $0x1  }
0x1: {  	s1 =	srdreg.scid  }
0x2: {  	s2 =	rddreg [dreg:$0x0];
	s0 =	stileid.u32  }
0x3: {  	s6 =	rddreg [dreg:$0x1];
	s3 =	simm.s32 $0x0;
	s12 =	simm.s32 $0x1  }
0x4: {  	s13 =	simm.s32 $0x2;
	s5 =	sand.u32 $0x1, s1;
	s1 =	rddreg [dreg:$0x2]  }
0x5: {  	s14 =	simm.s32 $0x0;
	s4 =	sshll.u32 s0, $0xC;
	[smem:$0x7FF] =	sst s3  }
0x6: {  	s29 =	sshll.u32 s0, $0xF;
	s9 =	sshll.u32 s0, $0xD;
	s7 =	sshll.u32 s5, $0xB  }
0x7: {  	_ =	strace $0x8000004A;
	s10 =	ssub.s32 $0x2, s5;
	s4 =	sor.u32 s7, s4  }
0x8: {  	s31 =	sshll.u32 s5, $0xC;
	s11 =	sshll.u32 s5, $0xE;
	s7 =	sshrl.u32 s4, $0x3  }
0x9: {  	s30 =	sshrl.u32 s10, $0x1;
	s4 =	sadd.s32 $0x9C00, s6;
	s8 =	sadd.s32 s7, s6  }
0xa: {  	s7 =	sadd.s32 s29, s6;
	s6 =	sadd.s32 s9, s6;
	s9 =	ssub.s32 s10, s30  }
0xb: {  	s10 =	simm.s32 $0x80;
	s5 =	smax.u32 s9, $0x1;
	s6 =	sadd.s32 s31, s6  }
0xc: {  	s7 =	sadd.s32 s11, s7;
	s8 =	sadd.s32 $0x13C00, s8;
	s9 =	simm.s32 $0x3  }
0xd: {  	s11 =	simm.s32 $0x2080;
	s6 =	sadd.s32 $0x13FC00, s6;
	s7 =	sadd.s32 $0xBFC00, s7  }
.LBB2_1:
0xe: {  	s15 =	sadd.s32 $0x0, s8  }
0xf: {  	[tilespmem:s3], [sflag:$0x3] =	stream.linear.gather [hbm4b:s15+s3], $0x80, $0x38;
	[tilespmem:$0x2880] =	vst v63  }
0x10: {  	_ =	swait.ge [sflag:s9], $0x80  }
0x11: {  	[sflag:s9] =	ssyncset.done $0x0  }
0x12: {  	[sflag:s9] =	ssyncadd.s32 $0xFFFFFF80  }
0x13: {  	[tilespmem:s10], [sflag:$0x1] =	stream.indirect.gather [hbm4b:s2+s10], $0x40, s3, s10, $0xb8;
	[tilespmem:$0x2880] =	vst v63  }
0x14: {  	_ = 	snop  }
0x15: {  	[tilespmem:s11], [sflag:$0x2] =	stream.indirect.gather [hbm4b:s4+s10], $0x10, s3, s10, $0xb8;
	[tilespmem:$0x2880] =	vst v63  }
0x16: {  	_ =	swait.ge [sflag:s12], $0x2000  }
0x17: {  	[sflag:s12] =	ssyncset.done $0x0  }
0x18: {  	[sflag:s12] =	ssyncadd.s32 $0xFFFFE000  }
0x19: {  	_ =	swait.ge [sflag:s13], $0x800  }
0x1a: {  	[sflag:s13] =	ssyncset.done $0x0  }
0x1b: {  	[sflag:s13] =	ssyncadd.s32 $0xFFFFF800  }
0x1c: {  	[hbm4b:s7+s3] =	stream.linear.scatter [tilespmem:s10], [sflag:$0x3], $0x2000, $0x38;
	[tilespmem:$0x2880] =	vst v63  }
0x1d: {  	_ =	swait.ge [sflag:s9], $0x2000  }
0x1e: {  	[sflag:s9] =	ssyncset.done $0x0  }
0x1f: {  	[sflag:s9] =	ssyncadd.s32 $0xFFFFE000  }
0x20: {  	[hbm4b:s6+s3] =	stream.linear.scatter [tilespmem:s11], [sflag:$0x3], $0x800, $0x38;
	[tilespmem:$0x2880] =	vst v63  }
0x21: {  	s17 =	simm.s32 $0x10;
	s18 =	simm.s32 $0x20;
	_ =	swait.ge [sflag:s9], $0x800  }
0x22: {  	s16 =	sadd.s32 $0x400, s7;
	s15 =	sadd.s32 $0x100, s6;
	[sflag:s9] =	ssyncset.done $0x0  }
.LBB2_2:
0x23: {  	s19 =	sadd.s32 s17, s8  }
0x24: {  	[sflag:s9] =	ssyncadd.s32 $0xFFFFF800;
	s17 =	smov.u32 s18;
	s20 =	sadd.s32 $0x10, s18  }
0x25: {  	[tilespmem:s3], [sflag:$0x3] =	stream.linear.gather [hbm4b:s19+s3], $0x80, $0x38;
	[tilespmem:$0x2880] =	vst v63  }
0x26: {  	p0 =	sne.s32 s18, $0xF0;
	_ =	swait.ge [sflag:s9], $0x80  }
0x27: {  	[sflag:s9] =	ssyncset.done $0x0  }
0x28: {  	[sflag:s9] =	ssyncadd.s32 $0xFFFFFF80  }
0x29: {  	[tilespmem:s10], [sflag:$0x1] =	stream.indirect.gather [hbm4b:s2+s10], $0x40, s3, s10, $0xb8;
	[tilespmem:$0x2880] =	vst v63  }
0x2a: {  	_ = 	snop  }
0x2b: {  	[tilespmem:s11], [sflag:$0x2] =	stream.indirect.gather [hbm4b:s4+s10], $0x10, s3, s10, $0xb8;
	[tilespmem:$0x2880] =	vst v63  }
0x2c: {  	_ =	swait.ge [sflag:s12], $0x2000  }
0x2d: {  	[sflag:s12] =	ssyncset.done $0x0  }
0x2e: {  	[sflag:s12] =	ssyncadd.s32 $0xFFFFE000  }
0x2f: {  	_ =	swait.ge [sflag:s13], $0x800  }
0x30: {  	[sflag:s13] =	ssyncset.done $0x0  }
0x31: {  	[sflag:s13] =	ssyncadd.s32 $0xFFFFF800  }
0x32: {  	[hbm4b:s16+s3] =	stream.linear.scatter [tilespmem:s10], [sflag:$0x3], $0x2000, $0x38;
	[tilespmem:$0x2880] =	vst v63  }
0x33: {  	_ =	swait.ge [sflag:s9], $0x2000  }
.Ltmp0:
0x34: {  	[sflag:s9] =	ssyncset.done $0x0;
	(pc) =	sbr.rel @p0 .LBB2_2-.Ltmp0, $4  }
0x35: {  	[sflag:s9] =	ssyncadd.s32 $0xFFFFE000  }
0x36: {  	[hbm4b:s15+s3] =	stream.linear.scatter [tilespmem:s11], [sflag:$0x3], $0x800, $0x38;
	[tilespmem:$0x2880] =	vst v63  }
0x37: {  	s18 =	smov.u32 s20;
	_ =	swait.ge [sflag:s9], $0x800  }
0x38: {  	s16 =	sadd.s32 $0x400, s16;
	s15 =	sadd.s32 $0x100, s15;
	[sflag:s9] =	ssyncset.done $0x0  }
0x39: {  	s17 =	sadd.s32 s17, s8;
	[sflag:s9] =	ssyncadd.s32 $0xFFFFF800  }
0x3a: {  	[tilespmem:s3], [sflag:$0x3] =	stream.linear.gather [hbm4b:s17+s3], $0x80, $0x38;
	[tilespmem:$0x2880] =	vst v63  }
0x3b: {  	_ =	swait.ge [sflag:s9], $0x80  }
0x3c: {  	[sflag:s9] =	ssyncset.done $0x0  }
0x3d: {  	[sflag:s9] =	ssyncadd.s32 $0xFFFFFF80  }
0x3e: {  	[tilespmem:s10], [sflag:$0x1] =	stream.indirect.gather [hbm4b:s2+s10], $0x40, s3, s10, $0xb8;
	[tilespmem:$0x2880] =	vst v63  }
0x3f: {  	_ = 	snop  }
0x40: {  	[tilespmem:s11], [sflag:$0x2] =	stream.indirect.gather [hbm4b:s4+s10], $0x10, s3, s10, $0xb8;
	[tilespmem:$0x2880] =	vst v63  }
0x41: {  	_ =	swait.ge [sflag:s12], $0x2000  }
0x42: {  	[sflag:s12] =	ssyncset.done $0x0  }
0x43: {  	[sflag:s12] =	ssyncadd.s32 $0xFFFFE000  }
0x44: {  	_ =	swait.ge [sflag:s13], $0x800  }
0x45: {  	[sflag:s13] =	ssyncset.done $0x0  }
0x46: {  	[sflag:s13] =	ssyncadd.s32 $0xFFFFF800  }
0x47: {  	[hbm4b:s16+s3] =	stream.linear.scatter [tilespmem:s10], [sflag:$0x3], $0x2000, $0x38;
	[tilespmem:$0x2880] =	vst v63  }
0x48: {  	s14 =	sadd.s32 $0x1, s14;
	_ =	swait.ge [sflag:s9], $0x2000  }
0x49: {  	p0 =	sne.s32 s14, s5;
	[sflag:s9] =	ssyncset.done $0x0  }
.Ltmp1:
0x4a: {  	[sflag:s9] =	ssyncadd.s32 $0xFFFFE000;
	(pc) =	sbr.rel @p0 .LBB2_1-.Ltmp1, $4  }
0x4b: {  	[hbm4b:s15+s3] =	stream.linear.scatter [tilespmem:s11], [sflag:$0x3], $0x800, $0x38;
	[tilespmem:$0x2880] =	vst v63  }
0x4c: {  	_ =	swait.ge [sflag:s9], $0x800  }
0x4d: {  	[sflag:s9] =	ssyncset.done $0x0  }
0x4e: {  	[sflag:s9] =	ssyncadd.s32 $0xFFFFF800  }
0x4f: {  	_ =	sfence.sel $0x180000  }
0x50: {  	[bflag:$0x0] =	sbarrier.arrive $0xFFFF  }
0x51: {  	p0 =	sne.s32 s0, $0x0;
	_ =	strace $0x9000004A  }
0x52: {  	s0 =	sadd.s32 @!p0 $0x100000, s1;
	[bflag:$0x2] =	sbarrier.arrive $0xFFFF  }
0x53: {  	[sflag:s0] =	ssyncadd.tile.s32 @!p0 $0x1;
	_ =	shalt  }
.Lfunc_end2:
_tile_overlayer_lowered:
.L_overlay_start_2:
0x54: {  	(tag) =	ssettag $0x2  }
0x55: {  	s0 =	rddreg [dreg:$0x0];
	s2 =	stileid.u32  }
0x56: {  	s1 =	rddreg [dreg:$0x1];
	p0 =	sne.s32 s2, $0x0  }
0x57: {  	s3 =	rddreg [dreg:$0x2];
	[bflag:$0x3] =	sbarrier.arrive $0xFFFF;
	s2 =	simm.s32 @!p0 $0x1C03  }
0x58: {  	[timem:s3], [sflag:s2] =	dma.local @!p0 [hbm:s0], s1  }
0x59: {  	s0 =	simm.s32 @!p0 $0x3  }
0x5a: {  	_ =	swait.ge @!p0 [sflag:s0], s1  }
0x5b: {  	s1 =	ssub.s32 @!p0 $0x0, s1;
	[sflag:s0] =	ssyncset.done @!p0 $0x0  }
0x5c: {  	[sflag:s0] =	ssyncadd.s32 @!p0 s1  }
0x5d: {  	[bflag:$0x3] =	sbarrier.arrive $0xFFFF  }
0x5e: {  	_ =	shalt  }

// kernel: kernel.35.cloned.1.call-start
scs
__scs_entry_jumppad:
0x0: {  	(pc) =	sbr.rel $0x88, $3  }
0x1: {  	(tag) =	ssettag $0x0;
	lr =	simm.s32 $0x1  }
0x2: {  	[smem:$0x3F98] =	sst lr;
	_ =	strace $0xD0000000  }
0x3: {  	_ = 	snop  }
0x4: {  	_ = 	snop  }
0x5: {  	_ = 	snop  }
0x6: {  	_ = 	snop  }
0x7: {  	_ = 	snop  }
__scs_overlays_trampoline_lowered:
0x8: {  	[smem:$0x3FA7] =	sst s0  }
0x9: {  	[smem:$0x3FA8] =	sst s1  }
0xa: {  	[smem:$0x3FA9] =	sst s2  }
0xb: {  	[smem:$0x3FAA] =	sst s3  }
0xc: {  	[smem:$0x3FAB] =	sst s4  }
0xd: {  	[smem:$0x3FAC] =	sst s5  }
0xe: {  	[smem:$0x3FAD] =	sst s6  }
0xf: {  	[smem:$0x3FAE] =	sst s7  }
0x10: {  	[smem:$0x3FAF] =	sst s8  }
0x11: {  	[smem:$0x3FB0] =	sst s9;
	s0 =	simm.s32 @!p0 $0x0  }
0x12: {  	s1 =	sld [smem:$0x3F96];
	s0 =	simm.s32 @p0 $0x1  }
0x13: {  	[smem:$0x3FB1] =	sst s0;
	s0 =	simm.s32 @!p1 $0x0  }
0x14: {  	s2 =	sld [smem:$0x3F95];
	s0 =	simm.s32 @p1 $0x1  }
0x15: {  	[smem:$0x3FB2] =	sst s0;
	s0 =	simm.s32 @!p2 $0x0  }
0x16: {  	s3 =	sld [smem:$0x3FDB];
	s0 =	simm.s32 @p2 $0x1  }
0x17: {  	s4 =	simm.s32 $0x1BF5;
	[smem:$0x3FB4] =	sst s0  }
0x18: {  	s0 =	sld [smem:$0x3F97];
	_ =	swait.ge [sflag:s4], $0x0  }
0x19: {  	s7 =	sld [smem:$0x3F98]  }
0x1a: {  	s8 =	sadd.s32 $0xFFFFE003, lr  }
0x1b: {  	s9 =	sadd.s32 $0xFFFFFEF7, lr;
	s5 =	simm.s32 $0xFFFFFFFF;
	p2 =	slt.u32 s8, $0xFFFFF086  }
0x1c: {  	p1 =	slt.u32 s9, $0xF7A;
	s5 =	simm.s32 @!p2 $0x0  }
0x1d: {  	s5 =	simm.s32 @p1 $0x1;
	p0 =	seq.s32 s7, s2  }
0x1e: {  	s7 =	smul.u32 @!p0 $0xF7A, s2;
	p2 =	seq.s32 @!p0 s5, $0x0  }
0x1f: {  	s9 =	smul.u32 $0xF7A, s1;
	s8 =	simm.s32 @!p0 $0x1BF5;
	p2 =	por !p2, p0  }
0x20: {  	[sflag:s8] =	ssyncset.s32 @!p0 $0xFFFFF086;
	s6 =	sadd.s32 @!p0 s3, s7;
	s7 =	simm.s32 @!p0 $0x108  }
0x21: {  	s3 =	sadd.s32 s3, s9;
	s6 =	sadd.s32 @!p0 $0x88, s6;
	s7 =	simm.s32 @p2 $0x1082  }
0x22: {  	[simem:s7], [sflag:s8] =	dma.local @!p0 [hbm:s6], $0xF7A  }
0x23: {  	s9 =	sor.u32 $0xD0000000, s2;
	s6 =	simm.s32 $0x108;
	_ =	swait.ge @!p0 [sflag:s8], $0x0  }
0x24: {  	s3 =	sadd.s32 $0x88, s3;
	s6 =	simm.s32 @!p1 $0x1082;
	[sflag:s4] =	ssyncset.s32 $0xFFFFF086  }
0x25: {  	[simem:s6], [sflag:s4] =	dma.local [hbm:s3], $0xF7A  }
0x26: {  	[smem:$0x3F98] =	sst s1;
	(tag) =	ssettag s2;
	_ =	strace s9  }
0x27: {  	s1 =	sld [smem:$0x3FA8]  }
0x28: {  	s2 =	sld [smem:$0x3FA9]  }
0x29: {  	s4 =	sld [smem:$0x3FAB]  }
0x2a: {  	p0 =	seq.s32 s5, $0x0;
	s5 =	sld [smem:$0x3FAC]  }
0x2b: {  	s6 =	sld [smem:$0x3FAD]  }
0x2c: {  	s7 =	sld [smem:$0x3FAE]  }
0x2d: {  	s3 =	simm.s32 $0x108;
	s8 =	sld [smem:$0x3FAF]  }
0x2e: {  	s3 =	simm.s32 @!p0 $0x1082;
	s9 =	sld [smem:$0x3FB0]  }
0x2f: {  	lr =	sadd.s32 s0, s3;
	s0 =	sld [smem:$0x3FA7]  }
0x30: {  	s3 =	sld [smem:$0x3FAA]  }
0x31: {  	[smem:$0x3FB3] =	sst s10  }
0x32: {  	s10 =	sld [smem:$0x3FB1];
	_ =	sdelay $0x3  }
0x33: {  	p0 =	seq.s32 s10, $0x1;
	s10 =	sld [smem:$0x3FB3];
	_ =	sdelay $0x3  }
0x34: {  	[smem:$0x3FB3] =	sst s10  }
0x35: {  	s10 =	sld [smem:$0x3FB2];
	_ =	sdelay $0x3  }
0x36: {  	p1 =	seq.s32 s10, $0x1;
	s10 =	sld [smem:$0x3FB3];
	_ =	sdelay $0x3  }
0x37: {  	[smem:$0x3FB3] =	sst s10  }
0x38: {  	s10 =	sld [smem:$0x3FB4]  }
0x39: {  	_ = 	snop;
	(pc) =	sbr.ind lr, $3  }
0x3a: {  	_ = 	snop  }
0x3b: {  	_ = 	snop  }
0x3c: {  	p2 =	seq.s32 s10, $0x1;
	s10 =	sld [smem:$0x3FB3]  }
0x3d: {  	_ =	shalt  }
0x3e: {  	_ =	shalt  }
0x3f: {  	_ =	shalt  }
0x40: {  	_ =	shalt  }
0x41: {  	_ =	shalt  }
0x42: {  	_ =	shalt  }
0x43: {  	_ =	shalt  }
0x44: {  	_ =	shalt  }
0x45: {  	_ =	shalt  }
0x46: {  	_ =	shalt  }
0x47: {  	_ =	shalt  }
0x48: {  	_ =	shalt  }
0x49: {  	_ =	shalt  }
0x4a: {  	_ =	shalt  }
0x4b: {  	_ =	shalt  }
0x4c: {  	_ =	shalt  }
0x4d: {  	_ =	shalt  }
0x4e: {  	_ =	shalt  }
0x4f: {  	_ =	shalt  }
0x50: {  	_ =	shalt  }
0x51: {  	_ =	shalt  }
0x52: {  	_ =	shalt  }
0x53: {  	_ =	shalt  }
0x54: {  	_ =	shalt  }
0x55: {  	_ =	shalt  }
0x56: {  	_ =	shalt  }
0x57: {  	_ =	shalt  }
0x58: {  	_ =	shalt  }
0x59: {  	_ =	shalt  }
0x5a: {  	_ =	shalt  }
0x5b: {  	_ =	shalt  }
0x5c: {  	_ =	shalt  }
0x5d: {  	_ =	shalt  }
0x5e: {  	_ =	shalt  }
0x5f: {  	_ =	shalt  }
0x60: {  	_ =	shalt  }
0x61: {  	_ =	shalt  }
0x62: {  	_ =	shalt  }
0x63: {  	_ =	shalt  }
0x64: {  	_ =	shalt  }
0x65: {  	_ =	shalt  }
0x66: {  	_ =	shalt  }
0x67: {  	_ =	shalt  }
0x68: {  	_ =	shalt  }
0x69: {  	_ =	shalt  }
0x6a: {  	_ =	shalt  }
0x6b: {  	_ =	shalt  }
0x6c: {  	_ =	shalt  }
0x6d: {  	_ =	shalt  }
0x6e: {  	_ =	shalt  }
0x6f: {  	_ =	shalt  }
0x70: {  	_ =	shalt  }
0x71: {  	_ =	shalt  }
0x72: {  	_ =	shalt  }
0x73: {  	_ =	shalt  }
0x74: {  	_ =	shalt  }
0x75: {  	_ =	shalt  }
0x76: {  	_ =	shalt  }
0x77: {  	_ =	shalt  }
0x78: {  	_ =	shalt  }
0x79: {  	_ =	shalt  }
0x7a: {  	_ =	shalt  }
0x7b: {  	_ =	shalt  }
0x7c: {  	_ =	shalt  }
0x7d: {  	_ =	shalt  }
0x7e: {  	_ =	shalt  }
0x7f: {  	_ =	shalt  }
0x80: {  	_ =	shalt  }
0x81: {  	_ =	shalt  }
0x82: {  	_ =	shalt  }
0x83: {  	_ =	shalt  }
0x84: {  	_ =	shalt  }
0x85: {  	_ =	shalt  }
0x86: {  	_ =	shalt  }
0x87: {  	_ =	shalt  }
.Lfunc_end0:
.L_simem_size_0:
called_computation.3_lowered:
.L_overlay_start_0:
0x88: {  	s2 =	sld [smem:$0x3FD9]  }
0x89: {  	s3 =	sld [smem:$0x3FFE];
	_ =	sdelay $0x1  }
0x8a: {  	s1 =	srdreg.scid  }
0x8b: {  	s0 =	sand.u32 $0x1, s1  }
0x8c: {  	s17 =	sshll.u32 s0, $0xA;
	s2 =	sadd.s32 s3, s2  }
0x8d: {  	s2 =	sadd.s32 s2, s17  }
0x8e: {  	[smem:$0x3FBF] =	sst s2  }
0x8f: {  	_ = 	snop  }
0x90: {  	s18 =	sld [smem:$0x3FD0];
	(tm) =	ssettm $0x1  }
0x91: {  	s19 =	sld [smem:$0x3FFB];
	_ =	sdelay $0x3  }
0x92: {  	_ =	strace s19  }
0x93: {  	s2 =	sld [smem:$0x3FFC];
	_ =	sdelay $0x3  }
0x94: {  	_ =	strace s2  }
0x95: {  	s2 =	sld [smem:$0x3FFD];
	_ =	sdelay $0x3  }
0x96: {  	_ =	strace s2  }
0x97: {  	_ =	strace $0x8FFFFFFF  }
0x98: {  	s20 =	sld [smem:$0x3FDB];
	_ =	sdelay $0x1  }
0x99: {  	s4 =	simm.s32 $_scs_section_size  }
0x9a: {  	s5 =	simm.s32 $_size__tile_overlayer_lowered;
	s6 =	simm.s32 $_tile_overlayer_lowered  }
0x9b: {  	s7 =	simm.s32 $0x1BFF;
	s21 =	sshll.u32 s6, $0x1;
	s4 =	sadd.s32 s4, s20  }
0x9c: {  	s22 =	simm.s32 $0x0;
	s5 =	sshll.u32 s5, $0x1;
	s6 =	sadd.s32 s21, s4  }
0x9d: {  	[timem:s22], [sflag:s7] =	dma.local [hbm:s6], s5  }
0x9e: {  	_ =	swait.ge [sflag:s7], s5  }
0x9f: {  	s5 =	ssub.s32 $0x0, s5;
	[sflag:s7] =	ssyncset.done $0x0  }
0xa0: {  	[sflag:s7] =	ssyncadd.s32 s5;
	_ =	sdelay $0x1  }
0xa1: {  	s23 =	simm.s32 $0x1B8B  }
0xa2: {  	_ =	swait.ge [sflag:s23], $0x1  }
0xa3: {  	[sflag:s23] =	ssyncset.done $0x0  }
0xa4: {  	[sflag:s23] =	ssyncadd.s32 $0xFFFFFFFF  }
0xa5: {  	s5 =	sld [smem:$0x0]  }
0xa6: {  	s6 =	sand.u32 $0xFFFFFFFE, s1  }
0xa7: {  	p0 =	sne.s32 s1, s6  }
0xa8: {  	s6 =	sshll.u32 @p0 s6, $0xE  }
0xa9: {  	s6 =	sadd.s32 @p0 $0x11B8D, s6;
	s7 =	sshll.u32 @p0 s5, $0x11  }
0xaa: {  	s6 =	sor.u32 @p0 s7, s6  }
0xab: {  	[sflag:s6] =	ssyncadd.remote.s32 @p0 $0x1;
	_ =	sdelay $0x1  }
0xac: {  	s6 =	simm.s32 @p0 $0x1B8D  }
0xad: {  	_ =	swait.eq @p0 [sflag:s6], $0x1  }
0xae: {  	[sflag:s6] =	ssyncadd.s32 @p0 $0xFFFFFFFF  }
0xaf: {  	s7 =	sshll.u32 @!p0 s1, $0xE  }
0xb0: {  	s7 =	sor.u32 @!p0 $0x4000, s7;
	s6 =	simm.s32 @!p0 $0x1B8D  }
0xb1: {  	s5 =	sshll.u32 @!p0 s5, $0x11;
	s7 =	sadd.s32 @!p0 $0x11B8D, s7;
	_ =	swait.eq @!p0 [sflag:s6], $0x1  }
0xb2: {  	s5 =	sor.u32 @!p0 s5, s7;
	[sflag:s6] =	ssyncadd.s32 @!p0 $0xFFFFFFFF  }
0xb3: {  	s25 =	simm.s32 $0x1B8E;
	s24 =	sld [smem:$0x3FFE];
	[sflag:s5] =	ssyncadd.remote.s32 @!p0 $0x1  }
0xb4: {  	s26 =	simm.s32 $execute0_lowered;
	[smem:$0x3FD2] =	sst s25  }
0xb5: {  	s6 =	sshll.u32 s26, $0x1;
	_ =	strace $0x8000004C;
	[dreg:$0x1] =	wrdreg $0xFFFFFFFF  }
0xb6: {  	s28 =	simm.s32 $_size_execute0_lowered;
	s4 =	sadd.s32 s4, s6;
	[dreg:$0x0] =	wrdreg $0x0  }
0xb7: {  	s6 =	sshll.u32 s28, $0x1;
	[dreg:$0x2] =	wrdreg s4  }
0xb8: {  	[dreg:$0x3] =	wrdreg s6  }
0xb9: {  	[dreg:$0x4] =	wrdreg $0xC0  }
0xba: {  	_ =	task [dreg:s22], $0x5FFFF  }
0xbb: {  	[dreg:$0x1] =	wrdreg $0xFFFFFFFF  }
0xbc: {  	[dreg:$0x0] =	wrdreg $0x60  }
0xbd: {  	[dreg:$0x2] =	wrdreg s18  }
0xbe: {  	[dreg:$0x3] =	wrdreg s24  }
0xbf: {  	[dreg:$0x4] =	wrdreg $0xC  }
0xc0: {  	_ =	task.clear_ibuf [dreg:s22], $0x5FFFF;
	_ =	strace $0x9000004C  }
0xc1: {  	s29 =	simm.s32 $0xC;
	_ =	strace $0x8000004E  }
0xc2: {  	_ =	swait.ge [sflag:s29], $0x1  }
0xc3: {  	[sflag:s29] =	ssyncadd.s32 $0xFFFFFFFF  }
0xc4: {  	_ =	strace $0x9000004E  }
0xc5: {  	_ =	sfence  }
0xc6: {  	s30 =	sld [smem:$0x0];
	_ =	sdelay $0x2  }
0xc7: {  	s31 =	sshll.u32 s1, $0xD;
	s1 =	sshrl.u32 s1, $0x2  }
0xc8: {  	s4 =	sand.u32 $0x4000, s31;
	s1 =	sadd.s32 s1, s30  }
0xc9: {  	s0 =	sor.u32 s4, s0;
	s1 =	sshll.u32 s1, $0x11  }
0xca: {  	s0 =	sor.u32 s1, s0  }
0xcb: {  	s0 =	sadd.s32 $0x8F2B, s0  }
0xcc: {  	[sflag:s0] =	ssyncadd.remote.s32 $0x1  }
0xcd: {  	_ =	sfence.sel $0xFFFF  }
0xce: {  	[dreg:$0x0] =	wrdreg $0xFFFFFFFF;
	(pc) =	sbr.abs _section_cstart, $3  }
0xcf: {  	[dreg:$0x1] =	wrdreg $0xFFFFFFFF  }
0xd0: {  	_ =	task.clear_ibuf [dreg:s22], $0x2FFFF;
	_ =	strace $0x9FFFFFFF  }
0xd1: {  	(tm) =	ssettm $0x7FFFFFFF  }
tec
execute0_lowered:
.L_overlay_start_1:
0x0: {  	(tag) =	ssettag $0x1  }
0x1: {  	s1 =	rddreg [dreg:$0x0]  }
0x2: {  	s5 =	rddreg [dreg:$0x1]  }
0x3: {  	s0 =	rddreg [dreg:$0x2]  }
0x4: {  	s4 =	srdreg.scid;
	s3 =	simm.s32 $0x0;
	s2 =	stileid.u32  }
0x5: {  	s12 =	simm.s32 $0x1;
	s13 =	simm.s32 $0x2;
	s14 =	simm.s32 $0x0  }
0x6: {  	s6 =	sand.u32 $0x1, s4;
	[smem:$0x7FF] =	sst s3;
	s28 =	sshll.u32 s2, $0xC  }
0x7: {  	s4 =	sadd.s32 $0x9C00, s5;
	s8 =	sshll.u32 s2, $0xF;
	s30 =	sshll.u32 s2, $0xD  }
0x8: {  	s7 =	sshll.u32 s6, $0xB;
	_ =	strace $0x8000004D;
	s29 =	sadd.s32 s8, s5  }
0x9: {  	s31 =	ssub.s32 $0x2, s6;
	s10 =	sshll.u32 s6, $0xC;
	s7 =	sor.u32 s7, s28  }
0xa: {  	s6 =	sshll.u32 s6, $0xE;
	s11 =	sshrl.u32 s31, $0x1;
	s7 =	sshrl.u32 s7, $0x3  }
0xb: {  	s8 =	ssub.s32 s31, s11;
	s11 =	simm.s32 $0x2080;
	s9 =	sadd.s32 s7, s5  }
0xc: {  	s5 =	sadd.s32 s30, s5;
	s7 =	sadd.s32 s6, s29;
	s6 =	smax.u32 s8, $0x1  }
0xd: {  	s5 =	sadd.s32 s10, s5;
	s7 =	sadd.s32 $0x15FC00, s7;
	s8 =	sadd.s32 $0x15C00, s9  }
0xe: {  	s9 =	simm.s32 $0x3;
	s10 =	simm.s32 $0x80;
	s5 =	sadd.s32 $0x1DFC00, s5  }
.LBB2_1:
0xf: {  	s15 =	sadd.s32 $0x0, s8  }
0x10: {  	[tilespmem:s3], [sflag:$0x3] =	stream.linear.gather [hbm4b:s15+s3], $0x80, $0x38;
	[tilespmem:$0x2880] =	vst v63  }
0x11: {  	_ =	swait.ge [sflag:s9], $0x80  }
0x12: {  	[sflag:s9] =	ssyncset.done $0x0  }
0x13: {  	[sflag:s9] =	ssyncadd.s32 $0xFFFFFF80  }
0x14: {  	[tilespmem:s10], [sflag:$0x1] =	stream.indirect.gather [hbm4b:s1+s10], $0x40, s3, s10, $0xb8;
	[tilespmem:$0x2880] =	vst v63  }
0x15: {  	_ = 	snop  }
0x16: {  	[tilespmem:s11], [sflag:$0x2] =	stream.indirect.gather [hbm4b:s4+s10], $0x10, s3, s10, $0xb8;
	[tilespmem:$0x2880] =	vst v63  }
0x17: {  	_ =	swait.ge [sflag:s12], $0x2000  }
0x18: {  	[sflag:s12] =	ssyncset.done $0x0  }
0x19: {  	[sflag:s12] =	ssyncadd.s32 $0xFFFFE000  }
0x1a: {  	_ =	swait.ge [sflag:s13], $0x800  }
0x1b: {  	[sflag:s13] =	ssyncset.done $0x0  }
0x1c: {  	[sflag:s13] =	ssyncadd.s32 $0xFFFFF800  }
0x1d: {  	[hbm4b:s7+s3] =	stream.linear.scatter [tilespmem:s10], [sflag:$0x3], $0x2000, $0x38;
	[tilespmem:$0x2880] =	vst v63  }
0x1e: {  	_ =	swait.ge [sflag:s9], $0x2000  }
0x1f: {  	[sflag:s9] =	ssyncset.done $0x0  }
0x20: {  	[sflag:s9] =	ssyncadd.s32 $0xFFFFE000  }
0x21: {  	[hbm4b:s5+s3] =	stream.linear.scatter [tilespmem:s11], [sflag:$0x3], $0x800, $0x38;
	[tilespmem:$0x2880] =	vst v63  }
0x22: {  	s17 =	simm.s32 $0x10;
	s18 =	simm.s32 $0x20;
	_ =	swait.ge [sflag:s9], $0x800  }
0x23: {  	s16 =	sadd.s32 $0x400, s7;
	s15 =	sadd.s32 $0x100, s5;
	[sflag:s9] =	ssyncset.done $0x0  }
.LBB2_2:
0x24: {  	s19 =	sadd.s32 s17, s8  }
0x25: {  	[sflag:s9] =	ssyncadd.s32 $0xFFFFF800;
	s17 =	smov.u32 s18;
	s20 =	sadd.s32 $0x10, s18  }
0x26: {  	[tilespmem:s3], [sflag:$0x3] =	stream.linear.gather [hbm4b:s19+s3], $0x80, $0x38;
	[tilespmem:$0x2880] =	vst v63  }
0x27: {  	p0 =	sne.s32 s18, $0xF0;
	_ =	swait.ge [sflag:s9], $0x80  }
0x28: {  	[sflag:s9] =	ssyncset.done $0x0  }
0x29: {  	[sflag:s9] =	ssyncadd.s32 $0xFFFFFF80  }
0x2a: {  	[tilespmem:s10], [sflag:$0x1] =	stream.indirect.gather [hbm4b:s1+s10], $0x40, s3, s10, $0xb8;
	[tilespmem:$0x2880] =	vst v63  }
0x2b: {  	_ = 	snop  }
0x2c: {  	[tilespmem:s11], [sflag:$0x2] =	stream.indirect.gather [hbm4b:s4+s10], $0x10, s3, s10, $0xb8;
	[tilespmem:$0x2880] =	vst v63  }
0x2d: {  	_ =	swait.ge [sflag:s12], $0x2000  }
0x2e: {  	[sflag:s12] =	ssyncset.done $0x0  }
0x2f: {  	[sflag:s12] =	ssyncadd.s32 $0xFFFFE000  }
0x30: {  	_ =	swait.ge [sflag:s13], $0x800  }
0x31: {  	[sflag:s13] =	ssyncset.done $0x0  }
0x32: {  	[sflag:s13] =	ssyncadd.s32 $0xFFFFF800  }
0x33: {  	[hbm4b:s16+s3] =	stream.linear.scatter [tilespmem:s10], [sflag:$0x3], $0x2000, $0x38;
	[tilespmem:$0x2880] =	vst v63  }
0x34: {  	_ =	swait.ge [sflag:s9], $0x2000  }
.Ltmp0:
0x35: {  	[sflag:s9] =	ssyncset.done $0x0;
	(pc) =	sbr.rel @p0 .LBB2_2-.Ltmp0, $4  }
0x36: {  	[sflag:s9] =	ssyncadd.s32 $0xFFFFE000  }
0x37: {  	[hbm4b:s15+s3] =	stream.linear.scatter [tilespmem:s11], [sflag:$0x3], $0x800, $0x38;
	[tilespmem:$0x2880] =	vst v63  }
0x38: {  	s18 =	smov.u32 s20;
	_ =	swait.ge [sflag:s9], $0x800  }
0x39: {  	s16 =	sadd.s32 $0x400, s16;
	s15 =	sadd.s32 $0x100, s15;
	[sflag:s9] =	ssyncset.done $0x0  }
0x3a: {  	s17 =	sadd.s32 s17, s8;
	[sflag:s9] =	ssyncadd.s32 $0xFFFFF800  }
0x3b: {  	[tilespmem:s3], [sflag:$0x3] =	stream.linear.gather [hbm4b:s17+s3], $0x80, $0x38;
	[tilespmem:$0x2880] =	vst v63  }
0x3c: {  	_ =	swait.ge [sflag:s9], $0x80  }
0x3d: {  	[sflag:s9] =	ssyncset.done $0x0  }
0x3e: {  	[sflag:s9] =	ssyncadd.s32 $0xFFFFFF80  }
0x3f: {  	[tilespmem:s10], [sflag:$0x1] =	stream.indirect.gather [hbm4b:s1+s10], $0x40, s3, s10, $0xb8;
	[tilespmem:$0x2880] =	vst v63  }
0x40: {  	_ = 	snop  }
0x41: {  	[tilespmem:s11], [sflag:$0x2] =	stream.indirect.gather [hbm4b:s4+s10], $0x10, s3, s10, $0xb8;
	[tilespmem:$0x2880] =	vst v63  }
0x42: {  	_ =	swait.ge [sflag:s12], $0x2000  }
0x43: {  	[sflag:s12] =	ssyncset.done $0x0  }
0x44: {  	[sflag:s12] =	ssyncadd.s32 $0xFFFFE000  }
0x45: {  	_ =	swait.ge [sflag:s13], $0x800  }
0x46: {  	[sflag:s13] =	ssyncset.done $0x0  }
0x47: {  	[sflag:s13] =	ssyncadd.s32 $0xFFFFF800  }
0x48: {  	[hbm4b:s16+s3] =	stream.linear.scatter [tilespmem:s10], [sflag:$0x3], $0x2000, $0x38;
	[tilespmem:$0x2880] =	vst v63  }
0x49: {  	s14 =	sadd.s32 $0x1, s14;
	_ =	swait.ge [sflag:s9], $0x2000  }
0x4a: {  	p0 =	sne.s32 s14, s6;
	[sflag:s9] =	ssyncset.done $0x0  }
.Ltmp1:
0x4b: {  	[sflag:s9] =	ssyncadd.s32 $0xFFFFE000;
	(pc) =	sbr.rel @p0 .LBB2_1-.Ltmp1, $4  }
0x4c: {  	[hbm4b:s15+s3] =	stream.linear.scatter [tilespmem:s11], [sflag:$0x3], $0x800, $0x38;
	[tilespmem:$0x2880] =	vst v63  }
0x4d: {  	_ =	swait.ge [sflag:s9], $0x800  }
0x4e: {  	[sflag:s9] =	ssyncset.done $0x0  }
0x4f: {  	[sflag:s9] =	ssyncadd.s32 $0xFFFFF800  }
0x50: {  	_ =	sfence.sel $0x180000  }
0x51: {  	[bflag:$0x0] =	sbarrier.arrive $0xFFFF  }
0x52: {  	p0 =	sne.s32 s2, $0x0;
	_ =	strace $0x9000004D  }
0x53: {  	s0 =	sadd.s32 @!p0 $0x100000, s0;
	[bflag:$0x2] =	sbarrier.arrive $0xFFFF  }
0x54: {  	[sflag:s0] =	ssyncadd.tile.s32 @!p0 $0x1;
	_ =	shalt  }
.Lfunc_end2:
_tile_overlayer_lowered:
.L_overlay_start_2:
0x55: {  	(tag) =	ssettag $0x2  }
0x56: {  	s0 =	rddreg [dreg:$0x0];
	s2 =	stileid.u32  }
0x57: {  	s1 =	rddreg [dreg:$0x1];
	p0 =	sne.s32 s2, $0x0  }
0x58: {  	s3 =	rddreg [dreg:$0x2];
	[bflag:$0x3] =	sbarrier.arrive $0xFFFF;
	s2 =	simm.s32 @!p0 $0x1C03  }
0x59: {  	[timem:s3], [sflag:s2] =	dma.local @!p0 [hbm:s0], s1  }
0x5a: {  	s0 =	simm.s32 @!p0 $0x3  }
0x5b: {  	_ =	swait.ge @!p0 [sflag:s0], s1  }
0x5c: {  	s1 =	ssub.s32 @!p0 $0x0, s1;
	[sflag:s0] =	ssyncset.done @!p0 $0x0  }
0x5d: {  	[sflag:s0] =	ssyncadd.s32 @!p0 s1  }
0x5e: {  	[bflag:$0x3] =	sbarrier.arrive $0xFFFF  }
0x5f: {  	_ =	shalt  }

// kernel: kernel.38.cloned.1.call-start
scs
__scs_entry_jumppad:
0x0: {  	(pc) =	sbr.rel $0x88, $3  }
0x1: {  	(tag) =	ssettag $0x0;
	lr =	simm.s32 $0x1  }
0x2: {  	[smem:$0x3F98] =	sst lr;
	_ =	strace $0xD0000000  }
0x3: {  	_ = 	snop  }
0x4: {  	_ = 	snop  }
0x5: {  	_ = 	snop  }
0x6: {  	_ = 	snop  }
0x7: {  	_ = 	snop  }
__scs_overlays_trampoline_lowered:
0x8: {  	[smem:$0x3FA7] =	sst s0  }
0x9: {  	[smem:$0x3FA8] =	sst s1  }
0xa: {  	[smem:$0x3FA9] =	sst s2  }
0xb: {  	[smem:$0x3FAA] =	sst s3  }
0xc: {  	[smem:$0x3FAB] =	sst s4  }
0xd: {  	[smem:$0x3FAC] =	sst s5  }
0xe: {  	[smem:$0x3FAD] =	sst s6  }
0xf: {  	[smem:$0x3FAE] =	sst s7  }
0x10: {  	[smem:$0x3FAF] =	sst s8  }
0x11: {  	[smem:$0x3FB0] =	sst s9;
	s0 =	simm.s32 @!p0 $0x0  }
0x12: {  	s1 =	sld [smem:$0x3F96];
	s0 =	simm.s32 @p0 $0x1  }
0x13: {  	[smem:$0x3FB1] =	sst s0;
	s0 =	simm.s32 @!p1 $0x0  }
0x14: {  	s2 =	sld [smem:$0x3F95];
	s0 =	simm.s32 @p1 $0x1  }
0x15: {  	[smem:$0x3FB2] =	sst s0;
	s0 =	simm.s32 @!p2 $0x0  }
0x16: {  	s3 =	sld [smem:$0x3FDB];
	s0 =	simm.s32 @p2 $0x1  }
0x17: {  	s4 =	simm.s32 $0x1BF5;
	[smem:$0x3FB4] =	sst s0  }
0x18: {  	s0 =	sld [smem:$0x3F97];
	_ =	swait.ge [sflag:s4], $0x0  }
0x19: {  	s7 =	sld [smem:$0x3F98]  }
0x1a: {  	s8 =	sadd.s32 $0xFFFFE003, lr  }
0x1b: {  	s9 =	sadd.s32 $0xFFFFFEF7, lr;
	s5 =	simm.s32 $0xFFFFFFFF;
	p2 =	slt.u32 s8, $0xFFFFF086  }
0x1c: {  	p1 =	slt.u32 s9, $0xF7A;
	s5 =	simm.s32 @!p2 $0x0  }
0x1d: {  	s5 =	simm.s32 @p1 $0x1;
	p0 =	seq.s32 s7, s2  }
0x1e: {  	s7 =	smul.u32 @!p0 $0xF7A, s2;
	p2 =	seq.s32 @!p0 s5, $0x0  }
0x1f: {  	s9 =	smul.u32 $0xF7A, s1;
	s8 =	simm.s32 @!p0 $0x1BF5;
	p2 =	por !p2, p0  }
0x20: {  	[sflag:s8] =	ssyncset.s32 @!p0 $0xFFFFF086;
	s6 =	sadd.s32 @!p0 s3, s7;
	s7 =	simm.s32 @!p0 $0x108  }
0x21: {  	s3 =	sadd.s32 s3, s9;
	s6 =	sadd.s32 @!p0 $0x88, s6;
	s7 =	simm.s32 @p2 $0x1082  }
0x22: {  	[simem:s7], [sflag:s8] =	dma.local @!p0 [hbm:s6], $0xF7A  }
0x23: {  	s9 =	sor.u32 $0xD0000000, s2;
	s6 =	simm.s32 $0x108;
	_ =	swait.ge @!p0 [sflag:s8], $0x0  }
0x24: {  	s3 =	sadd.s32 $0x88, s3;
	s6 =	simm.s32 @!p1 $0x1082;
	[sflag:s4] =	ssyncset.s32 $0xFFFFF086  }
0x25: {  	[simem:s6], [sflag:s4] =	dma.local [hbm:s3], $0xF7A  }
0x26: {  	[smem:$0x3F98] =	sst s1;
	(tag) =	ssettag s2;
	_ =	strace s9  }
0x27: {  	s1 =	sld [smem:$0x3FA8]  }
0x28: {  	s2 =	sld [smem:$0x3FA9]  }
0x29: {  	s4 =	sld [smem:$0x3FAB]  }
0x2a: {  	p0 =	seq.s32 s5, $0x0;
	s5 =	sld [smem:$0x3FAC]  }
0x2b: {  	s6 =	sld [smem:$0x3FAD]  }
0x2c: {  	s7 =	sld [smem:$0x3FAE]  }
0x2d: {  	s3 =	simm.s32 $0x108;
	s8 =	sld [smem:$0x3FAF]  }
0x2e: {  	s3 =	simm.s32 @!p0 $0x1082;
	s9 =	sld [smem:$0x3FB0]  }
0x2f: {  	lr =	sadd.s32 s0, s3;
	s0 =	sld [smem:$0x3FA7]  }
0x30: {  	s3 =	sld [smem:$0x3FAA]  }
0x31: {  	[smem:$0x3FB3] =	sst s10  }
0x32: {  	s10 =	sld [smem:$0x3FB1];
	_ =	sdelay $0x3  }
0x33: {  	p0 =	seq.s32 s10, $0x1;
	s10 =	sld [smem:$0x3FB3];
	_ =	sdelay $0x3  }
0x34: {  	[smem:$0x3FB3] =	sst s10  }
0x35: {  	s10 =	sld [smem:$0x3FB2];
	_ =	sdelay $0x3  }
0x36: {  	p1 =	seq.s32 s10, $0x1;
	s10 =	sld [smem:$0x3FB3];
	_ =	sdelay $0x3  }
0x37: {  	[smem:$0x3FB3] =	sst s10  }
0x38: {  	s10 =	sld [smem:$0x3FB4]  }
0x39: {  	_ = 	snop;
	(pc) =	sbr.ind lr, $3  }
0x3a: {  	_ = 	snop  }
0x3b: {  	_ = 	snop  }
0x3c: {  	p2 =	seq.s32 s10, $0x1;
	s10 =	sld [smem:$0x3FB3]  }
0x3d: {  	_ =	shalt  }
0x3e: {  	_ =	shalt  }
0x3f: {  	_ =	shalt  }
0x40: {  	_ =	shalt  }
0x41: {  	_ =	shalt  }
0x42: {  	_ =	shalt  }
0x43: {  	_ =	shalt  }
0x44: {  	_ =	shalt  }
0x45: {  	_ =	shalt  }
0x46: {  	_ =	shalt  }
0x47: {  	_ =	shalt  }
0x48: {  	_ =	shalt  }
0x49: {  	_ =	shalt  }
0x4a: {  	_ =	shalt  }
0x4b: {  	_ =	shalt  }
0x4c: {  	_ =	shalt  }
0x4d: {  	_ =	shalt  }
0x4e: {  	_ =	shalt  }
0x4f: {  	_ =	shalt  }
0x50: {  	_ =	shalt  }
0x51: {  	_ =	shalt  }
0x52: {  	_ =	shalt  }
0x53: {  	_ =	shalt  }
0x54: {  	_ =	shalt  }
0x55: {  	_ =	shalt  }
0x56: {  	_ =	shalt  }
0x57: {  	_ =	shalt  }
0x58: {  	_ =	shalt  }
0x59: {  	_ =	shalt  }
0x5a: {  	_ =	shalt  }
0x5b: {  	_ =	shalt  }
0x5c: {  	_ =	shalt  }
0x5d: {  	_ =	shalt  }
0x5e: {  	_ =	shalt  }
0x5f: {  	_ =	shalt  }
0x60: {  	_ =	shalt  }
0x61: {  	_ =	shalt  }
0x62: {  	_ =	shalt  }
0x63: {  	_ =	shalt  }
0x64: {  	_ =	shalt  }
0x65: {  	_ =	shalt  }
0x66: {  	_ =	shalt  }
0x67: {  	_ =	shalt  }
0x68: {  	_ =	shalt  }
0x69: {  	_ =	shalt  }
0x6a: {  	_ =	shalt  }
0x6b: {  	_ =	shalt  }
0x6c: {  	_ =	shalt  }
0x6d: {  	_ =	shalt  }
0x6e: {  	_ =	shalt  }
0x6f: {  	_ =	shalt  }
0x70: {  	_ =	shalt  }
0x71: {  	_ =	shalt  }
0x72: {  	_ =	shalt  }
0x73: {  	_ =	shalt  }
0x74: {  	_ =	shalt  }
0x75: {  	_ =	shalt  }
0x76: {  	_ =	shalt  }
0x77: {  	_ =	shalt  }
0x78: {  	_ =	shalt  }
0x79: {  	_ =	shalt  }
0x7a: {  	_ =	shalt  }
0x7b: {  	_ =	shalt  }
0x7c: {  	_ =	shalt  }
0x7d: {  	_ =	shalt  }
0x7e: {  	_ =	shalt  }
0x7f: {  	_ =	shalt  }
0x80: {  	_ =	shalt  }
0x81: {  	_ =	shalt  }
0x82: {  	_ =	shalt  }
0x83: {  	_ =	shalt  }
0x84: {  	_ =	shalt  }
0x85: {  	_ =	shalt  }
0x86: {  	_ =	shalt  }
0x87: {  	_ =	shalt  }
.Lfunc_end0:
.L_simem_size_0:
called_computation.4_lowered:
.L_overlay_start_0:
0x88: {  	s2 =	sld [smem:$0x3FD9]  }
0x89: {  	s3 =	sld [smem:$0x3FFE];
	_ =	sdelay $0x1  }
0x8a: {  	s1 =	srdreg.scid  }
0x8b: {  	s0 =	sand.u32 $0x1, s1  }
0x8c: {  	s17 =	sshll.u32 s0, $0xA;
	s2 =	sadd.s32 s3, s2  }
0x8d: {  	s2 =	sadd.s32 s2, s17  }
0x8e: {  	[smem:$0x3FBF] =	sst s2  }
0x8f: {  	_ = 	snop  }
0x90: {  	s18 =	sld [smem:$0x3FD0];
	(tm) =	ssettm $0x1  }
0x91: {  	s19 =	sld [smem:$0x3FFB];
	_ =	sdelay $0x3  }
0x92: {  	_ =	strace s19  }
0x93: {  	s2 =	sld [smem:$0x3FFC];
	_ =	sdelay $0x3  }
0x94: {  	_ =	strace s2  }
0x95: {  	s2 =	sld [smem:$0x3FFD];
	_ =	sdelay $0x3  }
0x96: {  	_ =	strace s2  }
0x97: {  	_ =	strace $0x8FFFFFFF  }
0x98: {  	s20 =	sld [smem:$0x3FDB];
	_ =	sdelay $0x1  }
0x99: {  	s4 =	simm.s32 $_scs_section_size  }
0x9a: {  	s5 =	simm.s32 $_size__tile_overlayer_lowered;
	s6 =	simm.s32 $_tile_overlayer_lowered  }
0x9b: {  	s7 =	simm.s32 $0x1BFF;
	s21 =	sshll.u32 s6, $0x1;
	s4 =	sadd.s32 s4, s20  }
0x9c: {  	s22 =	simm.s32 $0x0;
	s5 =	sshll.u32 s5, $0x1;
	s6 =	sadd.s32 s21, s4  }
0x9d: {  	[timem:s22], [sflag:s7] =	dma.local [hbm:s6], s5  }
0x9e: {  	_ =	swait.ge [sflag:s7], s5  }
0x9f: {  	s5 =	ssub.s32 $0x0, s5;
	[sflag:s7] =	ssyncset.done $0x0  }
0xa0: {  	[sflag:s7] =	ssyncadd.s32 s5;
	_ =	sdelay $0x1  }
0xa1: {  	s23 =	simm.s32 $0x1B8B  }
0xa2: {  	_ =	swait.ge [sflag:s23], $0x1  }
0xa3: {  	[sflag:s23] =	ssyncset.done $0x0  }
0xa4: {  	[sflag:s23] =	ssyncadd.s32 $0xFFFFFFFF  }
0xa5: {  	s5 =	sld [smem:$0x0]  }
0xa6: {  	s6 =	sand.u32 $0xFFFFFFFE, s1  }
0xa7: {  	p0 =	sne.s32 s1, s6  }
0xa8: {  	s6 =	sshll.u32 @p0 s6, $0xE  }
0xa9: {  	s6 =	sadd.s32 @p0 $0x11B8D, s6;
	s7 =	sshll.u32 @p0 s5, $0x11  }
0xaa: {  	s6 =	sor.u32 @p0 s7, s6  }
0xab: {  	[sflag:s6] =	ssyncadd.remote.s32 @p0 $0x1;
	_ =	sdelay $0x1  }
0xac: {  	s6 =	simm.s32 @p0 $0x1B8D  }
0xad: {  	_ =	swait.eq @p0 [sflag:s6], $0x1  }
0xae: {  	[sflag:s6] =	ssyncadd.s32 @p0 $0xFFFFFFFF  }
0xaf: {  	s7 =	sshll.u32 @!p0 s1, $0xE  }
0xb0: {  	s7 =	sor.u32 @!p0 $0x4000, s7;
	s6 =	simm.s32 @!p0 $0x1B8D  }
0xb1: {  	s5 =	sshll.u32 @!p0 s5, $0x11;
	s7 =	sadd.s32 @!p0 $0x11B8D, s7;
	_ =	swait.eq @!p0 [sflag:s6], $0x1  }
0xb2: {  	s5 =	sor.u32 @!p0 s5, s7;
	[sflag:s6] =	ssyncadd.s32 @!p0 $0xFFFFFFFF  }
0xb3: {  	s25 =	simm.s32 $0x1B8E;
	s24 =	sld [smem:$0x3FFE];
	[sflag:s5] =	ssyncadd.remote.s32 @!p0 $0x1  }
0xb4: {  	s26 =	simm.s32 $execute0_lowered;
	[smem:$0x3FD2] =	sst s25  }
0xb5: {  	s6 =	sshll.u32 s26, $0x1;
	_ =	strace $0x8000004F;
	[dreg:$0x1] =	wrdreg $0xFFFFFFFF  }
0xb6: {  	s28 =	simm.s32 $_size_execute0_lowered;
	s4 =	sadd.s32 s4, s6;
	[dreg:$0x0] =	wrdreg $0x0  }
0xb7: {  	s6 =	sshll.u32 s28, $0x1;
	[dreg:$0x2] =	wrdreg s4  }
0xb8: {  	[dreg:$0x3] =	wrdreg s6  }
0xb9: {  	[dreg:$0x4] =	wrdreg $0xC0  }
0xba: {  	_ =	task [dreg:s22], $0x5FFFF  }
0xbb: {  	[dreg:$0x1] =	wrdreg $0xFFFFFFFF  }
0xbc: {  	[dreg:$0x0] =	wrdreg $0x60  }
0xbd: {  	[dreg:$0x2] =	wrdreg s18  }
0xbe: {  	[dreg:$0x3] =	wrdreg s24  }
0xbf: {  	[dreg:$0x4] =	wrdreg $0xD  }
0xc0: {  	_ =	task.clear_ibuf [dreg:s22], $0x5FFFF;
	_ =	strace $0x9000004F  }
0xc1: {  	s29 =	simm.s32 $0xD;
	_ =	strace $0x80000051  }
0xc2: {  	_ =	swait.ge [sflag:s29], $0x1  }
0xc3: {  	[sflag:s29] =	ssyncadd.s32 $0xFFFFFFFF  }
0xc4: {  	_ =	strace $0x90000051  }
0xc5: {  	_ =	sfence  }
0xc6: {  	s30 =	sld [smem:$0x0];
	_ =	sdelay $0x2  }
0xc7: {  	s31 =	sshll.u32 s1, $0xD;
	s1 =	sshrl.u32 s1, $0x2  }
0xc8: {  	s4 =	sand.u32 $0x4000, s31;
	s1 =	sadd.s32 s1, s30  }
0xc9: {  	s0 =	sor.u32 s4, s0;
	s1 =	sshll.u32 s1, $0x11  }
0xca: {  	s0 =	sor.u32 s1, s0  }
0xcb: {  	s0 =	sadd.s32 $0x8F2B, s0  }
0xcc: {  	[sflag:s0] =	ssyncadd.remote.s32 $0x1  }
0xcd: {  	_ =	sfence.sel $0xFFFF  }
0xce: {  	[dreg:$0x0] =	wrdreg $0xFFFFFFFF;
	(pc) =	sbr.abs _section_cstart, $3  }
0xcf: {  	[dreg:$0x1] =	wrdreg $0xFFFFFFFF  }
0xd0: {  	_ =	task.clear_ibuf [dreg:s22], $0x2FFFF;
	_ =	strace $0x9FFFFFFF  }
0xd1: {  	(tm) =	ssettm $0x7FFFFFFF  }
tec
execute0_lowered:
.L_overlay_start_1:
0x0: {  	(tag) =	ssettag $0x1  }
0x1: {  	s1 =	rddreg [dreg:$0x0]  }
0x2: {  	s5 =	rddreg [dreg:$0x1]  }
0x3: {  	s0 =	rddreg [dreg:$0x2]  }
0x4: {  	s4 =	srdreg.scid;
	s3 =	simm.s32 $0x0;
	s2 =	stileid.u32  }
0x5: {  	s12 =	simm.s32 $0x1;
	s13 =	simm.s32 $0x2;
	s14 =	simm.s32 $0x0  }
0x6: {  	s6 =	sand.u32 $0x1, s4;
	[smem:$0x7FF] =	sst s3;
	s28 =	sshll.u32 s2, $0xC  }
0x7: {  	s4 =	sadd.s32 $0x9C00, s5;
	s8 =	sshll.u32 s2, $0xF;
	s30 =	sshll.u32 s2, $0xD  }
0x8: {  	s7 =	sshll.u32 s6, $0xB;
	_ =	strace $0x80000050;
	s29 =	sadd.s32 s8, s5  }
0x9: {  	s31 =	ssub.s32 $0x2, s6;
	s10 =	sshll.u32 s6, $0xC;
	s7 =	sor.u32 s7, s28  }
0xa: {  	s6 =	sshll.u32 s6, $0xE;
	s11 =	sshrl.u32 s31, $0x1;
	s7 =	sshrl.u32 s7, $0x3  }
0xb: {  	s8 =	ssub.s32 s31, s11;
	s11 =	simm.s32 $0x2080;
	s9 =	sadd.s32 s7, s5  }
0xc: {  	s5 =	sadd.s32 s30, s5;
	s7 =	sadd.s32 s6, s29;
	s6 =	smax.u32 s8, $0x1  }
0xd: {  	s5 =	sadd.s32 s10, s5;
	s7 =	sadd.s32 $0x1FFC00, s7;
	s8 =	sadd.s32 $0x17C00, s9  }
0xe: {  	s9 =	simm.s32 $0x3;
	s10 =	simm.s32 $0x80;
	s5 =	sadd.s32 $0x27FC00, s5  }
.LBB2_1:
0xf: {  	s15 =	sadd.s32 $0x0, s8  }
0x10: {  	[tilespmem:s3], [sflag:$0x3] =	stream.linear.gather [hbm4b:s15+s3], $0x80, $0x38;
	[tilespmem:$0x2880] =	vst v63  }
0x11: {  	_ =	swait.ge [sflag:s9], $0x80  }
0x12: {  	[sflag:s9] =	ssyncset.done $0x0  }
0x13: {  	[sflag:s9] =	ssyncadd.s32 $0xFFFFFF80  }
0x14: {  	[tilespmem:s10], [sflag:$0x1] =	stream.indirect.gather [hbm4b:s1+s10], $0x40, s3, s10, $0xb8;
	[tilespmem:$0x2880] =	vst v63  }
0x15: {  	_ = 	snop  }
0x16: {  	[tilespmem:s11], [sflag:$0x2] =	stream.indirect.gather [hbm4b:s4+s10], $0x10, s3, s10, $0xb8;
	[tilespmem:$0x2880] =	vst v63  }
0x17: {  	_ =	swait.ge [sflag:s12], $0x2000  }
0x18: {  	[sflag:s12] =	ssyncset.done $0x0  }
0x19: {  	[sflag:s12] =	ssyncadd.s32 $0xFFFFE000  }
0x1a: {  	_ =	swait.ge [sflag:s13], $0x800  }
0x1b: {  	[sflag:s13] =	ssyncset.done $0x0  }
0x1c: {  	[sflag:s13] =	ssyncadd.s32 $0xFFFFF800  }
0x1d: {  	[hbm4b:s7+s3] =	stream.linear.scatter [tilespmem:s10], [sflag:$0x3], $0x2000, $0x38;
	[tilespmem:$0x2880] =	vst v63  }
0x1e: {  	_ =	swait.ge [sflag:s9], $0x2000  }
0x1f: {  	[sflag:s9] =	ssyncset.done $0x0  }
0x20: {  	[sflag:s9] =	ssyncadd.s32 $0xFFFFE000  }
0x21: {  	[hbm4b:s5+s3] =	stream.linear.scatter [tilespmem:s11], [sflag:$0x3], $0x800, $0x38;
	[tilespmem:$0x2880] =	vst v63  }
0x22: {  	s17 =	simm.s32 $0x10;
	s18 =	simm.s32 $0x20;
	_ =	swait.ge [sflag:s9], $0x800  }
0x23: {  	s16 =	sadd.s32 $0x400, s7;
	s15 =	sadd.s32 $0x100, s5;
	[sflag:s9] =	ssyncset.done $0x0  }
.LBB2_2:
0x24: {  	s19 =	sadd.s32 s17, s8  }
0x25: {  	[sflag:s9] =	ssyncadd.s32 $0xFFFFF800;
	s17 =	smov.u32 s18;
	s20 =	sadd.s32 $0x10, s18  }
0x26: {  	[tilespmem:s3], [sflag:$0x3] =	stream.linear.gather [hbm4b:s19+s3], $0x80, $0x38;
	[tilespmem:$0x2880] =	vst v63  }
0x27: {  	p0 =	sne.s32 s18, $0xF0;
	_ =	swait.ge [sflag:s9], $0x80  }
0x28: {  	[sflag:s9] =	ssyncset.done $0x0  }
0x29: {  	[sflag:s9] =	ssyncadd.s32 $0xFFFFFF80  }
0x2a: {  	[tilespmem:s10], [sflag:$0x1] =	stream.indirect.gather [hbm4b:s1+s10], $0x40, s3, s10, $0xb8;
	[tilespmem:$0x2880] =	vst v63  }
0x2b: {  	_ = 	snop  }
0x2c: {  	[tilespmem:s11], [sflag:$0x2] =	stream.indirect.gather [hbm4b:s4+s10], $0x10, s3, s10, $0xb8;
	[tilespmem:$0x2880] =	vst v63  }
0x2d: {  	_ =	swait.ge [sflag:s12], $0x2000  }
0x2e: {  	[sflag:s12] =	ssyncset.done $0x0  }
0x2f: {  	[sflag:s12] =	ssyncadd.s32 $0xFFFFE000  }
0x30: {  	_ =	swait.ge [sflag:s13], $0x800  }
0x31: {  	[sflag:s13] =	ssyncset.done $0x0  }
0x32: {  	[sflag:s13] =	ssyncadd.s32 $0xFFFFF800  }
0x33: {  	[hbm4b:s16+s3] =	stream.linear.scatter [tilespmem:s10], [sflag:$0x3], $0x2000, $0x38;
	[tilespmem:$0x2880] =	vst v63  }
0x34: {  	_ =	swait.ge [sflag:s9], $0x2000  }
.Ltmp0:
0x35: {  	[sflag:s9] =	ssyncset.done $0x0;
	(pc) =	sbr.rel @p0 .LBB2_2-.Ltmp0, $4  }
0x36: {  	[sflag:s9] =	ssyncadd.s32 $0xFFFFE000  }
0x37: {  	[hbm4b:s15+s3] =	stream.linear.scatter [tilespmem:s11], [sflag:$0x3], $0x800, $0x38;
	[tilespmem:$0x2880] =	vst v63  }
0x38: {  	s18 =	smov.u32 s20;
	_ =	swait.ge [sflag:s9], $0x800  }
0x39: {  	s16 =	sadd.s32 $0x400, s16;
	s15 =	sadd.s32 $0x100, s15;
	[sflag:s9] =	ssyncset.done $0x0  }
0x3a: {  	s17 =	sadd.s32 s17, s8;
	[sflag:s9] =	ssyncadd.s32 $0xFFFFF800  }
0x3b: {  	[tilespmem:s3], [sflag:$0x3] =	stream.linear.gather [hbm4b:s17+s3], $0x80, $0x38;
	[tilespmem:$0x2880] =	vst v63  }
0x3c: {  	_ =	swait.ge [sflag:s9], $0x80  }
0x3d: {  	[sflag:s9] =	ssyncset.done $0x0  }
0x3e: {  	[sflag:s9] =	ssyncadd.s32 $0xFFFFFF80  }
0x3f: {  	[tilespmem:s10], [sflag:$0x1] =	stream.indirect.gather [hbm4b:s1+s10], $0x40, s3, s10, $0xb8;
	[tilespmem:$0x2880] =	vst v63  }
0x40: {  	_ = 	snop  }
0x41: {  	[tilespmem:s11], [sflag:$0x2] =	stream.indirect.gather [hbm4b:s4+s10], $0x10, s3, s10, $0xb8;
	[tilespmem:$0x2880] =	vst v63  }
0x42: {  	_ =	swait.ge [sflag:s12], $0x2000  }
0x43: {  	[sflag:s12] =	ssyncset.done $0x0  }
0x44: {  	[sflag:s12] =	ssyncadd.s32 $0xFFFFE000  }
0x45: {  	_ =	swait.ge [sflag:s13], $0x800  }
0x46: {  	[sflag:s13] =	ssyncset.done $0x0  }
0x47: {  	[sflag:s13] =	ssyncadd.s32 $0xFFFFF800  }
0x48: {  	[hbm4b:s16+s3] =	stream.linear.scatter [tilespmem:s10], [sflag:$0x3], $0x2000, $0x38;
	[tilespmem:$0x2880] =	vst v63  }
0x49: {  	s14 =	sadd.s32 $0x1, s14;
	_ =	swait.ge [sflag:s9], $0x2000  }
0x4a: {  	p0 =	sne.s32 s14, s6;
	[sflag:s9] =	ssyncset.done $0x0  }
.Ltmp1:
0x4b: {  	[sflag:s9] =	ssyncadd.s32 $0xFFFFE000;
	(pc) =	sbr.rel @p0 .LBB2_1-.Ltmp1, $4  }
0x4c: {  	[hbm4b:s15+s3] =	stream.linear.scatter [tilespmem:s11], [sflag:$0x3], $0x800, $0x38;
	[tilespmem:$0x2880] =	vst v63  }
0x4d: {  	_ =	swait.ge [sflag:s9], $0x800  }
0x4e: {  	[sflag:s9] =	ssyncset.done $0x0  }
0x4f: {  	[sflag:s9] =	ssyncadd.s32 $0xFFFFF800  }
0x50: {  	_ =	sfence.sel $0x180000  }
0x51: {  	[bflag:$0x0] =	sbarrier.arrive $0xFFFF  }
0x52: {  	p0 =	sne.s32 s2, $0x0;
	_ =	strace $0x90000050  }
0x53: {  	s0 =	sadd.s32 @!p0 $0x100000, s0;
	[bflag:$0x2] =	sbarrier.arrive $0xFFFF  }
0x54: {  	[sflag:s0] =	ssyncadd.tile.s32 @!p0 $0x1;
	_ =	shalt  }
.Lfunc_end2:
_tile_overlayer_lowered:
.L_overlay_start_2:
0x55: {  	(tag) =	ssettag $0x2  }
0x56: {  	s0 =	rddreg [dreg:$0x0];
	s2 =	stileid.u32  }
0x57: {  	s1 =	rddreg [dreg:$0x1];
	p0 =	sne.s32 s2, $0x0  }
0x58: {  	s3 =	rddreg [dreg:$0x2];
	[bflag:$0x3] =	sbarrier.arrive $0xFFFF;
	s2 =	simm.s32 @!p0 $0x1C03  }
0x59: {  	[timem:s3], [sflag:s2] =	dma.local @!p0 [hbm:s0], s1  }
0x5a: {  	s0 =	simm.s32 @!p0 $0x3  }
0x5b: {  	_ =	swait.ge @!p0 [sflag:s0], s1  }
0x5c: {  	s1 =	ssub.s32 @!p0 $0x0, s1;
	[sflag:s0] =	ssyncset.done @!p0 $0x0  }
0x5d: {  	[sflag:s0] =	ssyncadd.s32 @!p0 s1  }
0x5e: {  	[bflag:$0x3] =	sbarrier.arrive $0xFFFF  }
0x5f: {  	_ =	shalt  }

// kernel: kernel.41.cloned.1.call-start
scs
__scs_entry_jumppad:
0x0: {  	(pc) =	sbr.rel $0x88, $3  }
0x1: {  	(tag) =	ssettag $0x0;
	lr =	simm.s32 $0x1  }
0x2: {  	[smem:$0x3F98] =	sst lr;
	_ =	strace $0xD0000000  }
0x3: {  	_ = 	snop  }
0x4: {  	_ = 	snop  }
0x5: {  	_ = 	snop  }
0x6: {  	_ = 	snop  }
0x7: {  	_ = 	snop  }
__scs_overlays_trampoline_lowered:
0x8: {  	[smem:$0x3FA7] =	sst s0  }
0x9: {  	[smem:$0x3FA8] =	sst s1  }
0xa: {  	[smem:$0x3FA9] =	sst s2  }
0xb: {  	[smem:$0x3FAA] =	sst s3  }
0xc: {  	[smem:$0x3FAB] =	sst s4  }
0xd: {  	[smem:$0x3FAC] =	sst s5  }
0xe: {  	[smem:$0x3FAD] =	sst s6  }
0xf: {  	[smem:$0x3FAE] =	sst s7  }
0x10: {  	[smem:$0x3FAF] =	sst s8  }
0x11: {  	[smem:$0x3FB0] =	sst s9;
	s0 =	simm.s32 @!p0 $0x0  }
0x12: {  	s1 =	sld [smem:$0x3F96];
	s0 =	simm.s32 @p0 $0x1  }
0x13: {  	[smem:$0x3FB1] =	sst s0;
	s0 =	simm.s32 @!p1 $0x0  }
0x14: {  	s2 =	sld [smem:$0x3F95];
	s0 =	simm.s32 @p1 $0x1  }
0x15: {  	[smem:$0x3FB2] =	sst s0;
	s0 =	simm.s32 @!p2 $0x0  }
0x16: {  	s3 =	sld [smem:$0x3FDB];
	s0 =	simm.s32 @p2 $0x1  }
0x17: {  	s4 =	simm.s32 $0x1BF5;
	[smem:$0x3FB4] =	sst s0  }
0x18: {  	s0 =	sld [smem:$0x3F97];
	_ =	swait.ge [sflag:s4], $0x0  }
0x19: {  	s7 =	sld [smem:$0x3F98]  }
0x1a: {  	s8 =	sadd.s32 $0xFFFFE003, lr  }
0x1b: {  	s9 =	sadd.s32 $0xFFFFFEF7, lr;
	s5 =	simm.s32 $0xFFFFFFFF;
	p2 =	slt.u32 s8, $0xFFFFF086  }
0x1c: {  	p1 =	slt.u32 s9, $0xF7A;
	s5 =	simm.s32 @!p2 $0x0  }
0x1d: {  	s5 =	simm.s32 @p1 $0x1;
	p0 =	seq.s32 s7, s2  }
0x1e: {  	s7 =	smul.u32 @!p0 $0xF7A, s2;
	p2 =	seq.s32 @!p0 s5, $0x0  }
0x1f: {  	s9 =	smul.u32 $0xF7A, s1;
	s8 =	simm.s32 @!p0 $0x1BF5;
	p2 =	por !p2, p0  }
0x20: {  	[sflag:s8] =	ssyncset.s32 @!p0 $0xFFFFF086;
	s6 =	sadd.s32 @!p0 s3, s7;
	s7 =	simm.s32 @!p0 $0x108  }
0x21: {  	s3 =	sadd.s32 s3, s9;
	s6 =	sadd.s32 @!p0 $0x88, s6;
	s7 =	simm.s32 @p2 $0x1082  }
0x22: {  	[simem:s7], [sflag:s8] =	dma.local @!p0 [hbm:s6], $0xF7A  }
0x23: {  	s9 =	sor.u32 $0xD0000000, s2;
	s6 =	simm.s32 $0x108;
	_ =	swait.ge @!p0 [sflag:s8], $0x0  }
0x24: {  	s3 =	sadd.s32 $0x88, s3;
	s6 =	simm.s32 @!p1 $0x1082;
	[sflag:s4] =	ssyncset.s32 $0xFFFFF086  }
0x25: {  	[simem:s6], [sflag:s4] =	dma.local [hbm:s3], $0xF7A  }
0x26: {  	[smem:$0x3F98] =	sst s1;
	(tag) =	ssettag s2;
	_ =	strace s9  }
0x27: {  	s1 =	sld [smem:$0x3FA8]  }
0x28: {  	s2 =	sld [smem:$0x3FA9]  }
0x29: {  	s4 =	sld [smem:$0x3FAB]  }
0x2a: {  	p0 =	seq.s32 s5, $0x0;
	s5 =	sld [smem:$0x3FAC]  }
0x2b: {  	s6 =	sld [smem:$0x3FAD]  }
0x2c: {  	s7 =	sld [smem:$0x3FAE]  }
0x2d: {  	s3 =	simm.s32 $0x108;
	s8 =	sld [smem:$0x3FAF]  }
0x2e: {  	s3 =	simm.s32 @!p0 $0x1082;
	s9 =	sld [smem:$0x3FB0]  }
0x2f: {  	lr =	sadd.s32 s0, s3;
	s0 =	sld [smem:$0x3FA7]  }
0x30: {  	s3 =	sld [smem:$0x3FAA]  }
0x31: {  	[smem:$0x3FB3] =	sst s10  }
0x32: {  	s10 =	sld [smem:$0x3FB1];
	_ =	sdelay $0x3  }
0x33: {  	p0 =	seq.s32 s10, $0x1;
	s10 =	sld [smem:$0x3FB3];
	_ =	sdelay $0x3  }
0x34: {  	[smem:$0x3FB3] =	sst s10  }
0x35: {  	s10 =	sld [smem:$0x3FB2];
	_ =	sdelay $0x3  }
0x36: {  	p1 =	seq.s32 s10, $0x1;
	s10 =	sld [smem:$0x3FB3];
	_ =	sdelay $0x3  }
0x37: {  	[smem:$0x3FB3] =	sst s10  }
0x38: {  	s10 =	sld [smem:$0x3FB4]  }
0x39: {  	_ = 	snop;
	(pc) =	sbr.ind lr, $3  }
0x3a: {  	_ = 	snop  }
0x3b: {  	_ = 	snop  }
0x3c: {  	p2 =	seq.s32 s10, $0x1;
	s10 =	sld [smem:$0x3FB3]  }
0x3d: {  	_ =	shalt  }
0x3e: {  	_ =	shalt  }
0x3f: {  	_ =	shalt  }
0x40: {  	_ =	shalt  }
0x41: {  	_ =	shalt  }
0x42: {  	_ =	shalt  }
0x43: {  	_ =	shalt  }
0x44: {  	_ =	shalt  }
0x45: {  	_ =	shalt  }
0x46: {  	_ =	shalt  }
0x47: {  	_ =	shalt  }
0x48: {  	_ =	shalt  }
0x49: {  	_ =	shalt  }
0x4a: {  	_ =	shalt  }
0x4b: {  	_ =	shalt  }
0x4c: {  	_ =	shalt  }
0x4d: {  	_ =	shalt  }
0x4e: {  	_ =	shalt  }
0x4f: {  	_ =	shalt  }
0x50: {  	_ =	shalt  }
0x51: {  	_ =	shalt  }
0x52: {  	_ =	shalt  }
0x53: {  	_ =	shalt  }
0x54: {  	_ =	shalt  }
0x55: {  	_ =	shalt  }
0x56: {  	_ =	shalt  }
0x57: {  	_ =	shalt  }
0x58: {  	_ =	shalt  }
0x59: {  	_ =	shalt  }
0x5a: {  	_ =	shalt  }
0x5b: {  	_ =	shalt  }
0x5c: {  	_ =	shalt  }
0x5d: {  	_ =	shalt  }
0x5e: {  	_ =	shalt  }
0x5f: {  	_ =	shalt  }
0x60: {  	_ =	shalt  }
0x61: {  	_ =	shalt  }
0x62: {  	_ =	shalt  }
0x63: {  	_ =	shalt  }
0x64: {  	_ =	shalt  }
0x65: {  	_ =	shalt  }
0x66: {  	_ =	shalt  }
0x67: {  	_ =	shalt  }
0x68: {  	_ =	shalt  }
0x69: {  	_ =	shalt  }
0x6a: {  	_ =	shalt  }
0x6b: {  	_ =	shalt  }
0x6c: {  	_ =	shalt  }
0x6d: {  	_ =	shalt  }
0x6e: {  	_ =	shalt  }
0x6f: {  	_ =	shalt  }
0x70: {  	_ =	shalt  }
0x71: {  	_ =	shalt  }
0x72: {  	_ =	shalt  }
0x73: {  	_ =	shalt  }
0x74: {  	_ =	shalt  }
0x75: {  	_ =	shalt  }
0x76: {  	_ =	shalt  }
0x77: {  	_ =	shalt  }
0x78: {  	_ =	shalt  }
0x79: {  	_ =	shalt  }
0x7a: {  	_ =	shalt  }
0x7b: {  	_ =	shalt  }
0x7c: {  	_ =	shalt  }
0x7d: {  	_ =	shalt  }
0x7e: {  	_ =	shalt  }
0x7f: {  	_ =	shalt  }
0x80: {  	_ =	shalt  }
0x81: {  	_ =	shalt  }
0x82: {  	_ =	shalt  }
0x83: {  	_ =	shalt  }
0x84: {  	_ =	shalt  }
0x85: {  	_ =	shalt  }
0x86: {  	_ =	shalt  }
0x87: {  	_ =	shalt  }
.Lfunc_end0:
.L_simem_size_0:
called_computation.5_lowered:
.L_overlay_start_0:
0x88: {  	s2 =	sld [smem:$0x3FD9]  }
0x89: {  	s3 =	sld [smem:$0x3FFE];
	_ =	sdelay $0x1  }
0x8a: {  	s1 =	srdreg.scid  }
0x8b: {  	s0 =	sand.u32 $0x1, s1  }
0x8c: {  	s17 =	sshll.u32 s0, $0xA;
	s2 =	sadd.s32 s3, s2  }
0x8d: {  	s2 =	sadd.s32 s2, s17  }
0x8e: {  	[smem:$0x3FBF] =	sst s2  }
0x8f: {  	_ = 	snop  }
0x90: {  	s18 =	sld [smem:$0x3FD0];
	(tm) =	ssettm $0x1  }
0x91: {  	s19 =	sld [smem:$0x3FFB];
	_ =	sdelay $0x3  }
0x92: {  	_ =	strace s19  }
0x93: {  	s2 =	sld [smem:$0x3FFC];
	_ =	sdelay $0x3  }
0x94: {  	_ =	strace s2  }
0x95: {  	s2 =	sld [smem:$0x3FFD];
	_ =	sdelay $0x3  }
0x96: {  	_ =	strace s2  }
0x97: {  	_ =	strace $0x8FFFFFFF  }
0x98: {  	s20 =	sld [smem:$0x3FDB];
	_ =	sdelay $0x1  }
0x99: {  	s4 =	simm.s32 $_scs_section_size  }
0x9a: {  	s5 =	simm.s32 $_size__tile_overlayer_lowered;
	s6 =	simm.s32 $_tile_overlayer_lowered  }
0x9b: {  	s7 =	simm.s32 $0x1BFF;
	s21 =	sshll.u32 s6, $0x1;
	s4 =	sadd.s32 s4, s20  }
0x9c: {  	s22 =	simm.s32 $0x0;
	s5 =	sshll.u32 s5, $0x1;
	s6 =	sadd.s32 s21, s4  }
0x9d: {  	[timem:s22], [sflag:s7] =	dma.local [hbm:s6], s5  }
0x9e: {  	_ =	swait.ge [sflag:s7], s5  }
0x9f: {  	s5 =	ssub.s32 $0x0, s5;
	[sflag:s7] =	ssyncset.done $0x0  }
0xa0: {  	[sflag:s7] =	ssyncadd.s32 s5;
	_ =	sdelay $0x1  }
0xa1: {  	s23 =	simm.s32 $0x1B8B  }
0xa2: {  	_ =	swait.ge [sflag:s23], $0x1  }
0xa3: {  	[sflag:s23] =	ssyncset.done $0x0  }
0xa4: {  	[sflag:s23] =	ssyncadd.s32 $0xFFFFFFFF  }
0xa5: {  	s5 =	sld [smem:$0x0]  }
0xa6: {  	s6 =	sand.u32 $0xFFFFFFFE, s1  }
0xa7: {  	p0 =	sne.s32 s1, s6  }
0xa8: {  	s6 =	sshll.u32 @p0 s6, $0xE  }
0xa9: {  	s6 =	sadd.s32 @p0 $0x11B8D, s6;
	s7 =	sshll.u32 @p0 s5, $0x11  }
0xaa: {  	s6 =	sor.u32 @p0 s7, s6  }
0xab: {  	[sflag:s6] =	ssyncadd.remote.s32 @p0 $0x1;
	_ =	sdelay $0x1  }
0xac: {  	s6 =	simm.s32 @p0 $0x1B8D  }
0xad: {  	_ =	swait.eq @p0 [sflag:s6], $0x1  }
0xae: {  	[sflag:s6] =	ssyncadd.s32 @p0 $0xFFFFFFFF  }
0xaf: {  	s7 =	sshll.u32 @!p0 s1, $0xE  }
0xb0: {  	s7 =	sor.u32 @!p0 $0x4000, s7;
	s6 =	simm.s32 @!p0 $0x1B8D  }
0xb1: {  	s5 =	sshll.u32 @!p0 s5, $0x11;
	s7 =	sadd.s32 @!p0 $0x11B8D, s7;
	_ =	swait.eq @!p0 [sflag:s6], $0x1  }
0xb2: {  	s5 =	sor.u32 @!p0 s5, s7;
	[sflag:s6] =	ssyncadd.s32 @!p0 $0xFFFFFFFF  }
0xb3: {  	s25 =	simm.s32 $0x1B8E;
	s24 =	sld [smem:$0x3FFE];
	[sflag:s5] =	ssyncadd.remote.s32 @!p0 $0x1  }
0xb4: {  	s26 =	simm.s32 $execute0_lowered;
	[smem:$0x3FD2] =	sst s25  }
0xb5: {  	s6 =	sshll.u32 s26, $0x1;
	_ =	strace $0x80000052;
	[dreg:$0x1] =	wrdreg $0xFFFFFFFF  }
0xb6: {  	s28 =	simm.s32 $_size_execute0_lowered;
	s4 =	sadd.s32 s4, s6;
	[dreg:$0x0] =	wrdreg $0x0  }
0xb7: {  	s6 =	sshll.u32 s28, $0x1;
	[dreg:$0x2] =	wrdreg s4  }
0xb8: {  	[dreg:$0x3] =	wrdreg s6  }
0xb9: {  	[dreg:$0x4] =	wrdreg $0xC0  }
0xba: {  	_ =	task [dreg:s22], $0x5FFFF  }
0xbb: {  	[dreg:$0x1] =	wrdreg $0xFFFFFFFF  }
0xbc: {  	[dreg:$0x0] =	wrdreg $0x60  }
0xbd: {  	[dreg:$0x2] =	wrdreg s18  }
0xbe: {  	[dreg:$0x3] =	wrdreg s24  }
0xbf: {  	[dreg:$0x4] =	wrdreg $0xE  }
0xc0: {  	_ =	task.clear_ibuf [dreg:s22], $0x5FFFF;
	_ =	strace $0x90000052  }
0xc1: {  	s29 =	simm.s32 $0xE;
	_ =	strace $0x80000054  }
0xc2: {  	_ =	swait.ge [sflag:s29], $0x1  }
0xc3: {  	[sflag:s29] =	ssyncadd.s32 $0xFFFFFFFF  }
0xc4: {  	_ =	strace $0x90000054  }
0xc5: {  	_ =	sfence  }
0xc6: {  	s30 =	sld [smem:$0x0];
	_ =	sdelay $0x2  }
0xc7: {  	s31 =	sshll.u32 s1, $0xD;
	s1 =	sshrl.u32 s1, $0x2  }
0xc8: {  	s4 =	sand.u32 $0x4000, s31;
	s1 =	sadd.s32 s1, s30  }
0xc9: {  	s0 =	sor.u32 s4, s0;
	s1 =	sshll.u32 s1, $0x11  }
0xca: {  	s0 =	sor.u32 s1, s0  }
0xcb: {  	s0 =	sadd.s32 $0x8F2B, s0  }
0xcc: {  	[sflag:s0] =	ssyncadd.remote.s32 $0x1  }
0xcd: {  	_ =	sfence.sel $0xFFFF  }
0xce: {  	[dreg:$0x0] =	wrdreg $0xFFFFFFFF;
	(pc) =	sbr.abs _section_cstart, $3  }
0xcf: {  	[dreg:$0x1] =	wrdreg $0xFFFFFFFF  }
0xd0: {  	_ =	task.clear_ibuf [dreg:s22], $0x2FFFF;
	_ =	strace $0x9FFFFFFF  }
0xd1: {  	(tm) =	ssettm $0x7FFFFFFF  }
tec
execute0_lowered:
.L_overlay_start_1:
0x0: {  	(tag) =	ssettag $0x1  }
0x1: {  	s1 =	rddreg [dreg:$0x0]  }
0x2: {  	s5 =	rddreg [dreg:$0x1]  }
0x3: {  	s0 =	rddreg [dreg:$0x2]  }
0x4: {  	s4 =	srdreg.scid;
	s3 =	simm.s32 $0x0;
	s2 =	stileid.u32  }
0x5: {  	s12 =	simm.s32 $0x1;
	s13 =	simm.s32 $0x2;
	s14 =	simm.s32 $0x0  }
0x6: {  	s6 =	sand.u32 $0x1, s4;
	[smem:$0x7FF] =	sst s3;
	s28 =	sshll.u32 s2, $0xC  }
0x7: {  	s4 =	sadd.s32 $0x9C00, s5;
	s8 =	sshll.u32 s2, $0xF;
	s30 =	sshll.u32 s2, $0xD  }
0x8: {  	s7 =	sshll.u32 s6, $0xB;
	_ =	strace $0x80000053;
	s29 =	sadd.s32 s8, s5  }
0x9: {  	s31 =	ssub.s32 $0x2, s6;
	s10 =	sshll.u32 s6, $0xC;
	s7 =	sor.u32 s7, s28  }
0xa: {  	s6 =	sshll.u32 s6, $0xE;
	s11 =	sshrl.u32 s31, $0x1;
	s7 =	sshrl.u32 s7, $0x3  }
0xb: {  	s8 =	ssub.s32 s31, s11;
	s11 =	simm.s32 $0x2080;
	s9 =	sadd.s32 s7, s5  }
0xc: {  	s5 =	sadd.s32 s30, s5;
	s7 =	sadd.s32 s6, s29;
	s6 =	smax.u32 s8, $0x1  }
0xd: {  	s5 =	sadd.s32 s10, s5;
	s7 =	sadd.s32 $0x29FC00, s7;
	s8 =	sadd.s32 $0x19C00, s9  }
0xe: {  	s9 =	simm.s32 $0x3;
	s10 =	simm.s32 $0x80;
	s5 =	sadd.s32 $0x31FC00, s5  }
.LBB2_1:
0xf: {  	s15 =	sadd.s32 $0x0, s8  }
0x10: {  	[tilespmem:s3], [sflag:$0x3] =	stream.linear.gather [hbm4b:s15+s3], $0x80, $0x38;
	[tilespmem:$0x2880] =	vst v63  }
0x11: {  	_ =	swait.ge [sflag:s9], $0x80  }
0x12: {  	[sflag:s9] =	ssyncset.done $0x0  }
0x13: {  	[sflag:s9] =	ssyncadd.s32 $0xFFFFFF80  }
0x14: {  	[tilespmem:s10], [sflag:$0x1] =	stream.indirect.gather [hbm4b:s1+s10], $0x40, s3, s10, $0xb8;
	[tilespmem:$0x2880] =	vst v63  }
0x15: {  	_ = 	snop  }
0x16: {  	[tilespmem:s11], [sflag:$0x2] =	stream.indirect.gather [hbm4b:s4+s10], $0x10, s3, s10, $0xb8;
	[tilespmem:$0x2880] =	vst v63  }
0x17: {  	_ =	swait.ge [sflag:s12], $0x2000  }
0x18: {  	[sflag:s12] =	ssyncset.done $0x0  }
0x19: {  	[sflag:s12] =	ssyncadd.s32 $0xFFFFE000  }
0x1a: {  	_ =	swait.ge [sflag:s13], $0x800  }
0x1b: {  	[sflag:s13] =	ssyncset.done $0x0  }
0x1c: {  	[sflag:s13] =	ssyncadd.s32 $0xFFFFF800  }
0x1d: {  	[hbm4b:s7+s3] =	stream.linear.scatter [tilespmem:s10], [sflag:$0x3], $0x2000, $0x38;
	[tilespmem:$0x2880] =	vst v63  }
0x1e: {  	_ =	swait.ge [sflag:s9], $0x2000  }
0x1f: {  	[sflag:s9] =	ssyncset.done $0x0  }
0x20: {  	[sflag:s9] =	ssyncadd.s32 $0xFFFFE000  }
0x21: {  	[hbm4b:s5+s3] =	stream.linear.scatter [tilespmem:s11], [sflag:$0x3], $0x800, $0x38;
	[tilespmem:$0x2880] =	vst v63  }
0x22: {  	s17 =	simm.s32 $0x10;
	s18 =	simm.s32 $0x20;
	_ =	swait.ge [sflag:s9], $0x800  }
0x23: {  	s16 =	sadd.s32 $0x400, s7;
	s15 =	sadd.s32 $0x100, s5;
	[sflag:s9] =	ssyncset.done $0x0  }
.LBB2_2:
0x24: {  	s19 =	sadd.s32 s17, s8  }
0x25: {  	[sflag:s9] =	ssyncadd.s32 $0xFFFFF800;
	s17 =	smov.u32 s18;
	s20 =	sadd.s32 $0x10, s18  }
0x26: {  	[tilespmem:s3], [sflag:$0x3] =	stream.linear.gather [hbm4b:s19+s3], $0x80, $0x38;
	[tilespmem:$0x2880] =	vst v63  }
0x27: {  	p0 =	sne.s32 s18, $0xF0;
	_ =	swait.ge [sflag:s9], $0x80  }
0x28: {  	[sflag:s9] =	ssyncset.done $0x0  }
0x29: {  	[sflag:s9] =	ssyncadd.s32 $0xFFFFFF80  }
0x2a: {  	[tilespmem:s10], [sflag:$0x1] =	stream.indirect.gather [hbm4b:s1+s10], $0x40, s3, s10, $0xb8;
	[tilespmem:$0x2880] =	vst v63  }
0x2b: {  	_ = 	snop  }
0x2c: {  	[tilespmem:s11], [sflag:$0x2] =	stream.indirect.gather [hbm4b:s4+s10], $0x10, s3, s10, $0xb8;
	[tilespmem:$0x2880] =	vst v63  }
0x2d: {  	_ =	swait.ge [sflag:s12], $0x2000  }
0x2e: {  	[sflag:s12] =	ssyncset.done $0x0  }
0x2f: {  	[sflag:s12] =	ssyncadd.s32 $0xFFFFE000  }
0x30: {  	_ =	swait.ge [sflag:s13], $0x800  }
0x31: {  	[sflag:s13] =	ssyncset.done $0x0  }
0x32: {  	[sflag:s13] =	ssyncadd.s32 $0xFFFFF800  }
0x33: {  	[hbm4b:s16+s3] =	stream.linear.scatter [tilespmem:s10], [sflag:$0x3], $0x2000, $0x38;
	[tilespmem:$0x2880] =	vst v63  }
0x34: {  	_ =	swait.ge [sflag:s9], $0x2000  }
.Ltmp0:
0x35: {  	[sflag:s9] =	ssyncset.done $0x0;
	(pc) =	sbr.rel @p0 .LBB2_2-.Ltmp0, $4  }
0x36: {  	[sflag:s9] =	ssyncadd.s32 $0xFFFFE000  }
0x37: {  	[hbm4b:s15+s3] =	stream.linear.scatter [tilespmem:s11], [sflag:$0x3], $0x800, $0x38;
	[tilespmem:$0x2880] =	vst v63  }
0x38: {  	s18 =	smov.u32 s20;
	_ =	swait.ge [sflag:s9], $0x800  }
0x39: {  	s16 =	sadd.s32 $0x400, s16;
	s15 =	sadd.s32 $0x100, s15;
	[sflag:s9] =	ssyncset.done $0x0  }
0x3a: {  	s17 =	sadd.s32 s17, s8;
	[sflag:s9] =	ssyncadd.s32 $0xFFFFF800  }
0x3b: {  	[tilespmem:s3], [sflag:$0x3] =	stream.linear.gather [hbm4b:s17+s3], $0x80, $0x38;
	[tilespmem:$0x2880] =	vst v63  }
0x3c: {  	_ =	swait.ge [sflag:s9], $0x80  }
0x3d: {  	[sflag:s9] =	ssyncset.done $0x0  }
0x3e: {  	[sflag:s9] =	ssyncadd.s32 $0xFFFFFF80  }
0x3f: {  	[tilespmem:s10], [sflag:$0x1] =	stream.indirect.gather [hbm4b:s1+s10], $0x40, s3, s10, $0xb8;
	[tilespmem:$0x2880] =	vst v63  }
0x40: {  	_ = 	snop  }
0x41: {  	[tilespmem:s11], [sflag:$0x2] =	stream.indirect.gather [hbm4b:s4+s10], $0x10, s3, s10, $0xb8;
	[tilespmem:$0x2880] =	vst v63  }
0x42: {  	_ =	swait.ge [sflag:s12], $0x2000  }
0x43: {  	[sflag:s12] =	ssyncset.done $0x0  }
0x44: {  	[sflag:s12] =	ssyncadd.s32 $0xFFFFE000  }
0x45: {  	_ =	swait.ge [sflag:s13], $0x800  }
0x46: {  	[sflag:s13] =	ssyncset.done $0x0  }
0x47: {  	[sflag:s13] =	ssyncadd.s32 $0xFFFFF800  }
0x48: {  	[hbm4b:s16+s3] =	stream.linear.scatter [tilespmem:s10], [sflag:$0x3], $0x2000, $0x38;
	[tilespmem:$0x2880] =	vst v63  }
0x49: {  	s14 =	sadd.s32 $0x1, s14;
	_ =	swait.ge [sflag:s9], $0x2000  }
0x4a: {  	p0 =	sne.s32 s14, s6;
	[sflag:s9] =	ssyncset.done $0x0  }
.Ltmp1:
0x4b: {  	[sflag:s9] =	ssyncadd.s32 $0xFFFFE000;
	(pc) =	sbr.rel @p0 .LBB2_1-.Ltmp1, $4  }
0x4c: {  	[hbm4b:s15+s3] =	stream.linear.scatter [tilespmem:s11], [sflag:$0x3], $0x800, $0x38;
	[tilespmem:$0x2880] =	vst v63  }
0x4d: {  	_ =	swait.ge [sflag:s9], $0x800  }
0x4e: {  	[sflag:s9] =	ssyncset.done $0x0  }
0x4f: {  	[sflag:s9] =	ssyncadd.s32 $0xFFFFF800  }
0x50: {  	_ =	sfence.sel $0x180000  }
0x51: {  	[bflag:$0x0] =	sbarrier.arrive $0xFFFF  }
0x52: {  	p0 =	sne.s32 s2, $0x0;
	_ =	strace $0x90000053  }
0x53: {  	s0 =	sadd.s32 @!p0 $0x100000, s0;
	[bflag:$0x2] =	sbarrier.arrive $0xFFFF  }
0x54: {  	[sflag:s0] =	ssyncadd.tile.s32 @!p0 $0x1;
	_ =	shalt  }
.Lfunc_end2:
_tile_overlayer_lowered:
.L_overlay_start_2:
0x55: {  	(tag) =	ssettag $0x2  }
0x56: {  	s0 =	rddreg [dreg:$0x0];
	s2 =	stileid.u32  }
0x57: {  	s1 =	rddreg [dreg:$0x1];
	p0 =	sne.s32 s2, $0x0  }
0x58: {  	s3 =	rddreg [dreg:$0x2];
	[bflag:$0x3] =	sbarrier.arrive $0xFFFF;
	s2 =	simm.s32 @!p0 $0x1C03  }
0x59: {  	[timem:s3], [sflag:s2] =	dma.local @!p0 [hbm:s0], s1  }
0x5a: {  	s0 =	simm.s32 @!p0 $0x3  }
0x5b: {  	_ =	swait.ge @!p0 [sflag:s0], s1  }
0x5c: {  	s1 =	ssub.s32 @!p0 $0x0, s1;
	[sflag:s0] =	ssyncset.done @!p0 $0x0  }
0x5d: {  	[sflag:s0] =	ssyncadd.s32 @!p0 s1  }
0x5e: {  	[bflag:$0x3] =	sbarrier.arrive $0xFFFF  }
0x5f: {  	_ =	shalt  }

// kernel: kernel.44.cloned.1.call-start
scs
__scs_entry_jumppad:
0x0: {  	(pc) =	sbr.rel $0x88, $3  }
0x1: {  	(tag) =	ssettag $0x0;
	lr =	simm.s32 $0x1  }
0x2: {  	[smem:$0x3F98] =	sst lr;
	_ =	strace $0xD0000000  }
0x3: {  	_ = 	snop  }
0x4: {  	_ = 	snop  }
0x5: {  	_ = 	snop  }
0x6: {  	_ = 	snop  }
0x7: {  	_ = 	snop  }
__scs_overlays_trampoline_lowered:
0x8: {  	[smem:$0x3FA7] =	sst s0  }
0x9: {  	[smem:$0x3FA8] =	sst s1  }
0xa: {  	[smem:$0x3FA9] =	sst s2  }
0xb: {  	[smem:$0x3FAA] =	sst s3  }
0xc: {  	[smem:$0x3FAB] =	sst s4  }
0xd: {  	[smem:$0x3FAC] =	sst s5  }
0xe: {  	[smem:$0x3FAD] =	sst s6  }
0xf: {  	[smem:$0x3FAE] =	sst s7  }
0x10: {  	[smem:$0x3FAF] =	sst s8  }
0x11: {  	[smem:$0x3FB0] =	sst s9;
	s0 =	simm.s32 @!p0 $0x0  }
0x12: {  	s1 =	sld [smem:$0x3F96];
	s0 =	simm.s32 @p0 $0x1  }
0x13: {  	[smem:$0x3FB1] =	sst s0;
	s0 =	simm.s32 @!p1 $0x0  }
0x14: {  	s2 =	sld [smem:$0x3F95];
	s0 =	simm.s32 @p1 $0x1  }
0x15: {  	[smem:$0x3FB2] =	sst s0;
	s0 =	simm.s32 @!p2 $0x0  }
0x16: {  	s3 =	sld [smem:$0x3FDB];
	s0 =	simm.s32 @p2 $0x1  }
0x17: {  	s4 =	simm.s32 $0x1BF5;
	[smem:$0x3FB4] =	sst s0  }
0x18: {  	s0 =	sld [smem:$0x3F97];
	_ =	swait.ge [sflag:s4], $0x0  }
0x19: {  	s7 =	sld [smem:$0x3F98]  }
0x1a: {  	s8 =	sadd.s32 $0xFFFFE003, lr  }
0x1b: {  	s9 =	sadd.s32 $0xFFFFFEF7, lr;
	s5 =	simm.s32 $0xFFFFFFFF;
	p2 =	slt.u32 s8, $0xFFFFF086  }
0x1c: {  	p1 =	slt.u32 s9, $0xF7A;
	s5 =	simm.s32 @!p2 $0x0  }
0x1d: {  	s5 =	simm.s32 @p1 $0x1;
	p0 =	seq.s32 s7, s2  }
0x1e: {  	s7 =	smul.u32 @!p0 $0xF7A, s2;
	p2 =	seq.s32 @!p0 s5, $0x0  }
0x1f: {  	s9 =	smul.u32 $0xF7A, s1;
	s8 =	simm.s32 @!p0 $0x1BF5;
	p2 =	por !p2, p0  }
0x20: {  	[sflag:s8] =	ssyncset.s32 @!p0 $0xFFFFF086;
	s6 =	sadd.s32 @!p0 s3, s7;
	s7 =	simm.s32 @!p0 $0x108  }
0x21: {  	s3 =	sadd.s32 s3, s9;
	s6 =	sadd.s32 @!p0 $0x88, s6;
	s7 =	simm.s32 @p2 $0x1082  }
0x22: {  	[simem:s7], [sflag:s8] =	dma.local @!p0 [hbm:s6], $0xF7A  }
0x23: {  	s9 =	sor.u32 $0xD0000000, s2;
	s6 =	simm.s32 $0x108;
	_ =	swait.ge @!p0 [sflag:s8], $0x0  }
0x24: {  	s3 =	sadd.s32 $0x88, s3;
	s6 =	simm.s32 @!p1 $0x1082;
	[sflag:s4] =	ssyncset.s32 $0xFFFFF086  }
0x25: {  	[simem:s6], [sflag:s4] =	dma.local [hbm:s3], $0xF7A  }
0x26: {  	[smem:$0x3F98] =	sst s1;
	(tag) =	ssettag s2;
	_ =	strace s9  }
0x27: {  	s1 =	sld [smem:$0x3FA8]  }
0x28: {  	s2 =	sld [smem:$0x3FA9]  }
0x29: {  	s4 =	sld [smem:$0x3FAB]  }
0x2a: {  	p0 =	seq.s32 s5, $0x0;
	s5 =	sld [smem:$0x3FAC]  }
0x2b: {  	s6 =	sld [smem:$0x3FAD]  }
0x2c: {  	s7 =	sld [smem:$0x3FAE]  }
0x2d: {  	s3 =	simm.s32 $0x108;
	s8 =	sld [smem:$0x3FAF]  }
0x2e: {  	s3 =	simm.s32 @!p0 $0x1082;
	s9 =	sld [smem:$0x3FB0]  }
0x2f: {  	lr =	sadd.s32 s0, s3;
	s0 =	sld [smem:$0x3FA7]  }
0x30: {  	s3 =	sld [smem:$0x3FAA]  }
0x31: {  	[smem:$0x3FB3] =	sst s10  }
0x32: {  	s10 =	sld [smem:$0x3FB1];
	_ =	sdelay $0x3  }
0x33: {  	p0 =	seq.s32 s10, $0x1;
	s10 =	sld [smem:$0x3FB3];
	_ =	sdelay $0x3  }
0x34: {  	[smem:$0x3FB3] =	sst s10  }
0x35: {  	s10 =	sld [smem:$0x3FB2];
	_ =	sdelay $0x3  }
0x36: {  	p1 =	seq.s32 s10, $0x1;
	s10 =	sld [smem:$0x3FB3];
	_ =	sdelay $0x3  }
0x37: {  	[smem:$0x3FB3] =	sst s10  }
0x38: {  	s10 =	sld [smem:$0x3FB4]  }
0x39: {  	_ = 	snop;
	(pc) =	sbr.ind lr, $3  }
0x3a: {  	_ = 	snop  }
0x3b: {  	_ = 	snop  }
0x3c: {  	p2 =	seq.s32 s10, $0x1;
	s10 =	sld [smem:$0x3FB3]  }
0x3d: {  	_ =	shalt  }
0x3e: {  	_ =	shalt  }
0x3f: {  	_ =	shalt  }
0x40: {  	_ =	shalt  }
0x41: {  	_ =	shalt  }
0x42: {  	_ =	shalt  }
0x43: {  	_ =	shalt  }
0x44: {  	_ =	shalt  }
0x45: {  	_ =	shalt  }
0x46: {  	_ =	shalt  }
0x47: {  	_ =	shalt  }
0x48: {  	_ =	shalt  }
0x49: {  	_ =	shalt  }
0x4a: {  	_ =	shalt  }
0x4b: {  	_ =	shalt  }
0x4c: {  	_ =	shalt  }
0x4d: {  	_ =	shalt  }
0x4e: {  	_ =	shalt  }
0x4f: {  	_ =	shalt  }
0x50: {  	_ =	shalt  }
0x51: {  	_ =	shalt  }
0x52: {  	_ =	shalt  }
0x53: {  	_ =	shalt  }
0x54: {  	_ =	shalt  }
0x55: {  	_ =	shalt  }
0x56: {  	_ =	shalt  }
0x57: {  	_ =	shalt  }
0x58: {  	_ =	shalt  }
0x59: {  	_ =	shalt  }
0x5a: {  	_ =	shalt  }
0x5b: {  	_ =	shalt  }
0x5c: {  	_ =	shalt  }
0x5d: {  	_ =	shalt  }
0x5e: {  	_ =	shalt  }
0x5f: {  	_ =	shalt  }
0x60: {  	_ =	shalt  }
0x61: {  	_ =	shalt  }
0x62: {  	_ =	shalt  }
0x63: {  	_ =	shalt  }
0x64: {  	_ =	shalt  }
0x65: {  	_ =	shalt  }
0x66: {  	_ =	shalt  }
0x67: {  	_ =	shalt  }
0x68: {  	_ =	shalt  }
0x69: {  	_ =	shalt  }
0x6a: {  	_ =	shalt  }
0x6b: {  	_ =	shalt  }
0x6c: {  	_ =	shalt  }
0x6d: {  	_ =	shalt  }
0x6e: {  	_ =	shalt  }
0x6f: {  	_ =	shalt  }
0x70: {  	_ =	shalt  }
0x71: {  	_ =	shalt  }
0x72: {  	_ =	shalt  }
0x73: {  	_ =	shalt  }
0x74: {  	_ =	shalt  }
0x75: {  	_ =	shalt  }
0x76: {  	_ =	shalt  }
0x77: {  	_ =	shalt  }
0x78: {  	_ =	shalt  }
0x79: {  	_ =	shalt  }
0x7a: {  	_ =	shalt  }
0x7b: {  	_ =	shalt  }
0x7c: {  	_ =	shalt  }
0x7d: {  	_ =	shalt  }
0x7e: {  	_ =	shalt  }
0x7f: {  	_ =	shalt  }
0x80: {  	_ =	shalt  }
0x81: {  	_ =	shalt  }
0x82: {  	_ =	shalt  }
0x83: {  	_ =	shalt  }
0x84: {  	_ =	shalt  }
0x85: {  	_ =	shalt  }
0x86: {  	_ =	shalt  }
0x87: {  	_ =	shalt  }
.Lfunc_end0:
.L_simem_size_0:
called_computation.6_lowered:
.L_overlay_start_0:
0x88: {  	s2 =	sld [smem:$0x3FD9]  }
0x89: {  	s3 =	sld [smem:$0x3FFE];
	_ =	sdelay $0x1  }
0x8a: {  	s1 =	srdreg.scid  }
0x8b: {  	s0 =	sand.u32 $0x1, s1  }
0x8c: {  	s17 =	sshll.u32 s0, $0xA;
	s2 =	sadd.s32 s3, s2  }
0x8d: {  	s2 =	sadd.s32 s2, s17  }
0x8e: {  	[smem:$0x3FBF] =	sst s2  }
0x8f: {  	_ = 	snop  }
0x90: {  	s18 =	sld [smem:$0x3FD0];
	(tm) =	ssettm $0x1  }
0x91: {  	s19 =	sld [smem:$0x3FFB];
	_ =	sdelay $0x3  }
0x92: {  	_ =	strace s19  }
0x93: {  	s2 =	sld [smem:$0x3FFC];
	_ =	sdelay $0x3  }
0x94: {  	_ =	strace s2  }
0x95: {  	s2 =	sld [smem:$0x3FFD];
	_ =	sdelay $0x3  }
0x96: {  	_ =	strace s2  }
0x97: {  	_ =	strace $0x8FFFFFFF  }
0x98: {  	s20 =	sld [smem:$0x3FDB];
	_ =	sdelay $0x1  }
0x99: {  	s4 =	simm.s32 $_scs_section_size  }
0x9a: {  	s5 =	simm.s32 $_size__tile_overlayer_lowered;
	s6 =	simm.s32 $_tile_overlayer_lowered  }
0x9b: {  	s7 =	simm.s32 $0x1BFF;
	s21 =	sshll.u32 s6, $0x1;
	s4 =	sadd.s32 s4, s20  }
0x9c: {  	s22 =	simm.s32 $0x0;
	s5 =	sshll.u32 s5, $0x1;
	s6 =	sadd.s32 s21, s4  }
0x9d: {  	[timem:s22], [sflag:s7] =	dma.local [hbm:s6], s5  }
0x9e: {  	_ =	swait.ge [sflag:s7], s5  }
0x9f: {  	s5 =	ssub.s32 $0x0, s5;
	[sflag:s7] =	ssyncset.done $0x0  }
0xa0: {  	[sflag:s7] =	ssyncadd.s32 s5;
	_ =	sdelay $0x1  }
0xa1: {  	s23 =	simm.s32 $0x1B8B  }
0xa2: {  	_ =	swait.ge [sflag:s23], $0x1  }
0xa3: {  	[sflag:s23] =	ssyncset.done $0x0  }
0xa4: {  	[sflag:s23] =	ssyncadd.s32 $0xFFFFFFFF  }
0xa5: {  	s5 =	sld [smem:$0x0]  }
0xa6: {  	s6 =	sand.u32 $0xFFFFFFFE, s1  }
0xa7: {  	p0 =	sne.s32 s1, s6  }
0xa8: {  	s6 =	sshll.u32 @p0 s6, $0xE  }
0xa9: {  	s6 =	sadd.s32 @p0 $0x11B8D, s6;
	s7 =	sshll.u32 @p0 s5, $0x11  }
0xaa: {  	s6 =	sor.u32 @p0 s7, s6  }
0xab: {  	[sflag:s6] =	ssyncadd.remote.s32 @p0 $0x1;
	_ =	sdelay $0x1  }
0xac: {  	s6 =	simm.s32 @p0 $0x1B8D  }
0xad: {  	_ =	swait.eq @p0 [sflag:s6], $0x1  }
0xae: {  	[sflag:s6] =	ssyncadd.s32 @p0 $0xFFFFFFFF  }
0xaf: {  	s7 =	sshll.u32 @!p0 s1, $0xE  }
0xb0: {  	s7 =	sor.u32 @!p0 $0x4000, s7;
	s6 =	simm.s32 @!p0 $0x1B8D  }
0xb1: {  	s5 =	sshll.u32 @!p0 s5, $0x11;
	s7 =	sadd.s32 @!p0 $0x11B8D, s7;
	_ =	swait.eq @!p0 [sflag:s6], $0x1  }
0xb2: {  	s5 =	sor.u32 @!p0 s5, s7;
	[sflag:s6] =	ssyncadd.s32 @!p0 $0xFFFFFFFF  }
0xb3: {  	s25 =	simm.s32 $0x1B8E;
	s24 =	sld [smem:$0x3FFE];
	[sflag:s5] =	ssyncadd.remote.s32 @!p0 $0x1  }
0xb4: {  	s26 =	simm.s32 $execute0_lowered;
	[smem:$0x3FD2] =	sst s25  }
0xb5: {  	s6 =	sshll.u32 s26, $0x1;
	_ =	strace $0x80000055;
	[dreg:$0x1] =	wrdreg $0xFFFFFFFF  }
0xb6: {  	s28 =	simm.s32 $_size_execute0_lowered;
	s4 =	sadd.s32 s4, s6;
	[dreg:$0x0] =	wrdreg $0x0  }
0xb7: {  	s6 =	sshll.u32 s28, $0x1;
	[dreg:$0x2] =	wrdreg s4  }
0xb8: {  	[dreg:$0x3] =	wrdreg s6  }
0xb9: {  	[dreg:$0x4] =	wrdreg $0xC0  }
0xba: {  	_ =	task [dreg:s22], $0x5FFFF  }
0xbb: {  	[dreg:$0x1] =	wrdreg $0xFFFFFFFF  }
0xbc: {  	[dreg:$0x0] =	wrdreg $0x60  }
0xbd: {  	[dreg:$0x2] =	wrdreg s18  }
0xbe: {  	[dreg:$0x3] =	wrdreg s24  }
0xbf: {  	[dreg:$0x4] =	wrdreg $0xF  }
0xc0: {  	_ =	task.clear_ibuf [dreg:s22], $0x5FFFF;
	_ =	strace $0x90000055  }
0xc1: {  	s29 =	simm.s32 $0xF;
	_ =	strace $0x80000057  }
0xc2: {  	_ =	swait.ge [sflag:s29], $0x1  }
0xc3: {  	[sflag:s29] =	ssyncadd.s32 $0xFFFFFFFF  }
0xc4: {  	_ =	strace $0x90000057  }
0xc5: {  	_ =	sfence  }
0xc6: {  	s30 =	sld [smem:$0x0];
	_ =	sdelay $0x2  }
0xc7: {  	s31 =	sshll.u32 s1, $0xD;
	s1 =	sshrl.u32 s1, $0x2  }
0xc8: {  	s4 =	sand.u32 $0x4000, s31;
	s1 =	sadd.s32 s1, s30  }
0xc9: {  	s0 =	sor.u32 s4, s0;
	s1 =	sshll.u32 s1, $0x11  }
0xca: {  	s0 =	sor.u32 s1, s0  }
0xcb: {  	s0 =	sadd.s32 $0x8F2B, s0  }
0xcc: {  	[sflag:s0] =	ssyncadd.remote.s32 $0x1  }
0xcd: {  	_ =	sfence.sel $0xFFFF  }
0xce: {  	[dreg:$0x0] =	wrdreg $0xFFFFFFFF;
	(pc) =	sbr.abs _section_cstart, $3  }
0xcf: {  	[dreg:$0x1] =	wrdreg $0xFFFFFFFF  }
0xd0: {  	_ =	task.clear_ibuf [dreg:s22], $0x2FFFF;
	_ =	strace $0x9FFFFFFF  }
0xd1: {  	(tm) =	ssettm $0x7FFFFFFF  }
tec
execute0_lowered:
.L_overlay_start_1:
0x0: {  	(tag) =	ssettag $0x1  }
0x1: {  	s1 =	rddreg [dreg:$0x0]  }
0x2: {  	s5 =	rddreg [dreg:$0x1]  }
0x3: {  	s0 =	rddreg [dreg:$0x2]  }
0x4: {  	s4 =	srdreg.scid;
	s3 =	simm.s32 $0x0;
	s2 =	stileid.u32  }
0x5: {  	s12 =	simm.s32 $0x1;
	s13 =	simm.s32 $0x2;
	s14 =	simm.s32 $0x0  }
0x6: {  	s6 =	sand.u32 $0x1, s4;
	[smem:$0x7FF] =	sst s3;
	s28 =	sshll.u32 s2, $0xC  }
0x7: {  	s4 =	sadd.s32 $0x9C00, s5;
	s8 =	sshll.u32 s2, $0xF;
	s30 =	sshll.u32 s2, $0xD  }
0x8: {  	s7 =	sshll.u32 s6, $0xB;
	_ =	strace $0x80000056;
	s29 =	sadd.s32 s8, s5  }
0x9: {  	s31 =	ssub.s32 $0x2, s6;
	s10 =	sshll.u32 s6, $0xC;
	s7 =	sor.u32 s7, s28  }
0xa: {  	s6 =	sshll.u32 s6, $0xE;
	s11 =	sshrl.u32 s31, $0x1;
	s7 =	sshrl.u32 s7, $0x3  }
0xb: {  	s8 =	ssub.s32 s31, s11;
	s11 =	simm.s32 $0x2080;
	s9 =	sadd.s32 s7, s5  }
0xc: {  	s5 =	sadd.s32 s30, s5;
	s7 =	sadd.s32 s6, s29;
	s6 =	smax.u32 s8, $0x1  }
0xd: {  	s5 =	sadd.s32 s10, s5;
	s7 =	sadd.s32 $0x33FC00, s7;
	s8 =	sadd.s32 $0x1BC00, s9  }
0xe: {  	s9 =	simm.s32 $0x3;
	s10 =	simm.s32 $0x80;
	s5 =	sadd.s32 $0x3BFC00, s5  }
.LBB2_1:
0xf: {  	s15 =	sadd.s32 $0x0, s8  }
0x10: {  	[tilespmem:s3], [sflag:$0x3] =	stream.linear.gather [hbm4b:s15+s3], $0x80, $0x38;
	[tilespmem:$0x2880] =	vst v63  }
0x11: {  	_ =	swait.ge [sflag:s9], $0x80  }
0x12: {  	[sflag:s9] =	ssyncset.done $0x0  }
0x13: {  	[sflag:s9] =	ssyncadd.s32 $0xFFFFFF80  }
0x14: {  	[tilespmem:s10], [sflag:$0x1] =	stream.indirect.gather [hbm4b:s1+s10], $0x40, s3, s10, $0xb8;
	[tilespmem:$0x2880] =	vst v63  }
0x15: {  	_ = 	snop  }
0x16: {  	[tilespmem:s11], [sflag:$0x2] =	stream.indirect.gather [hbm4b:s4+s10], $0x10, s3, s10, $0xb8;
	[tilespmem:$0x2880] =	vst v63  }
0x17: {  	_ =	swait.ge [sflag:s12], $0x2000  }
0x18: {  	[sflag:s12] =	ssyncset.done $0x0  }
0x19: {  	[sflag:s12] =	ssyncadd.s32 $0xFFFFE000  }
0x1a: {  	_ =	swait.ge [sflag:s13], $0x800  }
0x1b: {  	[sflag:s13] =	ssyncset.done $0x0  }
0x1c: {  	[sflag:s13] =	ssyncadd.s32 $0xFFFFF800  }
0x1d: {  	[hbm4b:s7+s3] =	stream.linear.scatter [tilespmem:s10], [sflag:$0x3], $0x2000, $0x38;
	[tilespmem:$0x2880] =	vst v63  }
0x1e: {  	_ =	swait.ge [sflag:s9], $0x2000  }
0x1f: {  	[sflag:s9] =	ssyncset.done $0x0  }
0x20: {  	[sflag:s9] =	ssyncadd.s32 $0xFFFFE000  }
0x21: {  	[hbm4b:s5+s3] =	stream.linear.scatter [tilespmem:s11], [sflag:$0x3], $0x800, $0x38;
	[tilespmem:$0x2880] =	vst v63  }
0x22: {  	s17 =	simm.s32 $0x10;
	s18 =	simm.s32 $0x20;
	_ =	swait.ge [sflag:s9], $0x800  }
0x23: {  	s16 =	sadd.s32 $0x400, s7;
	s15 =	sadd.s32 $0x100, s5;
	[sflag:s9] =	ssyncset.done $0x0  }
.LBB2_2:
0x24: {  	s19 =	sadd.s32 s17, s8  }
0x25: {  	[sflag:s9] =	ssyncadd.s32 $0xFFFFF800;
	s17 =	smov.u32 s18;
	s20 =	sadd.s32 $0x10, s18  }
0x26: {  	[tilespmem:s3], [sflag:$0x3] =	stream.linear.gather [hbm4b:s19+s3], $0x80, $0x38;
	[tilespmem:$0x2880] =	vst v63  }
0x27: {  	p0 =	sne.s32 s18, $0xF0;
	_ =	swait.ge [sflag:s9], $0x80  }
0x28: {  	[sflag:s9] =	ssyncset.done $0x0  }
0x29: {  	[sflag:s9] =	ssyncadd.s32 $0xFFFFFF80  }
0x2a: {  	[tilespmem:s10], [sflag:$0x1] =	stream.indirect.gather [hbm4b:s1+s10], $0x40, s3, s10, $0xb8;
	[tilespmem:$0x2880] =	vst v63  }
0x2b: {  	_ = 	snop  }
0x2c: {  	[tilespmem:s11], [sflag:$0x2] =	stream.indirect.gather [hbm4b:s4+s10], $0x10, s3, s10, $0xb8;
	[tilespmem:$0x2880] =	vst v63  }
0x2d: {  	_ =	swait.ge [sflag:s12], $0x2000  }
0x2e: {  	[sflag:s12] =	ssyncset.done $0x0  }
0x2f: {  	[sflag:s12] =	ssyncadd.s32 $0xFFFFE000  }
0x30: {  	_ =	swait.ge [sflag:s13], $0x800  }
0x31: {  	[sflag:s13] =	ssyncset.done $0x0  }
0x32: {  	[sflag:s13] =	ssyncadd.s32 $0xFFFFF800  }
0x33: {  	[hbm4b:s16+s3] =	stream.linear.scatter [tilespmem:s10], [sflag:$0x3], $0x2000, $0x38;
	[tilespmem:$0x2880] =	vst v63  }
0x34: {  	_ =	swait.ge [sflag:s9], $0x2000  }
.Ltmp0:
0x35: {  	[sflag:s9] =	ssyncset.done $0x0;
	(pc) =	sbr.rel @p0 .LBB2_2-.Ltmp0, $4  }
0x36: {  	[sflag:s9] =	ssyncadd.s32 $0xFFFFE000  }
0x37: {  	[hbm4b:s15+s3] =	stream.linear.scatter [tilespmem:s11], [sflag:$0x3], $0x800, $0x38;
	[tilespmem:$0x2880] =	vst v63  }
0x38: {  	s18 =	smov.u32 s20;
	_ =	swait.ge [sflag:s9], $0x800  }
0x39: {  	s16 =	sadd.s32 $0x400, s16;
	s15 =	sadd.s32 $0x100, s15;
	[sflag:s9] =	ssyncset.done $0x0  }
0x3a: {  	s17 =	sadd.s32 s17, s8;
	[sflag:s9] =	ssyncadd.s32 $0xFFFFF800  }
0x3b: {  	[tilespmem:s3], [sflag:$0x3] =	stream.linear.gather [hbm4b:s17+s3], $0x80, $0x38;
	[tilespmem:$0x2880] =	vst v63  }
0x3c: {  	_ =	swait.ge [sflag:s9], $0x80  }
0x3d: {  	[sflag:s9] =	ssyncset.done $0x0  }
0x3e: {  	[sflag:s9] =	ssyncadd.s32 $0xFFFFFF80  }
0x3f: {  	[tilespmem:s10], [sflag:$0x1] =	stream.indirect.gather [hbm4b:s1+s10], $0x40, s3, s10, $0xb8;
	[tilespmem:$0x2880] =	vst v63  }
0x40: {  	_ = 	snop  }
0x41: {  	[tilespmem:s11], [sflag:$0x2] =	stream.indirect.gather [hbm4b:s4+s10], $0x10, s3, s10, $0xb8;
	[tilespmem:$0x2880] =	vst v63  }
0x42: {  	_ =	swait.ge [sflag:s12], $0x2000  }
0x43: {  	[sflag:s12] =	ssyncset.done $0x0  }
0x44: {  	[sflag:s12] =	ssyncadd.s32 $0xFFFFE000  }
0x45: {  	_ =	swait.ge [sflag:s13], $0x800  }
0x46: {  	[sflag:s13] =	ssyncset.done $0x0  }
0x47: {  	[sflag:s13] =	ssyncadd.s32 $0xFFFFF800  }
0x48: {  	[hbm4b:s16+s3] =	stream.linear.scatter [tilespmem:s10], [sflag:$0x3], $0x2000, $0x38;
	[tilespmem:$0x2880] =	vst v63  }
0x49: {  	s14 =	sadd.s32 $0x1, s14;
	_ =	swait.ge [sflag:s9], $0x2000  }
0x4a: {  	p0 =	sne.s32 s14, s6;
	[sflag:s9] =	ssyncset.done $0x0  }
.Ltmp1:
0x4b: {  	[sflag:s9] =	ssyncadd.s32 $0xFFFFE000;
	(pc) =	sbr.rel @p0 .LBB2_1-.Ltmp1, $4  }
0x4c: {  	[hbm4b:s15+s3] =	stream.linear.scatter [tilespmem:s11], [sflag:$0x3], $0x800, $0x38;
	[tilespmem:$0x2880] =	vst v63  }
0x4d: {  	_ =	swait.ge [sflag:s9], $0x800  }
0x4e: {  	[sflag:s9] =	ssyncset.done $0x0  }
0x4f: {  	[sflag:s9] =	ssyncadd.s32 $0xFFFFF800  }
0x50: {  	_ =	sfence.sel $0x180000  }
0x51: {  	[bflag:$0x0] =	sbarrier.arrive $0xFFFF  }
0x52: {  	p0 =	sne.s32 s2, $0x0;
	_ =	strace $0x90000056  }
0x53: {  	s0 =	sadd.s32 @!p0 $0x100000, s0;
	[bflag:$0x2] =	sbarrier.arrive $0xFFFF  }
0x54: {  	[sflag:s0] =	ssyncadd.tile.s32 @!p0 $0x1;
	_ =	shalt  }
.Lfunc_end2:
_tile_overlayer_lowered:
.L_overlay_start_2:
0x55: {  	(tag) =	ssettag $0x2  }
0x56: {  	s0 =	rddreg [dreg:$0x0];
	s2 =	stileid.u32  }
0x57: {  	s1 =	rddreg [dreg:$0x1];
	p0 =	sne.s32 s2, $0x0  }
0x58: {  	s3 =	rddreg [dreg:$0x2];
	[bflag:$0x3] =	sbarrier.arrive $0xFFFF;
	s2 =	simm.s32 @!p0 $0x1C03  }
0x59: {  	[timem:s3], [sflag:s2] =	dma.local @!p0 [hbm:s0], s1  }
0x5a: {  	s0 =	simm.s32 @!p0 $0x3  }
0x5b: {  	_ =	swait.ge @!p0 [sflag:s0], s1  }
0x5c: {  	s1 =	ssub.s32 @!p0 $0x0, s1;
	[sflag:s0] =	ssyncset.done @!p0 $0x0  }
0x5d: {  	[sflag:s0] =	ssyncadd.s32 @!p0 s1  }
0x5e: {  	[bflag:$0x3] =	sbarrier.arrive $0xFFFF  }
0x5f: {  	_ =	shalt  }

// kernel: kernel.47.cloned.1.call-start
scs
__scs_entry_jumppad:
0x0: {  	(pc) =	sbr.rel $0x88, $3  }
0x1: {  	(tag) =	ssettag $0x0;
	lr =	simm.s32 $0x1  }
0x2: {  	[smem:$0x3F98] =	sst lr;
	_ =	strace $0xD0000000  }
0x3: {  	_ = 	snop  }
0x4: {  	_ = 	snop  }
0x5: {  	_ = 	snop  }
0x6: {  	_ = 	snop  }
0x7: {  	_ = 	snop  }
__scs_overlays_trampoline_lowered:
0x8: {  	[smem:$0x3FA7] =	sst s0  }
0x9: {  	[smem:$0x3FA8] =	sst s1  }
0xa: {  	[smem:$0x3FA9] =	sst s2  }
0xb: {  	[smem:$0x3FAA] =	sst s3  }
0xc: {  	[smem:$0x3FAB] =	sst s4  }
0xd: {  	[smem:$0x3FAC] =	sst s5  }
0xe: {  	[smem:$0x3FAD] =	sst s6  }
0xf: {  	[smem:$0x3FAE] =	sst s7  }
0x10: {  	[smem:$0x3FAF] =	sst s8  }
0x11: {  	[smem:$0x3FB0] =	sst s9;
	s0 =	simm.s32 @!p0 $0x0  }
0x12: {  	s1 =	sld [smem:$0x3F96];
	s0 =	simm.s32 @p0 $0x1  }
0x13: {  	[smem:$0x3FB1] =	sst s0;
	s0 =	simm.s32 @!p1 $0x0  }
0x14: {  	s2 =	sld [smem:$0x3F95];
	s0 =	simm.s32 @p1 $0x1  }
0x15: {  	[smem:$0x3FB2] =	sst s0;
	s0 =	simm.s32 @!p2 $0x0  }
0x16: {  	s3 =	sld [smem:$0x3FDB];
	s0 =	simm.s32 @p2 $0x1  }
0x17: {  	s4 =	simm.s32 $0x1BF5;
	[smem:$0x3FB4] =	sst s0  }
0x18: {  	s0 =	sld [smem:$0x3F97];
	_ =	swait.ge [sflag:s4], $0x0  }
0x19: {  	s7 =	sld [smem:$0x3F98]  }
0x1a: {  	s8 =	sadd.s32 $0xFFFFE003, lr  }
0x1b: {  	s9 =	sadd.s32 $0xFFFFFEF7, lr;
	s5 =	simm.s32 $0xFFFFFFFF;
	p2 =	slt.u32 s8, $0xFFFFF086  }
0x1c: {  	p1 =	slt.u32 s9, $0xF7A;
	s5 =	simm.s32 @!p2 $0x0  }
0x1d: {  	s5 =	simm.s32 @p1 $0x1;
	p0 =	seq.s32 s7, s2  }
0x1e: {  	s7 =	smul.u32 @!p0 $0xF7A, s2;
	p2 =	seq.s32 @!p0 s5, $0x0  }
0x1f: {  	s9 =	smul.u32 $0xF7A, s1;
	s8 =	simm.s32 @!p0 $0x1BF5;
	p2 =	por !p2, p0  }
0x20: {  	[sflag:s8] =	ssyncset.s32 @!p0 $0xFFFFF086;
	s6 =	sadd.s32 @!p0 s3, s7;
	s7 =	simm.s32 @!p0 $0x108  }
0x21: {  	s3 =	sadd.s32 s3, s9;
	s6 =	sadd.s32 @!p0 $0x88, s6;
	s7 =	simm.s32 @p2 $0x1082  }
0x22: {  	[simem:s7], [sflag:s8] =	dma.local @!p0 [hbm:s6], $0xF7A  }
0x23: {  	s9 =	sor.u32 $0xD0000000, s2;
	s6 =	simm.s32 $0x108;
	_ =	swait.ge @!p0 [sflag:s8], $0x0  }
0x24: {  	s3 =	sadd.s32 $0x88, s3;
	s6 =	simm.s32 @!p1 $0x1082;
	[sflag:s4] =	ssyncset.s32 $0xFFFFF086  }
0x25: {  	[simem:s6], [sflag:s4] =	dma.local [hbm:s3], $0xF7A  }
0x26: {  	[smem:$0x3F98] =	sst s1;
	(tag) =	ssettag s2;
	_ =	strace s9  }
0x27: {  	s1 =	sld [smem:$0x3FA8]  }
0x28: {  	s2 =	sld [smem:$0x3FA9]  }
0x29: {  	s4 =	sld [smem:$0x3FAB]  }
0x2a: {  	p0 =	seq.s32 s5, $0x0;
	s5 =	sld [smem:$0x3FAC]  }
0x2b: {  	s6 =	sld [smem:$0x3FAD]  }
0x2c: {  	s7 =	sld [smem:$0x3FAE]  }
0x2d: {  	s3 =	simm.s32 $0x108;
	s8 =	sld [smem:$0x3FAF]  }
0x2e: {  	s3 =	simm.s32 @!p0 $0x1082;
	s9 =	sld [smem:$0x3FB0]  }
0x2f: {  	lr =	sadd.s32 s0, s3;
	s0 =	sld [smem:$0x3FA7]  }
0x30: {  	s3 =	sld [smem:$0x3FAA]  }
0x31: {  	[smem:$0x3FB3] =	sst s10  }
0x32: {  	s10 =	sld [smem:$0x3FB1];
	_ =	sdelay $0x3  }
0x33: {  	p0 =	seq.s32 s10, $0x1;
	s10 =	sld [smem:$0x3FB3];
	_ =	sdelay $0x3  }
0x34: {  	[smem:$0x3FB3] =	sst s10  }
0x35: {  	s10 =	sld [smem:$0x3FB2];
	_ =	sdelay $0x3  }
0x36: {  	p1 =	seq.s32 s10, $0x1;
	s10 =	sld [smem:$0x3FB3];
	_ =	sdelay $0x3  }
0x37: {  	[smem:$0x3FB3] =	sst s10  }
0x38: {  	s10 =	sld [smem:$0x3FB4]  }
0x39: {  	_ = 	snop;
	(pc) =	sbr.ind lr, $3  }
0x3a: {  	_ = 	snop  }
0x3b: {  	_ = 	snop  }
0x3c: {  	p2 =	seq.s32 s10, $0x1;
	s10 =	sld [smem:$0x3FB3]  }
0x3d: {  	_ =	shalt  }
0x3e: {  	_ =	shalt  }
0x3f: {  	_ =	shalt  }
0x40: {  	_ =	shalt  }
0x41: {  	_ =	shalt  }
0x42: {  	_ =	shalt  }
0x43: {  	_ =	shalt  }
0x44: {  	_ =	shalt  }
0x45: {  	_ =	shalt  }
0x46: {  	_ =	shalt  }
0x47: {  	_ =	shalt  }
0x48: {  	_ =	shalt  }
0x49: {  	_ =	shalt  }
0x4a: {  	_ =	shalt  }
0x4b: {  	_ =	shalt  }
0x4c: {  	_ =	shalt  }
0x4d: {  	_ =	shalt  }
0x4e: {  	_ =	shalt  }
0x4f: {  	_ =	shalt  }
0x50: {  	_ =	shalt  }
0x51: {  	_ =	shalt  }
0x52: {  	_ =	shalt  }
0x53: {  	_ =	shalt  }
0x54: {  	_ =	shalt  }
0x55: {  	_ =	shalt  }
0x56: {  	_ =	shalt  }
0x57: {  	_ =	shalt  }
0x58: {  	_ =	shalt  }
0x59: {  	_ =	shalt  }
0x5a: {  	_ =	shalt  }
0x5b: {  	_ =	shalt  }
0x5c: {  	_ =	shalt  }
0x5d: {  	_ =	shalt  }
0x5e: {  	_ =	shalt  }
0x5f: {  	_ =	shalt  }
0x60: {  	_ =	shalt  }
0x61: {  	_ =	shalt  }
0x62: {  	_ =	shalt  }
0x63: {  	_ =	shalt  }
0x64: {  	_ =	shalt  }
0x65: {  	_ =	shalt  }
0x66: {  	_ =	shalt  }
0x67: {  	_ =	shalt  }
0x68: {  	_ =	shalt  }
0x69: {  	_ =	shalt  }
0x6a: {  	_ =	shalt  }
0x6b: {  	_ =	shalt  }
0x6c: {  	_ =	shalt  }
0x6d: {  	_ =	shalt  }
0x6e: {  	_ =	shalt  }
0x6f: {  	_ =	shalt  }
0x70: {  	_ =	shalt  }
0x71: {  	_ =	shalt  }
0x72: {  	_ =	shalt  }
0x73: {  	_ =	shalt  }
0x74: {  	_ =	shalt  }
0x75: {  	_ =	shalt  }
0x76: {  	_ =	shalt  }
0x77: {  	_ =	shalt  }
0x78: {  	_ =	shalt  }
0x79: {  	_ =	shalt  }
0x7a: {  	_ =	shalt  }
0x7b: {  	_ =	shalt  }
0x7c: {  	_ =	shalt  }
0x7d: {  	_ =	shalt  }
0x7e: {  	_ =	shalt  }
0x7f: {  	_ =	shalt  }
0x80: {  	_ =	shalt  }
0x81: {  	_ =	shalt  }
0x82: {  	_ =	shalt  }
0x83: {  	_ =	shalt  }
0x84: {  	_ =	shalt  }
0x85: {  	_ =	shalt  }
0x86: {  	_ =	shalt  }
0x87: {  	_ =	shalt  }
.Lfunc_end0:
.L_simem_size_0:
called_computation.7_lowered:
.L_overlay_start_0:
0x88: {  	s2 =	sld [smem:$0x3FD9]  }
0x89: {  	s3 =	sld [smem:$0x3FFE];
	_ =	sdelay $0x1  }
0x8a: {  	s1 =	srdreg.scid  }
0x8b: {  	s0 =	sand.u32 $0x1, s1  }
0x8c: {  	s17 =	sshll.u32 s0, $0xA;
	s2 =	sadd.s32 s3, s2  }
0x8d: {  	s2 =	sadd.s32 s2, s17  }
0x8e: {  	[smem:$0x3FBF] =	sst s2  }
0x8f: {  	_ = 	snop  }
0x90: {  	s18 =	sld [smem:$0x3FD0];
	(tm) =	ssettm $0x1  }
0x91: {  	s19 =	sld [smem:$0x3FFB];
	_ =	sdelay $0x3  }
0x92: {  	_ =	strace s19  }
0x93: {  	s2 =	sld [smem:$0x3FFC];
	_ =	sdelay $0x3  }
0x94: {  	_ =	strace s2  }
0x95: {  	s2 =	sld [smem:$0x3FFD];
	_ =	sdelay $0x3  }
0x96: {  	_ =	strace s2  }
0x97: {  	_ =	strace $0x8FFFFFFF  }
0x98: {  	s20 =	sld [smem:$0x3FDB];
	_ =	sdelay $0x1  }
0x99: {  	s4 =	simm.s32 $_scs_section_size  }
0x9a: {  	s5 =	simm.s32 $_size__tile_overlayer_lowered;
	s6 =	simm.s32 $_tile_overlayer_lowered  }
0x9b: {  	s7 =	simm.s32 $0x1BFF;
	s21 =	sshll.u32 s6, $0x1;
	s4 =	sadd.s32 s4, s20  }
0x9c: {  	s22 =	simm.s32 $0x0;
	s5 =	sshll.u32 s5, $0x1;
	s6 =	sadd.s32 s21, s4  }
0x9d: {  	[timem:s22], [sflag:s7] =	dma.local [hbm:s6], s5  }
0x9e: {  	_ =	swait.ge [sflag:s7], s5  }
0x9f: {  	s5 =	ssub.s32 $0x0, s5;
	[sflag:s7] =	ssyncset.done $0x0  }
0xa0: {  	[sflag:s7] =	ssyncadd.s32 s5;
	_ =	sdelay $0x1  }
0xa1: {  	s23 =	simm.s32 $0x1B8B  }
0xa2: {  	_ =	swait.ge [sflag:s23], $0x1  }
0xa3: {  	[sflag:s23] =	ssyncset.done $0x0  }
0xa4: {  	[sflag:s23] =	ssyncadd.s32 $0xFFFFFFFF  }
0xa5: {  	s5 =	sld [smem:$0x0]  }
0xa6: {  	s6 =	sand.u32 $0xFFFFFFFE, s1  }
0xa7: {  	p0 =	sne.s32 s1, s6  }
0xa8: {  	s6 =	sshll.u32 @p0 s6, $0xE  }
0xa9: {  	s6 =	sadd.s32 @p0 $0x11B8D, s6;
	s7 =	sshll.u32 @p0 s5, $0x11  }
0xaa: {  	s6 =	sor.u32 @p0 s7, s6  }
0xab: {  	[sflag:s6] =	ssyncadd.remote.s32 @p0 $0x1;
	_ =	sdelay $0x1  }
0xac: {  	s6 =	simm.s32 @p0 $0x1B8D  }
0xad: {  	_ =	swait.eq @p0 [sflag:s6], $0x1  }
0xae: {  	[sflag:s6] =	ssyncadd.s32 @p0 $0xFFFFFFFF  }
0xaf: {  	s7 =	sshll.u32 @!p0 s1, $0xE  }
0xb0: {  	s7 =	sor.u32 @!p0 $0x4000, s7;
	s6 =	simm.s32 @!p0 $0x1B8D  }
0xb1: {  	s5 =	sshll.u32 @!p0 s5, $0x11;
	s7 =	sadd.s32 @!p0 $0x11B8D, s7;
	_ =	swait.eq @!p0 [sflag:s6], $0x1  }
0xb2: {  	s5 =	sor.u32 @!p0 s5, s7;
	[sflag:s6] =	ssyncadd.s32 @!p0 $0xFFFFFFFF  }
0xb3: {  	s25 =	simm.s32 $0x1B8E;
	s24 =	sld [smem:$0x3FFE];
	[sflag:s5] =	ssyncadd.remote.s32 @!p0 $0x1  }
0xb4: {  	s26 =	simm.s32 $execute0_lowered;
	[smem:$0x3FD2] =	sst s25  }
0xb5: {  	s6 =	sshll.u32 s26, $0x1;
	_ =	strace $0x80000058;
	[dreg:$0x1] =	wrdreg $0xFFFFFFFF  }
0xb6: {  	s28 =	simm.s32 $_size_execute0_lowered;
	s4 =	sadd.s32 s4, s6;
	[dreg:$0x0] =	wrdreg $0x0  }
0xb7: {  	s6 =	sshll.u32 s28, $0x1;
	[dreg:$0x2] =	wrdreg s4  }
0xb8: {  	[dreg:$0x3] =	wrdreg s6  }
0xb9: {  	[dreg:$0x4] =	wrdreg $0xC0  }
0xba: {  	_ =	task [dreg:s22], $0x5FFFF  }
0xbb: {  	[dreg:$0x1] =	wrdreg $0xFFFFFFFF  }
0xbc: {  	[dreg:$0x0] =	wrdreg $0x60  }
0xbd: {  	[dreg:$0x2] =	wrdreg s18  }
0xbe: {  	[dreg:$0x3] =	wrdreg s24  }
0xbf: {  	[dreg:$0x4] =	wrdreg $0x10  }
0xc0: {  	_ =	task.clear_ibuf [dreg:s22], $0x5FFFF;
	_ =	strace $0x90000058  }
0xc1: {  	s29 =	simm.s32 $0x10;
	_ =	strace $0x8000005A  }
0xc2: {  	_ =	swait.ge [sflag:s29], $0x1  }
0xc3: {  	[sflag:s29] =	ssyncadd.s32 $0xFFFFFFFF  }
0xc4: {  	_ =	strace $0x9000005A  }
0xc5: {  	_ =	sfence  }
0xc6: {  	s30 =	sld [smem:$0x0];
	_ =	sdelay $0x2  }
0xc7: {  	s31 =	sshll.u32 s1, $0xD;
	s1 =	sshrl.u32 s1, $0x2  }
0xc8: {  	s4 =	sand.u32 $0x4000, s31;
	s1 =	sadd.s32 s1, s30  }
0xc9: {  	s0 =	sor.u32 s4, s0;
	s1 =	sshll.u32 s1, $0x11  }
0xca: {  	s0 =	sor.u32 s1, s0  }
0xcb: {  	s0 =	sadd.s32 $0x8F2B, s0  }
0xcc: {  	[sflag:s0] =	ssyncadd.remote.s32 $0x1  }
0xcd: {  	_ =	sfence.sel $0xFFFF  }
0xce: {  	[dreg:$0x0] =	wrdreg $0xFFFFFFFF;
	(pc) =	sbr.abs _section_cstart, $3  }
0xcf: {  	[dreg:$0x1] =	wrdreg $0xFFFFFFFF  }
0xd0: {  	_ =	task.clear_ibuf [dreg:s22], $0x2FFFF;
	_ =	strace $0x9FFFFFFF  }
0xd1: {  	(tm) =	ssettm $0x7FFFFFFF  }
tec
execute0_lowered:
.L_overlay_start_1:
0x0: {  	(tag) =	ssettag $0x1  }
0x1: {  	s1 =	rddreg [dreg:$0x0]  }
0x2: {  	s5 =	rddreg [dreg:$0x1]  }
0x3: {  	s0 =	rddreg [dreg:$0x2]  }
0x4: {  	s4 =	srdreg.scid;
	s3 =	simm.s32 $0x0;
	s2 =	stileid.u32  }
0x5: {  	s12 =	simm.s32 $0x1;
	s13 =	simm.s32 $0x2;
	s14 =	simm.s32 $0x0  }
0x6: {  	s6 =	sand.u32 $0x1, s4;
	[smem:$0x7FF] =	sst s3;
	s28 =	sshll.u32 s2, $0xC  }
0x7: {  	s4 =	sadd.s32 $0x9C00, s5;
	s8 =	sshll.u32 s2, $0xF;
	s30 =	sshll.u32 s2, $0xD  }
0x8: {  	s7 =	sshll.u32 s6, $0xB;
	_ =	strace $0x80000059;
	s29 =	sadd.s32 s8, s5  }
0x9: {  	s31 =	ssub.s32 $0x2, s6;
	s10 =	sshll.u32 s6, $0xC;
	s7 =	sor.u32 s7, s28  }
0xa: {  	s6 =	sshll.u32 s6, $0xE;
	s11 =	sshrl.u32 s31, $0x1;
	s7 =	sshrl.u32 s7, $0x3  }
0xb: {  	s8 =	ssub.s32 s31, s11;
	s11 =	simm.s32 $0x2080;
	s9 =	sadd.s32 s7, s5  }
0xc: {  	s5 =	sadd.s32 s30, s5;
	s7 =	sadd.s32 s6, s29;
	s6 =	smax.u32 s8, $0x1  }
0xd: {  	s5 =	sadd.s32 s10, s5;
	s7 =	sadd.s32 $0x3DFC00, s7;
	s8 =	sadd.s32 $0x1DC00, s9  }
0xe: {  	s9 =	simm.s32 $0x3;
	s10 =	simm.s32 $0x80;
	s5 =	sadd.s32 $0x45FC00, s5  }
.LBB2_1:
0xf: {  	s15 =	sadd.s32 $0x0, s8  }
0x10: {  	[tilespmem:s3], [sflag:$0x3] =	stream.linear.gather [hbm4b:s15+s3], $0x80, $0x38;
	[tilespmem:$0x2880] =	vst v63  }
0x11: {  	_ =	swait.ge [sflag:s9], $0x80  }
0x12: {  	[sflag:s9] =	ssyncset.done $0x0  }
0x13: {  	[sflag:s9] =	ssyncadd.s32 $0xFFFFFF80  }
0x14: {  	[tilespmem:s10], [sflag:$0x1] =	stream.indirect.gather [hbm4b:s1+s10], $0x40, s3, s10, $0xb8;
	[tilespmem:$0x2880] =	vst v63  }
0x15: {  	_ = 	snop  }
0x16: {  	[tilespmem:s11], [sflag:$0x2] =	stream.indirect.gather [hbm4b:s4+s10], $0x10, s3, s10, $0xb8;
	[tilespmem:$0x2880] =	vst v63  }
0x17: {  	_ =	swait.ge [sflag:s12], $0x2000  }
0x18: {  	[sflag:s12] =	ssyncset.done $0x0  }
0x19: {  	[sflag:s12] =	ssyncadd.s32 $0xFFFFE000  }
0x1a: {  	_ =	swait.ge [sflag:s13], $0x800  }
0x1b: {  	[sflag:s13] =	ssyncset.done $0x0  }
0x1c: {  	[sflag:s13] =	ssyncadd.s32 $0xFFFFF800  }
0x1d: {  	[hbm4b:s7+s3] =	stream.linear.scatter [tilespmem:s10], [sflag:$0x3], $0x2000, $0x38;
	[tilespmem:$0x2880] =	vst v63  }
0x1e: {  	_ =	swait.ge [sflag:s9], $0x2000  }
0x1f: {  	[sflag:s9] =	ssyncset.done $0x0  }
0x20: {  	[sflag:s9] =	ssyncadd.s32 $0xFFFFE000  }
0x21: {  	[hbm4b:s5+s3] =	stream.linear.scatter [tilespmem:s11], [sflag:$0x3], $0x800, $0x38;
	[tilespmem:$0x2880] =	vst v63  }
0x22: {  	s17 =	simm.s32 $0x10;
	s18 =	simm.s32 $0x20;
	_ =	swait.ge [sflag:s9], $0x800  }
0x23: {  	s16 =	sadd.s32 $0x400, s7;
	s15 =	sadd.s32 $0x100, s5;
	[sflag:s9] =	ssyncset.done $0x0  }
.LBB2_2:
0x24: {  	s19 =	sadd.s32 s17, s8  }
0x25: {  	[sflag:s9] =	ssyncadd.s32 $0xFFFFF800;
	s17 =	smov.u32 s18;
	s20 =	sadd.s32 $0x10, s18  }
0x26: {  	[tilespmem:s3], [sflag:$0x3] =	stream.linear.gather [hbm4b:s19+s3], $0x80, $0x38;
	[tilespmem:$0x2880] =	vst v63  }
0x27: {  	p0 =	sne.s32 s18, $0xF0;
	_ =	swait.ge [sflag:s9], $0x80  }
0x28: {  	[sflag:s9] =	ssyncset.done $0x0  }
0x29: {  	[sflag:s9] =	ssyncadd.s32 $0xFFFFFF80  }
0x2a: {  	[tilespmem:s10], [sflag:$0x1] =	stream.indirect.gather [hbm4b:s1+s10], $0x40, s3, s10, $0xb8;
	[tilespmem:$0x2880] =	vst v63  }
0x2b: {  	_ = 	snop  }
0x2c: {  	[tilespmem:s11], [sflag:$0x2] =	stream.indirect.gather [hbm4b:s4+s10], $0x10, s3, s10, $0xb8;
	[tilespmem:$0x2880] =	vst v63  }
0x2d: {  	_ =	swait.ge [sflag:s12], $0x2000  }
0x2e: {  	[sflag:s12] =	ssyncset.done $0x0  }
0x2f: {  	[sflag:s12] =	ssyncadd.s32 $0xFFFFE000  }
0x30: {  	_ =	swait.ge [sflag:s13], $0x800  }
0x31: {  	[sflag:s13] =	ssyncset.done $0x0  }
0x32: {  	[sflag:s13] =	ssyncadd.s32 $0xFFFFF800  }
0x33: {  	[hbm4b:s16+s3] =	stream.linear.scatter [tilespmem:s10], [sflag:$0x3], $0x2000, $0x38;
	[tilespmem:$0x2880] =	vst v63  }
0x34: {  	_ =	swait.ge [sflag:s9], $0x2000  }
.Ltmp0:
0x35: {  	[sflag:s9] =	ssyncset.done $0x0;
	(pc) =	sbr.rel @p0 .LBB2_2-.Ltmp0, $4  }
0x36: {  	[sflag:s9] =	ssyncadd.s32 $0xFFFFE000  }
0x37: {  	[hbm4b:s15+s3] =	stream.linear.scatter [tilespmem:s11], [sflag:$0x3], $0x800, $0x38;
	[tilespmem:$0x2880] =	vst v63  }
0x38: {  	s18 =	smov.u32 s20;
	_ =	swait.ge [sflag:s9], $0x800  }
0x39: {  	s16 =	sadd.s32 $0x400, s16;
	s15 =	sadd.s32 $0x100, s15;
	[sflag:s9] =	ssyncset.done $0x0  }
0x3a: {  	s17 =	sadd.s32 s17, s8;
	[sflag:s9] =	ssyncadd.s32 $0xFFFFF800  }
0x3b: {  	[tilespmem:s3], [sflag:$0x3] =	stream.linear.gather [hbm4b:s17+s3], $0x80, $0x38;
	[tilespmem:$0x2880] =	vst v63  }
0x3c: {  	_ =	swait.ge [sflag:s9], $0x80  }
0x3d: {  	[sflag:s9] =	ssyncset.done $0x0  }
0x3e: {  	[sflag:s9] =	ssyncadd.s32 $0xFFFFFF80  }
0x3f: {  	[tilespmem:s10], [sflag:$0x1] =	stream.indirect.gather [hbm4b:s1+s10], $0x40, s3, s10, $0xb8;
	[tilespmem:$0x2880] =	vst v63  }
0x40: {  	_ = 	snop  }
0x41: {  	[tilespmem:s11], [sflag:$0x2] =	stream.indirect.gather [hbm4b:s4+s10], $0x10, s3, s10, $0xb8;
	[tilespmem:$0x2880] =	vst v63  }
0x42: {  	_ =	swait.ge [sflag:s12], $0x2000  }
0x43: {  	[sflag:s12] =	ssyncset.done $0x0  }
0x44: {  	[sflag:s12] =	ssyncadd.s32 $0xFFFFE000  }
0x45: {  	_ =	swait.ge [sflag:s13], $0x800  }
0x46: {  	[sflag:s13] =	ssyncset.done $0x0  }
0x47: {  	[sflag:s13] =	ssyncadd.s32 $0xFFFFF800  }
0x48: {  	[hbm4b:s16+s3] =	stream.linear.scatter [tilespmem:s10], [sflag:$0x3], $0x2000, $0x38;
	[tilespmem:$0x2880] =	vst v63  }
0x49: {  	s14 =	sadd.s32 $0x1, s14;
	_ =	swait.ge [sflag:s9], $0x2000  }
0x4a: {  	p0 =	sne.s32 s14, s6;
	[sflag:s9] =	ssyncset.done $0x0  }
.Ltmp1:
0x4b: {  	[sflag:s9] =	ssyncadd.s32 $0xFFFFE000;
	(pc) =	sbr.rel @p0 .LBB2_1-.Ltmp1, $4  }
0x4c: {  	[hbm4b:s15+s3] =	stream.linear.scatter [tilespmem:s11], [sflag:$0x3], $0x800, $0x38;
	[tilespmem:$0x2880] =	vst v63  }
0x4d: {  	_ =	swait.ge [sflag:s9], $0x800  }
0x4e: {  	[sflag:s9] =	ssyncset.done $0x0  }
0x4f: {  	[sflag:s9] =	ssyncadd.s32 $0xFFFFF800  }
0x50: {  	_ =	sfence.sel $0x180000  }
0x51: {  	[bflag:$0x0] =	sbarrier.arrive $0xFFFF  }
0x52: {  	p0 =	sne.s32 s2, $0x0;
	_ =	strace $0x90000059  }
0x53: {  	s0 =	sadd.s32 @!p0 $0x100000, s0;
	[bflag:$0x2] =	sbarrier.arrive $0xFFFF  }
0x54: {  	[sflag:s0] =	ssyncadd.tile.s32 @!p0 $0x1;
	_ =	shalt  }
.Lfunc_end2:
_tile_overlayer_lowered:
.L_overlay_start_2:
0x55: {  	(tag) =	ssettag $0x2  }
0x56: {  	s0 =	rddreg [dreg:$0x0];
	s2 =	stileid.u32  }
0x57: {  	s1 =	rddreg [dreg:$0x1];
	p0 =	sne.s32 s2, $0x0  }
0x58: {  	s3 =	rddreg [dreg:$0x2];
	[bflag:$0x3] =	sbarrier.arrive $0xFFFF;
	s2 =	simm.s32 @!p0 $0x1C03  }
0x59: {  	[timem:s3], [sflag:s2] =	dma.local @!p0 [hbm:s0], s1  }
0x5a: {  	s0 =	simm.s32 @!p0 $0x3  }
0x5b: {  	_ =	swait.ge @!p0 [sflag:s0], s1  }
0x5c: {  	s1 =	ssub.s32 @!p0 $0x0, s1;
	[sflag:s0] =	ssyncset.done @!p0 $0x0  }
0x5d: {  	[sflag:s0] =	ssyncadd.s32 @!p0 s1  }
0x5e: {  	[bflag:$0x3] =	sbarrier.arrive $0xFFFF  }
0x5f: {  	_ =	shalt  }

</sc_bundles>
